<compile_context>
chip_gen: v7x
topology: tpu7x:2x2x1
jax: 0.10.2.dev20260603
libtpu: 0.0.44.dev20260713+nightly
codegen_flags: <defaults>
</compile_context>

<pallas_src>
import functools

import jax
import jax.numpy as jnp
from jax import lax
from jax.experimental import pallas as pl
from jax.experimental.pallas import tpu as pltpu
from jax.experimental.pallas import tpu_sc as plsc

T = 2048
H = 768
F = 1280
E = 12
GATE = 4
BLK = 256
NB = T * 2 // BLK + E
PAD = NB * BLK
NTILES = 32
TPT = T // NTILES
PPT = 2 * T // NTILES
CH = 256
L = 16


def _router_body(h_ref, gw_ref, posa_ref, posb_ref, wa_ref, wb_ref, be_ref):
    h = h_ref[...]
    nt = (((1,), (1,)), ((), ()))
    logits = lax.dot_general(h, gw_ref[0], nt,
                             preferred_element_type=jnp.float32)
    iota_e = lax.broadcasted_iota(jnp.int32, (T, E), 1)
    m1 = jnp.max(logits, axis=1, keepdims=True)
    a1 = jnp.min(jnp.where(logits >= m1, iota_e, E), axis=1, keepdims=True)
    oh1 = iota_e == a1
    l2 = jnp.where(oh1, jnp.float32(-1e30), logits)
    m2 = jnp.max(l2, axis=1, keepdims=True)
    a2 = jnp.min(jnp.where(l2 >= m2, iota_e, E), axis=1, keepdims=True)
    oh2 = iota_e == a2
    wa = 1.0 / (1.0 + jnp.exp(m2 - m1))
    wa_ref[...] = wa.reshape(T)
    wb_ref[...] = (1.0 - wa).reshape(T)

    ohc = oh1.astype(jnp.float32) + oh2.astype(jnp.float32)
    r = lax.broadcasted_iota(jnp.int32, (CH, CH), 0)
    c = lax.broadcasted_iota(jnp.int32, (CH, CH), 1)
    stril = (c < r).astype(jnp.float32)
    parts = []
    run = jnp.zeros((1, E), jnp.float32)
    for k in range(T // CH):
        blk = lax.slice(ohc, (k * CH, 0), ((k + 1) * CH, E))
        parts.append(jnp.dot(stril, blk, preferred_element_type=jnp.float32) + run)
        run = run + jnp.sum(blk, axis=0, keepdims=True)
    excl = jnp.concatenate(parts, axis=0)
    counts = run.astype(jnp.int32)
    pc = ((counts + (BLK - 1)) // BLK) * BLK
    rr = lax.broadcasted_iota(jnp.int32, (E, E), 0)
    cc = lax.broadcasted_iota(jnp.int32, (E, E), 1)
    striu = (rr < cc).astype(jnp.float32)
    po = jnp.dot(pc.astype(jnp.float32), striu,
                 preferred_element_type=jnp.float32)
    posf = excl + po
    posa_ref[...] = jnp.sum(jnp.where(oh1, posf, 0.0), axis=1).astype(jnp.int32)
    posb_ref[...] = jnp.sum(jnp.where(oh2, posf, 0.0), axis=1).astype(jnp.int32)
    total = jnp.sum(pc)
    sb = jnp.minimum(lax.broadcasted_iota(jnp.int32, (NB, 1), 0) * BLK,
                     total - 1)
    be_ref[...] = (jnp.sum((po.astype(jnp.int32) <= sb).astype(jnp.int32),
                           axis=1) - 1)


_router = pl.pallas_call(
    _router_body,
    grid=(1,),
    in_specs=[
        pl.BlockSpec((T, H), lambda i: (0, 0)),
        pl.BlockSpec((1, E, H), lambda i: (GATE, 0, 0)),
    ],
    out_specs=(
        pl.BlockSpec((T,), lambda i: (0,)),
        pl.BlockSpec((T,), lambda i: (0,)),
        pl.BlockSpec((T,), lambda i: (0,)),
        pl.BlockSpec((T,), lambda i: (0,)),
        pl.BlockSpec((NB,), lambda i: (0,)),
    ),
    out_shape=(
        jax.ShapeDtypeStruct((T,), jnp.int32),
        jax.ShapeDtypeStruct((T,), jnp.int32),
        jax.ShapeDtypeStruct((T,), jnp.float32),
        jax.ShapeDtypeStruct((T,), jnp.float32),
        jax.ShapeDtypeStruct((NB,), jnp.int32),
    ),
)


@functools.cache
def _sc_mesh():
    return plsc.VectorSubcoreMesh(core_axis_name="c", subcore_axis_name="s")


@functools.cache
def _scatter_kernel():
    return pl.kernel(
        _scatter_body,
        mesh=_sc_mesh(),
        out_type=jax.ShapeDtypeStruct((PAD, H), jnp.float32),
        scratch_types=[
            pltpu.VMEM((PPT,), jnp.int32),
            pltpu.VMEM((PPT, H), jnp.float32),
            pltpu.SemaphoreType.DMA,
            pltpu.SemaphoreType.DMA,
        ],
        compiler_params=pltpu.CompilerParams(needs_layout_passes=False),
    )


def _scatter_body(h_hbm, posa_hbm, posb_hbm, hs_hbm, idx_v, buf_v, sem, sem2):
    wid = lax.axis_index("s") * 2 + lax.axis_index("c")
    half = wid & (NTILES // 2 - 1)
    cp_rows = pltpu.async_copy(h_hbm.at[pl.ds(half * PPT, PPT)], buf_v, sem)
    @pl.when(wid < NTILES // 2)
    def _():
        pltpu.sync_copy(posa_hbm.at[pl.ds(half * PPT, PPT)], idx_v)

    @pl.when(wid >= NTILES // 2)
    def _():
        pltpu.sync_copy(posb_hbm.at[pl.ds(half * PPT, PPT)], idx_v)

    cp_rows.wait()
    pltpu.async_copy(buf_v, hs_hbm.at[idx_v], sem2).wait()


def _ffn_body(be_ref, h_ref, w1_ref, w3_ref, w2_ref, y_ref):
    del be_ref
    h = h_ref[...].astype(jnp.bfloat16)
    w1 = w1_ref[0].astype(jnp.bfloat16)
    w3 = w3_ref[0].astype(jnp.bfloat16)
    w2 = w2_ref[0].astype(jnp.bfloat16)
    nt = (((1,), (1,)), ((), ()))
    f1 = lax.dot_general(h, w1, nt, preferred_element_type=jnp.float32)
    f3 = lax.dot_general(h, w3, nt, preferred_element_type=jnp.float32)
    z = f1 * f3
    x = z / (1.0 + jnp.exp(-z))
    y_ref[...] = lax.dot_general(x.astype(jnp.bfloat16), w2, nt,
                                 preferred_element_type=jnp.float32)


_ffn = pl.pallas_call(
    _ffn_body,
    grid_spec=pltpu.PrefetchScalarGridSpec(
        num_scalar_prefetch=1,
        grid=(NB,),
        in_specs=[
            pl.BlockSpec((BLK, H), lambda i, be: (i, 0)),
            pl.BlockSpec((1, F, H), lambda i, be: (be[i], 0, 0)),
            pl.BlockSpec((1, F, H), lambda i, be: (be[i], 0, 0)),
            pl.BlockSpec((1, H, F), lambda i, be: (be[i], 0, 0)),
        ],
        out_specs=pl.BlockSpec((BLK, H), lambda i, be: (i, 0)),
    ),
    out_shape=jax.ShapeDtypeStruct((PAD, H), jnp.float32),
)


@functools.cache
def _combine_kernel():
    return pl.kernel(
        _combine_body,
        mesh=_sc_mesh(),
        out_type=jax.ShapeDtypeStruct((T, H), jnp.float32),
        scratch_types=[
            pltpu.VMEM((TPT,), jnp.int32),
            pltpu.VMEM((TPT,), jnp.int32),
            pltpu.VMEM((TPT,), jnp.float32),
            pltpu.VMEM((TPT,), jnp.float32),
            pltpu.VMEM((TPT, H), jnp.float32),
            pltpu.VMEM((TPT, H), jnp.float32),
            pltpu.SemaphoreType.DMA,
        ],
        compiler_params=pltpu.CompilerParams(needs_layout_passes=False),
    )


def _combine_body(y_hbm, posa_hbm, posb_hbm, wa_hbm, wb_hbm, out_hbm,
                  ia_v, ib_v, wa_v, wb_v, bufa_v, bufb_v, sem):
    wid = lax.axis_index("s") * 2 + lax.axis_index("c")
    bt = wid * TPT
    pltpu.sync_copy(posa_hbm.at[pl.ds(bt, TPT)], ia_v)
    pltpu.sync_copy(posb_hbm.at[pl.ds(bt, TPT)], ib_v)
    cpa = pltpu.async_copy(y_hbm.at[ia_v], bufa_v, sem)
    cpb = pltpu.async_copy(y_hbm.at[ib_v], bufb_v, sem)
    pltpu.sync_copy(wa_hbm.at[pl.ds(bt, TPT)], wa_v)
    pltpu.sync_copy(wb_hbm.at[pl.ds(bt, TPT)], wb_v)
    cpa.wait()
    cpb.wait()

    @plsc.parallel_loop(0, TPT, 1, unroll=2)
    def _(t):
        tsplat = jnp.full((L,), t, jnp.int32)
        wav = plsc.load_gather(wa_v, [tsplat])
        wbv = plsc.load_gather(wb_v, [tsplat])
        for j in range(H // L):
            sl = pl.ds(j * L, L)
            bufa_v[t, sl] = bufa_v[t, sl] * wav + bufb_v[t, sl] * wbv

    pltpu.sync_copy(bufa_v, out_hbm.at[pl.ds(bt, TPT)])


def kernel(hidden_states, gate_w, w1, w3, w2):
    h = hidden_states.reshape(T, H)
    posa, posb, wa, wb, be = _router(h, gate_w)
    hs = _scatter_kernel()(h, posa, posb)
    y = _ffn(be, hs, w1, w3, w2)
    out = _combine_kernel()(y, posa, posb, wa, wb)
    return out.reshape(1, T, H)

# --- scband reference (transcript-rebuilt; emitter-appended) ---
"""Pipeline reference for scband-moe-block-rs-54589034332239 (READ-ONLY COPY).

The authoritative reference and input builder live on the scoring server;
editing this copy changes nothing except your own understanding.
"""

import jax, jax.numpy as jnp
import numpy as np

B, S, HID = 1, 2048, 768
FFN = 1280
NUM_EXPERTS = 12
TOP_K = 2
NUM_CLUSTER = 5
# forward_count/cluster_index_count are 0 at call time, so gate_index = cluster_index_list[0-1] = cluster_index_list[-1] = 4
GATE_IDX = 4


def setup_inputs(seed: int = 0) -> dict:
    key = jax.random.key(seed)
    ks = jax.random.split(key, 5)
    hidden_states = jax.random.normal(ks[0], (B, S, HID), dtype=jnp.float32)
    # gate weights: 5 gates, each nn.Linear(HID, NUM_EXPERTS, bias=False) -> W [E, HID]
    gate_w = jax.random.normal(ks[1], (NUM_CLUSTER, NUM_EXPERTS, HID), dtype=jnp.float32) * 0.02
    # expert weights: f1/f3 are Linear(HID, FFN) -> [FFN, HID]; f2 is Linear(FFN, HID) -> [HID, FFN]
    w1 = jax.random.normal(ks[2], (NUM_EXPERTS, FFN, HID), dtype=jnp.float32) * 0.02
    w3 = jax.random.normal(ks[3], (NUM_EXPERTS, FFN, HID), dtype=jnp.float32) * 0.02
    w2 = jax.random.normal(ks[4], (NUM_EXPERTS, HID, FFN), dtype=jnp.float32) * 0.02
    return {"hidden_states": hidden_states, "gate_w": gate_w, "w1": w1, "w3": w3, "w2": w2}


def reference(hidden_states, gate_w, w1, w3, w2):
    b, s, h_dim = hidden_states.shape
    h = hidden_states.reshape(-1, h_dim)  # [T, H]
    # all batch rows use the same gate (cluster_index_count never changes during forward)
    logits = h @ gate_w[GATE_IDX].T  # [T, E]
    rw = jax.nn.softmax(logits, axis=-1)
    top_w, sel = jax.lax.top_k(rw, TOP_K)  # [T, K]
    top_w = top_w / jnp.sum(top_w, axis=-1, keepdims=True)
    # combine weight per (token, expert); zero for unselected experts
    onehot = jax.nn.one_hot(sel, NUM_EXPERTS, dtype=h.dtype)  # [T, K, E]
    comb = jnp.einsum('tk,tke->te', top_w, onehot)  # [T, E]
    # experts: SiLU(f1(h) * f3(h)) @ f2
    f1 = jnp.einsum('th,efh->etf', h, w1)
    f3 = jnp.einsum('th,efh->etf', h, w3)
    x = jax.nn.silu(f1 * f3)
    y = jnp.einsum('etf,ehf->eth', x, w2)  # [E, T, H]
    out = jnp.einsum('eth,te->th', y, comb)  # scatter-add combine (weight 0 => no contribution)
    return out.reshape(b, s, h_dim)

if __name__ == "__main__":
    import jax
    _d = setup_inputs()
    print(jax.jit(kernel)(*tuple(_d.values())))

</pallas_src>

<mosaic_0001>
#map = affine_map<(d0, d1) -> (0, 0)>
#map1 = affine_map<(d0, d1) -> (0)>
module attributes {stable_mosaic.version = 14 : i64} {
  func.func @_combine_body(%arg0: i32, %arg1: i32, %arg2: memref<7168x768xf32, #tpu.memory_space<hbm>>, %arg3: memref<2048xi32, #tpu.memory_space<hbm>>, %arg4: memref<2048xi32, #tpu.memory_space<hbm>>, %arg5: memref<2048xf32, #tpu.memory_space<hbm>>, %arg6: memref<2048xf32, #tpu.memory_space<hbm>>, %arg7: memref<2048x768xf32, #tpu.memory_space<hbm>>, %arg8: memref<64xi32, #tpu.memory_space<vmem>>, %arg9: memref<64xi32, #tpu.memory_space<vmem>>, %arg10: memref<64xf32, #tpu.memory_space<vmem>>, %arg11: memref<64xf32, #tpu.memory_space<vmem>>, %arg12: memref<64x768xf32, #tpu.memory_space<vmem>>, %arg13: memref<64x768xf32, #tpu.memory_space<vmem>>, %arg14: memref<!tpu.dma_semaphore, #tpu.memory_space<semaphore_mem>>) attributes {dimension_semantics = [#tpu.dimension_semantics<core_parallel>, #tpu.dimension_semantics<subcore_parallel>], iteration_bounds = array<i64: 2, 16>, scalar_prefetch = 0 : i64, scratch_operands = 7 : i64, tpu.core_type = #tpu.core_type<sc_vector_subcore>, window_params = [{transform_indices = #map}, {transform_indices = #map1}, {transform_indices = #map1}, {transform_indices = #map1}, {transform_indices = #map1}, {transform_indices = #map}]} {
    %mul3A = arith.constant 2 : i32
    %mul3A_0 = arith.muli %arg1, %mul3A : i32
    %add3A = arith.addi %mul3A_0, %arg0 : i32
    %mul3A_1 = arith.constant 64 : i32
    %mul3A_2 = arith.muli %add3A, %mul3A_1 : i32
    "tpu.region"() ({
      %run_scoped3A = tpu.sem_alloc : memref<!tpu.dma_semaphore, #tpu.memory_space<semaphore_mem>>
      %dma_start3A_15 = tpu.memref_slice %arg3[%mul3A_2] : memref<2048xi32, #tpu.memory_space<hbm>> -> memref<64xi32, #tpu.memory_space<hbm>>
      %dma_start3A_16 = tpu.memref_slice %arg3[%mul3A_2] : memref<2048xi32, #tpu.memory_space<hbm>> -> memref<64xi32, #tpu.memory_space<hbm>>
      tpu.enqueue_dma source(%dma_start3A_16 : memref<64xi32, #tpu.memory_space<hbm>>) target(%arg8 : memref<64xi32, #tpu.memory_space<vmem>>) target_semaphore(%run_scoped3A : memref<!tpu.dma_semaphore, #tpu.memory_space<semaphore_mem>>)
      %dma_wait3A_17 = tpu.memref_slice %arg3[%mul3A_2] : memref<2048xi32, #tpu.memory_space<hbm>> -> memref<64xi32, #tpu.memory_space<hbm>>
      %dma_wait3A_18 = tpu.memref_slice %arg3[%mul3A_2] : memref<2048xi32, #tpu.memory_space<hbm>> -> memref<64xi32, #tpu.memory_space<hbm>>
      tpu.wait_dma2 semaphore(%run_scoped3A : memref<!tpu.dma_semaphore, #tpu.memory_space<semaphore_mem>>) src(%dma_wait3A_18 : memref<64xi32, #tpu.memory_space<hbm>>) dst(%arg8 : memref<64xi32, #tpu.memory_space<vmem>>)
      tpu.yield
    }) : () -> ()
    "tpu.region"() ({
      %run_scoped3A = tpu.sem_alloc : memref<!tpu.dma_semaphore, #tpu.memory_space<semaphore_mem>>
      %dma_start3A_15 = tpu.memref_slice %arg4[%mul3A_2] : memref<2048xi32, #tpu.memory_space<hbm>> -> memref<64xi32, #tpu.memory_space<hbm>>
      %dma_start3A_16 = tpu.memref_slice %arg4[%mul3A_2] : memref<2048xi32, #tpu.memory_space<hbm>> -> memref<64xi32, #tpu.memory_space<hbm>>
      tpu.enqueue_dma source(%dma_start3A_16 : memref<64xi32, #tpu.memory_space<hbm>>) target(%arg9 : memref<64xi32, #tpu.memory_space<vmem>>) target_semaphore(%run_scoped3A : memref<!tpu.dma_semaphore, #tpu.memory_space<semaphore_mem>>)
      %dma_wait3A_17 = tpu.memref_slice %arg4[%mul3A_2] : memref<2048xi32, #tpu.memory_space<hbm>> -> memref<64xi32, #tpu.memory_space<hbm>>
      %dma_wait3A_18 = tpu.memref_slice %arg4[%mul3A_2] : memref<2048xi32, #tpu.memory_space<hbm>> -> memref<64xi32, #tpu.memory_space<hbm>>
      tpu.wait_dma2 semaphore(%run_scoped3A : memref<!tpu.dma_semaphore, #tpu.memory_space<semaphore_mem>>) src(%dma_wait3A_18 : memref<64xi32, #tpu.memory_space<hbm>>) dst(%arg9 : memref<64xi32, #tpu.memory_space<vmem>>)
      tpu.yield
    }) : () -> ()
    %dma_start3A = arith.constant 0 : i32
    %dma_start3A_3 = arith.constant 0 : i32
    %dma_start3A_4 = tpu.memref_slice %arg2[%dma_start3A, %dma_start3A_3] : memref<7168x768xf32, #tpu.memory_space<hbm>> -> memref<7168x768xf32, #tpu.memory_space<hbm>>
    tpu.enqueue_indirect_dma source(%dma_start3A_4 : memref<7168x768xf32, #tpu.memory_space<hbm>>) target(%arg12 : memref<64x768xf32, #tpu.memory_space<vmem>>) offsets(%arg8 : memref<64xi32, #tpu.memory_space<vmem>>) semaphore(%arg14 : memref<!tpu.dma_semaphore, #tpu.memory_space<semaphore_mem>>)
    %dma_start3A_5 = arith.constant 0 : i32
    %dma_start3A_6 = arith.constant 0 : i32
    %dma_start3A_7 = tpu.memref_slice %arg2[%dma_start3A_5, %dma_start3A_6] : memref<7168x768xf32, #tpu.memory_space<hbm>> -> memref<7168x768xf32, #tpu.memory_space<hbm>>
    tpu.enqueue_indirect_dma source(%dma_start3A_7 : memref<7168x768xf32, #tpu.memory_space<hbm>>) target(%arg13 : memref<64x768xf32, #tpu.memory_space<vmem>>) offsets(%arg9 : memref<64xi32, #tpu.memory_space<vmem>>) semaphore(%arg14 : memref<!tpu.dma_semaphore, #tpu.memory_space<semaphore_mem>>)
    "tpu.region"() ({
      %run_scoped3A = tpu.sem_alloc : memref<!tpu.dma_semaphore, #tpu.memory_space<semaphore_mem>>
      %dma_start3A_15 = tpu.memref_slice %arg5[%mul3A_2] : memref<2048xf32, #tpu.memory_space<hbm>> -> memref<64xf32, #tpu.memory_space<hbm>>
      %dma_start3A_16 = tpu.memref_slice %arg5[%mul3A_2] : memref<2048xf32, #tpu.memory_space<hbm>> -> memref<64xf32, #tpu.memory_space<hbm>>
      tpu.enqueue_dma source(%dma_start3A_16 : memref<64xf32, #tpu.memory_space<hbm>>) target(%arg10 : memref<64xf32, #tpu.memory_space<vmem>>) target_semaphore(%run_scoped3A : memref<!tpu.dma_semaphore, #tpu.memory_space<semaphore_mem>>)
      %dma_wait3A_17 = tpu.memref_slice %arg5[%mul3A_2] : memref<2048xf32, #tpu.memory_space<hbm>> -> memref<64xf32, #tpu.memory_space<hbm>>
      %dma_wait3A_18 = tpu.memref_slice %arg5[%mul3A_2] : memref<2048xf32, #tpu.memory_space<hbm>> -> memref<64xf32, #tpu.memory_space<hbm>>
      tpu.wait_dma2 semaphore(%run_scoped3A : memref<!tpu.dma_semaphore, #tpu.memory_space<semaphore_mem>>) src(%dma_wait3A_18 : memref<64xf32, #tpu.memory_space<hbm>>) dst(%arg10 : memref<64xf32, #tpu.memory_space<vmem>>)
      tpu.yield
    }) : () -> ()
    "tpu.region"() ({
      %run_scoped3A = tpu.sem_alloc : memref<!tpu.dma_semaphore, #tpu.memory_space<semaphore_mem>>
      %dma_start3A_15 = tpu.memref_slice %arg6[%mul3A_2] : memref<2048xf32, #tpu.memory_space<hbm>> -> memref<64xf32, #tpu.memory_space<hbm>>
      %dma_start3A_16 = tpu.memref_slice %arg6[%mul3A_2] : memref<2048xf32, #tpu.memory_space<hbm>> -> memref<64xf32, #tpu.memory_space<hbm>>
      tpu.enqueue_dma source(%dma_start3A_16 : memref<64xf32, #tpu.memory_space<hbm>>) target(%arg11 : memref<64xf32, #tpu.memory_space<vmem>>) target_semaphore(%run_scoped3A : memref<!tpu.dma_semaphore, #tpu.memory_space<semaphore_mem>>)
      %dma_wait3A_17 = tpu.memref_slice %arg6[%mul3A_2] : memref<2048xf32, #tpu.memory_space<hbm>> -> memref<64xf32, #tpu.memory_space<hbm>>
      %dma_wait3A_18 = tpu.memref_slice %arg6[%mul3A_2] : memref<2048xf32, #tpu.memory_space<hbm>> -> memref<64xf32, #tpu.memory_space<hbm>>
      tpu.wait_dma2 semaphore(%run_scoped3A : memref<!tpu.dma_semaphore, #tpu.memory_space<semaphore_mem>>) src(%dma_wait3A_18 : memref<64xf32, #tpu.memory_space<hbm>>) dst(%arg11 : memref<64xf32, #tpu.memory_space<vmem>>)
      tpu.yield
    }) : () -> ()
    %dma_wait3A = arith.constant 0 : i32
    %dma_wait3A_8 = arith.constant 0 : i32
    %dma_wait3A_9 = tpu.memref_slice %arg2[%dma_wait3A, %dma_wait3A_8] : memref<7168x768xf32, #tpu.memory_space<hbm>> -> memref<7168x768xf32, #tpu.memory_space<hbm>>
    tpu.wait_indirect_dma semaphore(%arg14 : memref<!tpu.dma_semaphore, #tpu.memory_space<semaphore_mem>>) src(%dma_wait3A_9 : memref<7168x768xf32, #tpu.memory_space<hbm>>) dst(%arg12 : memref<64x768xf32, #tpu.memory_space<vmem>>)
    %dma_wait3A_10 = arith.constant 0 : i32
    %dma_wait3A_11 = arith.constant 0 : i32
    %dma_wait3A_12 = tpu.memref_slice %arg2[%dma_wait3A_10, %dma_wait3A_11] : memref<7168x768xf32, #tpu.memory_space<hbm>> -> memref<7168x768xf32, #tpu.memory_space<hbm>>
    tpu.wait_indirect_dma semaphore(%arg14 : memref<!tpu.dma_semaphore, #tpu.memory_space<semaphore_mem>>) src(%dma_wait3A_12 : memref<7168x768xf32, #tpu.memory_space<hbm>>) dst(%arg13 : memref<64x768xf32, #tpu.memory_space<vmem>>)
    %parallel_loop3A = arith.constant 0 : i32
    %parallel_loop3A_13 = arith.constant 64 : i32
    %parallel_loop3A_14 = arith.constant 1 : i32
    scf.for %parallel_loop3A_15 = %parallel_loop3A to %parallel_loop3A_13 step %parallel_loop3A_14  : i32 {
      %parallel_loop3A_16 = vector.broadcast %parallel_loop3A_15 : i32 to vector<16xi32>
      %parallel_loop3A_17 = tpu.vector_load_idx %arg10[%parallel_loop3A_16] : memref<64xf32, #tpu.memory_space<vmem>>[vector<16xi32>], vector<16xf32>,
      %parallel_loop3A_18 = tpu.vector_load_idx %arg11[%parallel_loop3A_16] : memref<64xf32, #tpu.memory_space<vmem>>[vector<16xi32>], vector<16xf32>,
      %parallel_loop3A_19 = arith.index_cast %parallel_loop3A_15 : i32 to index
      %parallel_loop3A_20 = arith.constant 0 : index
      %parallel_loop3A_21 = tpu.vector_load %arg12[%parallel_loop3A_19, %parallel_loop3A_20] {strides = array<i32>} : memref<64x768xf32, #tpu.memory_space<vmem>>, vector<16xf32>,
      %parallel_loop3A_22 = arith.mulf %parallel_loop3A_21, %parallel_loop3A_17 : vector<16xf32>
      %parallel_loop3A_23 = arith.index_cast %parallel_loop3A_15 : i32 to index
      %parallel_loop3A_24 = arith.constant 0 : index
      %parallel_loop3A_25 = tpu.vector_load %arg13[%parallel_loop3A_23, %parallel_loop3A_24] {strides = array<i32>} : memref<64x768xf32, #tpu.memory_space<vmem>>, vector<16xf32>,
      %parallel_loop3A_26 = arith.mulf %parallel_loop3A_25, %parallel_loop3A_18 : vector<16xf32>
      %parallel_loop3A_27 = arith.addf %parallel_loop3A_22, %parallel_loop3A_26 : vector<16xf32>
      %parallel_loop3A_28 = arith.index_cast %parallel_loop3A_15 : i32 to index
      %parallel_loop3A_29 = arith.constant 0 : index
      %parallel_loop3A_30 = tpu.vector_load %arg12[%parallel_loop3A_28, %parallel_loop3A_29] {strides = array<i32>} : memref<64x768xf32, #tpu.memory_space<vmem>>, vector<16xf32>,
      tpu.vector_store %arg12[%parallel_loop3A_28, %parallel_loop3A_29], %parallel_loop3A_27 {strides = array<i32>} : memref<64x768xf32, #tpu.memory_space<vmem>>, vector<16xf32>,
      %parallel_loop3A_31 = arith.index_cast %parallel_loop3A_15 : i32 to index
      %parallel_loop3A_32 = arith.constant 16 : index
      %parallel_loop3A_33 = tpu.vector_load %arg12[%parallel_loop3A_31, %parallel_loop3A_32] {strides = array<i32>} : memref<64x768xf32, #tpu.memory_space<vmem>>, vector<16xf32>,
      %parallel_loop3A_34 = arith.mulf %parallel_loop3A_33, %parallel_loop3A_17 : vector<16xf32>
      %parallel_loop3A_35 = arith.index_cast %parallel_loop3A_15 : i32 to index
      %parallel_loop3A_36 = arith.constant 16 : index
      %parallel_loop3A_37 = tpu.vector_load %arg13[%parallel_loop3A_35, %parallel_loop3A_36] {strides = array<i32>} : memref<64x768xf32, #tpu.memory_space<vmem>>, vector<16xf32>,
      %parallel_loop3A_38 = arith.mulf %parallel_loop3A_37, %parallel_loop3A_18 : vector<16xf32>
      %parallel_loop3A_39 = arith.addf %parallel_loop3A_34, %parallel_loop3A_38 : vector<16xf32>
      %parallel_loop3A_40 = arith.index_cast %parallel_loop3A_15 : i32 to index
      %parallel_loop3A_41 = arith.constant 16 : index
      %parallel_loop3A_42 = tpu.vector_load %arg12[%parallel_loop3A_40, %parallel_loop3A_41] {strides = array<i32>} : memref<64x768xf32, #tpu.memory_space<vmem>>, vector<16xf32>,
      tpu.vector_store %arg12[%parallel_loop3A_40, %parallel_loop3A_41], %parallel_loop3A_39 {strides = array<i32>} : memref<64x768xf32, #tpu.memory_space<vmem>>, vector<16xf32>,
      %parallel_loop3A_43 = arith.index_cast %parallel_loop3A_15 : i32 to index
      %parallel_loop3A_44 = arith.constant 32 : index
      %parallel_loop3A_45 = tpu.vector_load %arg12[%parallel_loop3A_43, %parallel_loop3A_44] {strides = array<i32>} : memref<64x768xf32, #tpu.memory_space<vmem>>, vector<16xf32>,
      %parallel_loop3A_46 = arith.mulf %parallel_loop3A_45, %parallel_loop3A_17 : vector<16xf32>
      %parallel_loop3A_47 = arith.index_cast %parallel_loop3A_15 : i32 to index
      %parallel_loop3A_48 = arith.constant 32 : index
      %parallel_loop3A_49 = tpu.vector_load %arg13[%parallel_loop3A_47, %parallel_loop3A_48] {strides = array<i32>} : memref<64x768xf32, #tpu.memory_space<vmem>>, vector<16xf32>,
      %parallel_loop3A_50 = arith.mulf %parallel_loop3A_49, %parallel_loop3A_18 : vector<16xf32>
      %parallel_loop3A_51 = arith.addf %parallel_loop3A_46, %parallel_loop3A_50 : vector<16xf32>
      %parallel_loop3A_52 = arith.index_cast %parallel_loop3A_15 : i32 to index
      %parallel_loop3A_53 = arith.constant 32 : index
      %parallel_loop3A_54 = tpu.vector_load %arg12[%parallel_loop3A_52, %parallel_loop3A_53] {strides = array<i32>} : memref<64x768xf32, #tpu.memory_space<vmem>>, vector<16xf32>,
      tpu.vector_store %arg12[%parallel_loop3A_52, %parallel_loop3A_53], %parallel_loop3A_51 {strides = array<i32>} : memref<64x768xf32, #tpu.memory_space<vmem>>, vector<16xf32>,
      %parallel_loop3A_55 = arith.index_cast %parallel_loop3A_15 : i32 to index
      %parallel_loop3A_56 = arith.constant 48 : index
      %parallel_loop3A_57 = tpu.vector_load %arg12[%parallel_loop3A_55, %parallel_loop3A_56] {strides = array<i32>} : memref<64x768xf32, #tpu.memory_space<vmem>>, vector<16xf32>,
      %parallel_loop3A_58 = arith.mulf %parallel_loop3A_57, %parallel_loop3A_17 : vector<16xf32>
      %parallel_loop3A_59 = arith.index_cast %parallel_loop3A_15 : i32 to index
      %parallel_loop3A_60 = arith.constant 48 : index
      %parallel_loop3A_61 = tpu.vector_load %arg13[%parallel_loop3A_59, %parallel_loop3A_60] {strides = array<i32>} : memref<64x768xf32, #tpu.memory_space<vmem>>, vector<16xf32>,
      %parallel_loop3A_62 = arith.mulf %parallel_loop3A_61, %parallel_loop3A_18 : vector<16xf32>
      %parallel_loop3A_63 = arith.addf %parallel_loop3A_58, %parallel_loop3A_62 : vector<16xf32>
      %parallel_loop3A_64 = arith.index_cast %parallel_loop3A_15 : i32 to index
      %parallel_loop3A_65 = arith.constant 48 : index
      %parallel_loop3A_66 = tpu.vector_load %arg12[%parallel_loop3A_64, %parallel_loop3A_65] {strides = array<i32>} : memref<64x768xf32, #tpu.memory_space<vmem>>, vector<16xf32>,
      tpu.vector_store %arg12[%parallel_loop3A_64, %parallel_loop3A_65], %parallel_loop3A_63 {strides = array<i32>} : memref<64x768xf32, #tpu.memory_space<vmem>>, vector<16xf32>,
      %parallel_loop3A_67 = arith.index_cast %parallel_loop3A_15 : i32 to index
      %parallel_loop3A_68 = arith.constant 64 : index
      %parallel_loop3A_69 = tpu.vector_load %arg12[%parallel_loop3A_67, %parallel_loop3A_68] {strides = array<i32>} : memref<64x768xf32, #tpu.memory_space<vmem>>, vector<16xf32>,
      %parallel_loop3A_70 = arith.mulf %parallel_loop3A_69, %parallel_loop3A_17 : vector<16xf32>
      %parallel_loop3A_71 = arith.index_cast %parallel_loop3A_15 : i32 to index
      %parallel_loop3A_72 = arith.constant 64 : index
      %parallel_loop3A_73 = tpu.vector_load %arg13[%parallel_loop3A_71, %parallel_loop3A_72] {strides = array<i32>} : memref<64x768xf32, #tpu.memory_space<vmem>>, vector<16xf32>,
      %parallel_loop3A_74 = arith.mulf %parallel_loop3A_73, %parallel_loop3A_18 : vector<16xf32>
      %parallel_loop3A_75 = arith.addf %parallel_loop3A_70, %parallel_loop3A_74 : vector<16xf32>
      %parallel_loop3A_76 = arith.index_cast %parallel_loop3A_15 : i32 to index
      %parallel_loop3A_77 = arith.constant 64 : index
      %parallel_loop3A_78 = tpu.vector_load %arg12[%parallel_loop3A_76, %parallel_loop3A_77] {strides = array<i32>} : memref<64x768xf32, #tpu.memory_space<vmem>>, vector<16xf32>,
      tpu.vector_store %arg12[%parallel_loop3A_76, %parallel_loop3A_77], %parallel_loop3A_75 {strides = array<i32>} : memref<64x768xf32, #tpu.memory_space<vmem>>, vector<16xf32>,
      %parallel_loop3A_79 = arith.index_cast %parallel_loop3A_15 : i32 to index
      %parallel_loop3A_80 = arith.constant 80 : index
      %parallel_loop3A_81 = tpu.vector_load %arg12[%parallel_loop3A_79, %parallel_loop3A_80] {strides = array<i32>} : memref<64x768xf32, #tpu.memory_space<vmem>>, vector<16xf32>,
      %parallel_loop3A_82 = arith.mulf %parallel_loop3A_81, %parallel_loop3A_17 : vector<16xf32>
      %parallel_loop3A_83 = arith.index_cast %parallel_loop3A_15 : i32 to index
      %parallel_loop3A_84 = arith.constant 80 : index
      %parallel_loop3A_85 = tpu.vector_load %arg13[%parallel_loop3A_83, %parallel_loop3A_84] {strides = array<i32>} : memref<64x768xf32, #tpu.memory_space<vmem>>, vector<16xf32>,
      %parallel_loop3A_86 = arith.mulf %parallel_loop3A_85, %parallel_loop3A_18 : vector<16xf32>
      %parallel_loop3A_87 = arith.addf %parallel_loop3A_82, %parallel_loop3A_86 : vector<16xf32>
      %parallel_loop3A_88 = arith.index_cast %parallel_loop3A_15 : i32 to index
      %parallel_loop3A_89 = arith.constant 80 : index
      %parallel_loop3A_90 = tpu.vector_load %arg12[%parallel_loop3A_88, %parallel_loop3A_89] {strides = array<i32>} : memref<64x768xf32, #tpu.memory_space<vmem>>, vector<16xf32>,
      tpu.vector_store %arg12[%parallel_loop3A_88, %parallel_loop3A_89], %parallel_loop3A_87 {strides = array<i32>} : memref<64x768xf32, #tpu.memory_space<vmem>>, vector<16xf32>,
      %parallel_loop3A_91 = arith.index_cast %parallel_loop3A_15 : i32 to index
      %parallel_loop3A_92 = arith.constant 96 : index
      %parallel_loop3A_93 = tpu.vector_load %arg12[%parallel_loop3A_91, %parallel_loop3A_92] {strides = array<i32>} : memref<64x768xf32, #tpu.memory_space<vmem>>, vector<16xf32>,
      %parallel_loop3A_94 = arith.mulf %parallel_loop3A_93, %parallel_loop3A_17 : vector<16xf32>
      %parallel_loop3A_95 = arith.index_cast %parallel_loop3A_15 : i32 to index
      %parallel_loop3A_96 = arith.constant 96 : index
      %parallel_loop3A_97 = tpu.vector_load %arg13[%parallel_loop3A_95, %parallel_loop3A_96] {strides = array<i32>} : memref<64x768xf32, #tpu.memory_space<vmem>>, vector<16xf32>,
      %parallel_loop3A_98 = arith.mulf %parallel_loop3A_97, %parallel_loop3A_18 : vector<16xf32>
      %parallel_loop3A_99 = arith.addf %parallel_loop3A_94, %parallel_loop3A_98 : vector<16xf32>
      %parallel_loop3A_100 = arith.index_cast %parallel_loop3A_15 : i32 to index
      %parallel_loop3A_101 = arith.constant 96 : index
      %parallel_loop3A_102 = tpu.vector_load %arg12[%parallel_loop3A_100, %parallel_loop3A_101] {strides = array<i32>} : memref<64x768xf32, #tpu.memory_space<vmem>>, vector<16xf32>,
      tpu.vector_store %arg12[%parallel_loop3A_100, %parallel_loop3A_101], %parallel_loop3A_99 {strides = array<i32>} : memref<64x768xf32, #tpu.memory_space<vmem>>, vector<16xf32>,
      %parallel_loop3A_103 = arith.index_cast %parallel_loop3A_15 : i32 to index
      %parallel_loop3A_104 = arith.constant 112 : index
      %parallel_loop3A_105 = tpu.vector_load %arg12[%parallel_loop3A_103, %parallel_loop3A_104] {strides = array<i32>} : memref<64x768xf32, #tpu.memory_space<vmem>>, vector<16xf32>,
      %parallel_loop3A_106 = arith.mulf %parallel_loop3A_105, %parallel_loop3A_17 : vector<16xf32>
      %parallel_loop3A_107 = arith.index_cast %parallel_loop3A_15 : i32 to index
      %parallel_loop3A_108 = arith.constant 112 : index
      %parallel_loop3A_109 = tpu.vector_load %arg13[%parallel_loop3A_107, %parallel_loop3A_108] {strides = array<i32>} : memref<64x768xf32, #tpu.memory_space<vmem>>, vector<16xf32>,
      %parallel_loop3A_110 = arith.mulf %parallel_loop3A_109, %parallel_loop3A_18 : vector<16xf32>
      %parallel_loop3A_111 = arith.addf %parallel_loop3A_106, %parallel_loop3A_110 : vector<16xf32>
      %parallel_loop3A_112 = arith.index_cast %parallel_loop3A_15 : i32 to index
      %parallel_loop3A_113 = arith.constant 112 : index
      %parallel_loop3A_114 = tpu.vector_load %arg12[%parallel_loop3A_112, %parallel_loop3A_113] {strides = array<i32>} : memref<64x768xf32, #tpu.memory_space<vmem>>, vector<16xf32>,
      tpu.vector_store %arg12[%parallel_loop3A_112, %parallel_loop3A_113], %parallel_loop3A_111 {strides = array<i32>} : memref<64x768xf32, #tpu.memory_space<vmem>>, vector<16xf32>,
      %parallel_loop3A_115 = arith.index_cast %parallel_loop3A_15 : i32 to index
      %parallel_loop3A_116 = arith.constant 128 : index
      %parallel_loop3A_117 = tpu.vector_load %arg12[%parallel_loop3A_115, %parallel_loop3A_116] {strides = array<i32>} : memref<64x768xf32, #tpu.memory_space<vmem>>, vector<16xf32>,
      %parallel_loop3A_118 = arith.mulf %parallel_loop3A_117, %parallel_loop3A_17 : vector<16xf32>
      %parallel_loop3A_119 = arith.index_cast %parallel_loop3A_15 : i32 to index
      %parallel_loop3A_120 = arith.constant 128 : index
      %parallel_loop3A_121 = tpu.vector_load %arg13[%parallel_loop3A_119, %parallel_loop3A_120] {strides = array<i32>} : memref<64x768xf32, #tpu.memory_space<vmem>>, vector<16xf32>,
      %parallel_loop3A_122 = arith.mulf %parallel_loop3A_121, %parallel_loop3A_18 : vector<16xf32>
      %parallel_loop3A_123 = arith.addf %parallel_loop3A_118, %parallel_loop3A_122 : vector<16xf32>
      %parallel_loop3A_124 = arith.index_cast %parallel_loop3A_15 : i32 to index
      %parallel_loop3A_125 = arith.constant 128 : index
      %parallel_loop3A_126 = tpu.vector_load %arg12[%parallel_loop3A_124, %parallel_loop3A_125] {strides = array<i32>} : memref<64x768xf32, #tpu.memory_space<vmem>>, vector<16xf32>,
      tpu.vector_store %arg12[%parallel_loop3A_124, %parallel_loop3A_125], %parallel_loop3A_123 {strides = array<i32>} : memref<64x768xf32, #tpu.memory_space<vmem>>, vector<16xf32>,
      %parallel_loop3A_127 = arith.index_cast %parallel_loop3A_15 : i32 to index
      %parallel_loop3A_128 = arith.constant 144 : index
      %parallel_loop3A_129 = tpu.vector_load %arg12[%parallel_loop3A_127, %parallel_loop3A_128] {strides = array<i32>} : memref<64x768xf32, #tpu.memory_space<vmem>>, vector<16xf32>,
      %parallel_loop3A_130 = arith.mulf %parallel_loop3A_129, %parallel_loop3A_17 : vector<16xf32>
      %parallel_loop3A_131 = arith.index_cast %parallel_loop3A_15 : i32 to index
      %parallel_loop3A_132 = arith.constant 144 : index
      %parallel_loop3A_133 = tpu.vector_load %arg13[%parallel_loop3A_131, %parallel_loop3A_132] {strides = array<i32>} : memref<64x768xf32, #tpu.memory_space<vmem>>, vector<16xf32>,
      %parallel_loop3A_134 = arith.mulf %parallel_loop3A_133, %parallel_loop3A_18 : vector<16xf32>
      %parallel_loop3A_135 = arith.addf %parallel_loop3A_130, %parallel_loop3A_134 : vector<16xf32>
      %parallel_loop3A_136 = arith.index_cast %parallel_loop3A_15 : i32 to index
      %parallel_loop3A_137 = arith.constant 144 : index
      %parallel_loop3A_138 = tpu.vector_load %arg12[%parallel_loop3A_136, %parallel_loop3A_137] {strides = array<i32>} : memref<64x768xf32, #tpu.memory_space<vmem>>, vector<16xf32>,
      tpu.vector_store %arg12[%parallel_loop3A_136, %parallel_loop3A_137], %parallel_loop3A_135 {strides = array<i32>} : memref<64x768xf32, #tpu.memory_space<vmem>>, vector<16xf32>,
      %parallel_loop3A_139 = arith.index_cast %parallel_loop3A_15 : i32 to index
      %parallel_loop3A_140 = arith.constant 160 : index
      %parallel_loop3A_141 = tpu.vector_load %arg12[%parallel_loop3A_139, %parallel_loop3A_140] {strides = array<i32>} : memref<64x768xf32, #tpu.memory_space<vmem>>, vector<16xf32>,
      %parallel_loop3A_142 = arith.mulf %parallel_loop3A_141, %parallel_loop3A_17 : vector<16xf32>
      %parallel_loop3A_143 = arith.index_cast %parallel_loop3A_15 : i32 to index
      %parallel_loop3A_144 = arith.constant 160 : index
      %parallel_loop3A_145 = tpu.vector_load %arg13[%parallel_loop3A_143, %parallel_loop3A_144] {strides = array<i32>} : memref<64x768xf32, #tpu.memory_space<vmem>>, vector<16xf32>,
      %parallel_loop3A_146 = arith.mulf %parallel_loop3A_145, %parallel_loop3A_18 : vector<16xf32>
      %parallel_loop3A_147 = arith.addf %parallel_loop3A_142, %parallel_loop3A_146 : vector<16xf32>
      %parallel_loop3A_148 = arith.index_cast %parallel_loop3A_15 : i32 to index
      %parallel_loop3A_149 = arith.constant 160 : index
      %parallel_loop3A_150 = tpu.vector_load %arg12[%parallel_loop3A_148, %parallel_loop3A_149] {strides = array<i32>} : memref<64x768xf32, #tpu.memory_space<vmem>>, vector<16xf32>,
      tpu.vector_store %arg12[%parallel_loop3A_148, %parallel_loop3A_149], %parallel_loop3A_147 {strides = array<i32>} : memref<64x768xf32, #tpu.memory_space<vmem>>, vector<16xf32>,
      %parallel_loop3A_151 = arith.index_cast %parallel_loop3A_15 : i32 to index
      %parallel_loop3A_152 = arith.constant 176 : index
      %parallel_loop3A_153 = tpu.vector_load %arg12[%parallel_loop3A_151, %parallel_loop3A_152] {strides = array<i32>} : memref<64x768xf32, #tpu.memory_space<vmem>>, vector<16xf32>,
      %parallel_loop3A_154 = arith.mulf %parallel_loop3A_153, %parallel_loop3A_17 : vector<16xf32>
      %parallel_loop3A_155 = arith.index_cast %parallel_loop3A_15 : i32 to index
      %parallel_loop3A_156 = arith.constant 176 : index
      %parallel_loop3A_157 = tpu.vector_load %arg13[%parallel_loop3A_155, %parallel_loop3A_156] {strides = array<i32>} : memref<64x768xf32, #tpu.memory_space<vmem>>, vector<16xf32>,
      %parallel_loop3A_158 = arith.mulf %parallel_loop3A_157, %parallel_loop3A_18 : vector<16xf32>
      %parallel_loop3A_159 = arith.addf %parallel_loop3A_154, %parallel_loop3A_158 : vector<16xf32>
      %parallel_loop3A_160 = arith.index_cast %parallel_loop3A_15 : i32 to index
      %parallel_loop3A_161 = arith.constant 176 : index
      %parallel_loop3A_162 = tpu.vector_load %arg12[%parallel_loop3A_160, %parallel_loop3A_161] {strides = array<i32>} : memref<64x768xf32, #tpu.memory_space<vmem>>, vector<16xf32>,
      tpu.vector_store %arg12[%parallel_loop3A_160, %parallel_loop3A_161], %parallel_loop3A_159 {strides = array<i32>} : memref<64x768xf32, #tpu.memory_space<vmem>>, vector<16xf32>,
      %parallel_loop3A_163 = arith.index_cast %parallel_loop3A_15 : i32 to index
      %parallel_loop3A_164 = arith.constant 192 : index
      %parallel_loop3A_165 = tpu.vector_load %arg12[%parallel_loop3A_163, %parallel_loop3A_164] {strides = array<i32>} : memref<64x768xf32, #tpu.memory_space<vmem>>, vector<16xf32>,
      %parallel_loop3A_166 = arith.mulf %parallel_loop3A_165, %parallel_loop3A_17 : vector<16xf32>
      %parallel_loop3A_167 = arith.index_cast %parallel_loop3A_15 : i32 to index
      %parallel_loop3A_168 = arith.constant 192 : index
      %parallel_loop3A_169 = tpu.vector_load %arg13[%parallel_loop3A_167, %parallel_loop3A_168] {strides = array<i32>} : memref<64x768xf32, #tpu.memory_space<vmem>>, vector<16xf32>,
      %parallel_loop3A_170 = arith.mulf %parallel_loop3A_169, %parallel_loop3A_18 : vector<16xf32>
      %parallel_loop3A_171 = arith.addf %parallel_loop3A_166, %parallel_loop3A_170 : vector<16xf32>
      %parallel_loop3A_172 = arith.index_cast %parallel_loop3A_15 : i32 to index
      %parallel_loop3A_173 = arith.constant 192 : index
      %parallel_loop3A_174 = tpu.vector_load %arg12[%parallel_loop3A_172, %parallel_loop3A_173] {strides = array<i32>} : memref<64x768xf32, #tpu.memory_space<vmem>>, vector<16xf32>,
      tpu.vector_store %arg12[%parallel_loop3A_172, %parallel_loop3A_173], %parallel_loop3A_171 {strides = array<i32>} : memref<64x768xf32, #tpu.memory_space<vmem>>, vector<16xf32>,
      %parallel_loop3A_175 = arith.index_cast %parallel_loop3A_15 : i32 to index
      %parallel_loop3A_176 = arith.constant 208 : index
      %parallel_loop3A_177 = tpu.vector_load %arg12[%parallel_loop3A_175, %parallel_loop3A_176] {strides = array<i32>} : memref<64x768xf32, #tpu.memory_space<vmem>>, vector<16xf32>,
      %parallel_loop3A_178 = arith.mulf %parallel_loop3A_177, %parallel_loop3A_17 : vector<16xf32>
      %parallel_loop3A_179 = arith.index_cast %parallel_loop3A_15 : i32 to index
      %parallel_loop3A_180 = arith.constant 208 : index
      %parallel_loop3A_181 = tpu.vector_load %arg13[%parallel_loop3A_179, %parallel_loop3A_180] {strides = array<i32>} : memref<64x768xf32, #tpu.memory_space<vmem>>, vector<16xf32>,
      %parallel_loop3A_182 = arith.mulf %parallel_loop3A_181, %parallel_loop3A_18 : vector<16xf32>
      %parallel_loop3A_183 = arith.addf %parallel_loop3A_178, %parallel_loop3A_182 : vector<16xf32>
      %parallel_loop3A_184 = arith.index_cast %parallel_loop3A_15 : i32 to index
      %parallel_loop3A_185 = arith.constant 208 : index
      %parallel_loop3A_186 = tpu.vector_load %arg12[%parallel_loop3A_184, %parallel_loop3A_185] {strides = array<i32>} : memref<64x768xf32, #tpu.memory_space<vmem>>, vector<16xf32>,
      tpu.vector_store %arg12[%parallel_loop3A_184, %parallel_loop3A_185], %parallel_loop3A_183 {strides = array<i32>} : memref<64x768xf32, #tpu.memory_space<vmem>>, vector<16xf32>,
      %parallel_loop3A_187 = arith.index_cast %parallel_loop3A_15 : i32 to index
      %parallel_loop3A_188 = arith.constant 224 : index
      %parallel_loop3A_189 = tpu.vector_load %arg12[%parallel_loop3A_187, %parallel_loop3A_188] {strides = array<i32>} : memref<64x768xf32, #tpu.memory_space<vmem>>, vector<16xf32>,
      %parallel_loop3A_190 = arith.mulf %parallel_loop3A_189, %parallel_loop3A_17 : vector<16xf32>
      %parallel_loop3A_191 = arith.index_cast %parallel_loop3A_15 : i32 to index
      %parallel_loop3A_192 = arith.constant 224 : index
      %parallel_loop3A_193 = tpu.vector_load %arg13[%parallel_loop3A_191, %parallel_loop3A_192] {strides = array<i32>} : memref<64x768xf32, #tpu.memory_space<vmem>>, vector<16xf32>,
      %parallel_loop3A_194 = arith.mulf %parallel_loop3A_193, %parallel_loop3A_18 : vector<16xf32>
      %parallel_loop3A_195 = arith.addf %parallel_loop3A_190, %parallel_loop3A_194 : vector<16xf32>
      %parallel_loop3A_196 = arith.index_cast %parallel_loop3A_15 : i32 to index
      %parallel_loop3A_197 = arith.constant 224 : index
      %parallel_loop3A_198 = tpu.vector_load %arg12[%parallel_loop3A_196, %parallel_loop3A_197] {strides = array<i32>} : memref<64x768xf32, #tpu.memory_space<vmem>>, vector<16xf32>,
      tpu.vector_store %arg12[%parallel_loop3A_196, %parallel_loop3A_197], %parallel_loop3A_195 {strides = array<i32>} : memref<64x768xf32, #tpu.memory_space<vmem>>, vector<16xf32>,
      %parallel_loop3A_199 = arith.index_cast %parallel_loop3A_15 : i32 to index
      %parallel_loop3A_200 = arith.constant 240 : index
      %parallel_loop3A_201 = tpu.vector_load %arg12[%parallel_loop3A_199, %parallel_loop3A_200] {strides = array<i32>} : memref<64x768xf32, #tpu.memory_space<vmem>>, vector<16xf32>,
      %parallel_loop3A_202 = arith.mulf %parallel_loop3A_201, %parallel_loop3A_17 : vector<16xf32>
      %parallel_loop3A_203 = arith.index_cast %parallel_loop3A_15 : i32 to index
      %parallel_loop3A_204 = arith.constant 240 : index
      %parallel_loop3A_205 = tpu.vector_load %arg13[%parallel_loop3A_203, %parallel_loop3A_204] {strides = array<i32>} : memref<64x768xf32, #tpu.memory_space<vmem>>, vector<16xf32>,
      %parallel_loop3A_206 = arith.mulf %parallel_loop3A_205, %parallel_loop3A_18 : vector<16xf32>
      %parallel_loop3A_207 = arith.addf %parallel_loop3A_202, %parallel_loop3A_206 : vector<16xf32>
      %parallel_loop3A_208 = arith.index_cast %parallel_loop3A_15 : i32 to index
      %parallel_loop3A_209 = arith.constant 240 : index
      %parallel_loop3A_210 = tpu.vector_load %arg12[%parallel_loop3A_208, %parallel_loop3A_209] {strides = array<i32>} : memref<64x768xf32, #tpu.memory_space<vmem>>, vector<16xf32>,
      tpu.vector_store %arg12[%parallel_loop3A_208, %parallel_loop3A_209], %parallel_loop3A_207 {strides = array<i32>} : memref<64x768xf32, #tpu.memory_space<vmem>>, vector<16xf32>,
      %parallel_loop3A_211 = arith.index_cast %parallel_loop3A_15 : i32 to index
      %parallel_loop3A_212 = arith.constant 256 : index
      %parallel_loop3A_213 = tpu.vector_load %arg12[%parallel_loop3A_211, %parallel_loop3A_212] {strides = array<i32>} : memref<64x768xf32, #tpu.memory_space<vmem>>, vector<16xf32>,
      %parallel_loop3A_214 = arith.mulf %parallel_loop3A_213, %parallel_loop3A_17 : vector<16xf32>
      %parallel_loop3A_215 = arith.index_cast %parallel_loop3A_15 : i32 to index
      %parallel_loop3A_216 = arith.constant 256 : index
      %parallel_loop3A_217 = tpu.vector_load %arg13[%parallel_loop3A_215, %parallel_loop3A_216] {strides = array<i32>} : memref<64x768xf32, #tpu.memory_space<vmem>>, vector<16xf32>,
      %parallel_loop3A_218 = arith.mulf %parallel_loop3A_217, %parallel_loop3A_18 : vector<16xf32>
      %parallel_loop3A_219 = arith.addf %parallel_loop3A_214, %parallel_loop3A_218 : vector<16xf32>
      %parallel_loop3A_220 = arith.index_cast %parallel_loop3A_15 : i32 to index
      %parallel_loop3A_221 = arith.constant 256 : index
      %parallel_loop3A_222 = tpu.vector_load %arg12[%parallel_loop3A_220, %parallel_loop3A_221] {strides = array<i32>} : memref<64x768xf32, #tpu.memory_space<vmem>>, vector<16xf32>,
      tpu.vector_store %arg12[%parallel_loop3A_220, %parallel_loop3A_221], %parallel_loop3A_219 {strides = array<i32>} : memref<64x768xf32, #tpu.memory_space<vmem>>, vector<16xf32>,
      %parallel_loop3A_223 = arith.index_cast %parallel_loop3A_15 : i32 to index
      %parallel_loop3A_224 = arith.constant 272 : index
      %parallel_loop3A_225 = tpu.vector_load %arg12[%parallel_loop3A_223, %parallel_loop3A_224] {strides = array<i32>} : memref<64x768xf32, #tpu.memory_space<vmem>>, vector<16xf32>,
      %parallel_loop3A_226 = arith.mulf %parallel_loop3A_225, %parallel_loop3A_17 : vector<16xf32>
      %parallel_loop3A_227 = arith.index_cast %parallel_loop3A_15 : i32 to index
      %parallel_loop3A_228 = arith.constant 272 : index
      %parallel_loop3A_229 = tpu.vector_load %arg13[%parallel_loop3A_227, %parallel_loop3A_228] {strides = array<i32>} : memref<64x768xf32, #tpu.memory_space<vmem>>, vector<16xf32>,
      %parallel_loop3A_230 = arith.mulf %parallel_loop3A_229, %parallel_loop3A_18 : vector<16xf32>
      %parallel_loop3A_231 = arith.addf %parallel_loop3A_226, %parallel_loop3A_230 : vector<16xf32>
      %parallel_loop3A_232 = arith.index_cast %parallel_loop3A_15 : i32 to index
      %parallel_loop3A_233 = arith.constant 272 : index
      %parallel_loop3A_234 = tpu.vector_load %arg12[%parallel_loop3A_232, %parallel_loop3A_233] {strides = array<i32>} : memref<64x768xf32, #tpu.memory_space<vmem>>, vector<16xf32>,
      tpu.vector_store %arg12[%parallel_loop3A_232, %parallel_loop3A_233], %parallel_loop3A_231 {strides = array<i32>} : memref<64x768xf32, #tpu.memory_space<vmem>>, vector<16xf32>,
      %parallel_loop3A_235 = arith.index_cast %parallel_loop3A_15 : i32 to index
      %parallel_loop3A_236 = arith.constant 288 : index
      %parallel_loop3A_237 = tpu.vector_load %arg12[%parallel_loop3A_235, %parallel_loop3A_236] {strides = array<i32>} : memref<64x768xf32, #tpu.memory_space<vmem>>, vector<16xf32>,
      %parallel_loop3A_238 = arith.mulf %parallel_loop3A_237, %parallel_loop3A_17 : vector<16xf32>
      %parallel_loop3A_239 = arith.index_cast %parallel_loop3A_15 : i32 to index
      %parallel_loop3A_240 = arith.constant 288 : index
      %parallel_loop3A_241 = tpu.vector_load %arg13[%parallel_loop3A_239, %parallel_loop3A_240] {strides = array<i32>} : memref<64x768xf32, #tpu.memory_space<vmem>>, vector<16xf32>,
      %parallel_loop3A_242 = arith.mulf %parallel_loop3A_241, %parallel_loop3A_18 : vector<16xf32>
      %parallel_loop3A_243 = arith.addf %parallel_loop3A_238, %parallel_loop3A_242 : vector<16xf32>
      %parallel_loop3A_244 = arith.index_cast %parallel_loop3A_15 : i32 to index
      %parallel_loop3A_245 = arith.constant 288 : index
      %parallel_loop3A_246 = tpu.vector_load %arg12[%parallel_loop3A_244, %parallel_loop3A_245] {strides = array<i32>} : memref<64x768xf32, #tpu.memory_space<vmem>>, vector<16xf32>,
      tpu.vector_store %arg12[%parallel_loop3A_244, %parallel_loop3A_245], %parallel_loop3A_243 {strides = array<i32>} : memref<64x768xf32, #tpu.memory_space<vmem>>, vector<16xf32>,
      %parallel_loop3A_247 = arith.index_cast %parallel_loop3A_15 : i32 to index
      %parallel_loop3A_248 = arith.constant 304 : index
      %parallel_loop3A_249 = tpu.vector_load %arg12[%parallel_loop3A_247, %parallel_loop3A_248] {strides = array<i32>} : memref<64x768xf32, #tpu.memory_space<vmem>>, vector<16xf32>,
      %parallel_loop3A_250 = arith.mulf %parallel_loop3A_249, %parallel_loop3A_17 : vector<16xf32>
      %parallel_loop3A_251 = arith.index_cast %parallel_loop3A_15 : i32 to index
      %parallel_loop3A_252 = arith.constant 304 : index
      %parallel_loop3A_253 = tpu.vector_load %arg13[%parallel_loop3A_251, %parallel_loop3A_252] {strides = array<i32>} : memref<64x768xf32, #tpu.memory_space<vmem>>, vector<16xf32>,
      %parallel_loop3A_254 = arith.mulf %parallel_loop3A_253, %parallel_loop3A_18 : vector<16xf32>
      %parallel_loop3A_255 = arith.addf %parallel_loop3A_250, %parallel_loop3A_254 : vector<16xf32>
      %parallel_loop3A_256 = arith.index_cast %parallel_loop3A_15 : i32 to index
      %parallel_loop3A_257 = arith.constant 304 : index
      %parallel_loop3A_258 = tpu.vector_load %arg12[%parallel_loop3A_256, %parallel_loop3A_257] {strides = array<i32>} : memref<64x768xf32, #tpu.memory_space<vmem>>, vector<16xf32>,
      tpu.vector_store %arg12[%parallel_loop3A_256, %parallel_loop3A_257], %parallel_loop3A_255 {strides = array<i32>} : memref<64x768xf32, #tpu.memory_space<vmem>>, vector<16xf32>,
      %parallel_loop3A_259 = arith.index_cast %parallel_loop3A_15 : i32 to index
      %parallel_loop3A_260 = arith.constant 320 : index
      %parallel_loop3A_261 = tpu.vector_load %arg12[%parallel_loop3A_259, %parallel_loop3A_260] {strides = array<i32>} : memref<64x768xf32, #tpu.memory_space<vmem>>, vector<16xf32>,
      %parallel_loop3A_262 = arith.mulf %parallel_loop3A_261, %parallel_loop3A_17 : vector<16xf32>
      %parallel_loop3A_263 = arith.index_cast %parallel_loop3A_15 : i32 to index
      %parallel_loop3A_264 = arith.constant 320 : index
      %parallel_loop3A_265 = tpu.vector_load %arg13[%parallel_loop3A_263, %parallel_loop3A_264] {strides = array<i32>} : memref<64x768xf32, #tpu.memory_space<vmem>>, vector<16xf32>,
      %parallel_loop3A_266 = arith.mulf %parallel_loop3A_265, %parallel_loop3A_18 : vector<16xf32>
      %parallel_loop3A_267 = arith.addf %parallel_loop3A_262, %parallel_loop3A_266 : vector<16xf32>
      %parallel_loop3A_268 = arith.index_cast %parallel_loop3A_15 : i32 to index
      %parallel_loop3A_269 = arith.constant 320 : index
      %parallel_loop3A_270 = tpu.vector_load %arg12[%parallel_loop3A_268, %parallel_loop3A_269] {strides = array<i32>} : memref<64x768xf32, #tpu.memory_space<vmem>>, vector<16xf32>,
      tpu.vector_store %arg12[%parallel_loop3A_268, %parallel_loop3A_269], %parallel_loop3A_267 {strides = array<i32>} : memref<64x768xf32, #tpu.memory_space<vmem>>, vector<16xf32>,
      %parallel_loop3A_271 = arith.index_cast %parallel_loop3A_15 : i32 to index
      %parallel_loop3A_272 = arith.constant 336 : index
      %parallel_loop3A_273 = tpu.vector_load %arg12[%parallel_loop3A_271, %parallel_loop3A_272] {strides = array<i32>} : memref<64x768xf32, #tpu.memory_space<vmem>>, vector<16xf32>,
      %parallel_loop3A_274 = arith.mulf %parallel_loop3A_273, %parallel_loop3A_17 : vector<16xf32>
      %parallel_loop3A_275 = arith.index_cast %parallel_loop3A_15 : i32 to index
      %parallel_loop3A_276 = arith.constant 336 : index
      %parallel_loop3A_277 = tpu.vector_load %arg13[%parallel_loop3A_275, %parallel_loop3A_276] {strides = array<i32>} : memref<64x768xf32, #tpu.memory_space<vmem>>, vector<16xf32>,
      %parallel_loop3A_278 = arith.mulf %parallel_loop3A_277, %parallel_loop3A_18 : vector<16xf32>
      %parallel_loop3A_279 = arith.addf %parallel_loop3A_274, %parallel_loop3A_278 : vector<16xf32>
      %parallel_loop3A_280 = arith.index_cast %parallel_loop3A_15 : i32 to index
      %parallel_loop3A_281 = arith.constant 336 : index
      %parallel_loop3A_282 = tpu.vector_load %arg12[%parallel_loop3A_280, %parallel_loop3A_281] {strides = array<i32>} : memref<64x768xf32, #tpu.memory_space<vmem>>, vector<16xf32>,
      tpu.vector_store %arg12[%parallel_loop3A_280, %parallel_loop3A_281], %parallel_loop3A_279 {strides = array<i32>} : memref<64x768xf32, #tpu.memory_space<vmem>>, vector<16xf32>,
      %parallel_loop3A_283 = arith.index_cast %parallel_loop3A_15 : i32 to index
      %parallel_loop3A_284 = arith.constant 352 : index
      %parallel_loop3A_285 = tpu.vector_load %arg12[%parallel_loop3A_283, %parallel_loop3A_284] {strides = array<i32>} : memref<64x768xf32, #tpu.memory_space<vmem>>, vector<16xf32>,
      %parallel_loop3A_286 = arith.mulf %parallel_loop3A_285, %parallel_loop3A_17 : vector<16xf32>
      %parallel_loop3A_287 = arith.index_cast %parallel_loop3A_15 : i32 to index
      %parallel_loop3A_288 = arith.constant 352 : index
      %parallel_loop3A_289 = tpu.vector_load %arg13[%parallel_loop3A_287, %parallel_loop3A_288] {strides = array<i32>} : memref<64x768xf32, #tpu.memory_space<vmem>>, vector<16xf32>,
      %parallel_loop3A_290 = arith.mulf %parallel_loop3A_289, %parallel_loop3A_18 : vector<16xf32>
      %parallel_loop3A_291 = arith.addf %parallel_loop3A_286, %parallel_loop3A_290 : vector<16xf32>
      %parallel_loop3A_292 = arith.index_cast %parallel_loop3A_15 : i32 to index
      %parallel_loop3A_293 = arith.constant 352 : index
      %parallel_loop3A_294 = tpu.vector_load %arg12[%parallel_loop3A_292, %parallel_loop3A_293] {strides = array<i32>} : memref<64x768xf32, #tpu.memory_space<vmem>>, vector<16xf32>,
      tpu.vector_store %arg12[%parallel_loop3A_292, %parallel_loop3A_293], %parallel_loop3A_291 {strides = array<i32>} : memref<64x768xf32, #tpu.memory_space<vmem>>, vector<16xf32>,
      %parallel_loop3A_295 = arith.index_cast %parallel_loop3A_15 : i32 to index
      %parallel_loop3A_296 = arith.constant 368 : index
      %parallel_loop3A_297 = tpu.vector_load %arg12[%parallel_loop3A_295, %parallel_loop3A_296] {strides = array<i32>} : memref<64x768xf32, #tpu.memory_space<vmem>>, vector<16xf32>,
      %parallel_loop3A_298 = arith.mulf %parallel_loop3A_297, %parallel_loop3A_17 : vector<16xf32>
      %parallel_loop3A_299 = arith.index_cast %parallel_loop3A_15 : i32 to index
      %parallel_loop3A_300 = arith.constant 368 : index
      %parallel_loop3A_301 = tpu.vector_load %arg13[%parallel_loop3A_299, %parallel_loop3A_300] {strides = array<i32>} : memref<64x768xf32, #tpu.memory_space<vmem>>, vector<16xf32>,
      %parallel_loop3A_302 = arith.mulf %parallel_loop3A_301, %parallel_loop3A_18 : vector<16xf32>
      %parallel_loop3A_303 = arith.addf %parallel_loop3A_298, %parallel_loop3A_302 : vector<16xf32>
      %parallel_loop3A_304 = arith.index_cast %parallel_loop3A_15 : i32 to index
      %parallel_loop3A_305 = arith.constant 368 : index
      %parallel_loop3A_306 = tpu.vector_load %arg12[%parallel_loop3A_304, %parallel_loop3A_305] {strides = array<i32>} : memref<64x768xf32, #tpu.memory_space<vmem>>, vector<16xf32>,
      tpu.vector_store %arg12[%parallel_loop3A_304, %parallel_loop3A_305], %parallel_loop3A_303 {strides = array<i32>} : memref<64x768xf32, #tpu.memory_space<vmem>>, vector<16xf32>,
      %parallel_loop3A_307 = arith.index_cast %parallel_loop3A_15 : i32 to index
      %parallel_loop3A_308 = arith.constant 384 : index
      %parallel_loop3A_309 = tpu.vector_load %arg12[%parallel_loop3A_307, %parallel_loop3A_308] {strides = array<i32>} : memref<64x768xf32, #tpu.memory_space<vmem>>, vector<16xf32>,
      %parallel_loop3A_310 = arith.mulf %parallel_loop3A_309, %parallel_loop3A_17 : vector<16xf32>
      %parallel_loop3A_311 = arith.index_cast %parallel_loop3A_15 : i32 to index
      %parallel_loop3A_312 = arith.constant 384 : index
      %parallel_loop3A_313 = tpu.vector_load %arg13[%parallel_loop3A_311, %parallel_loop3A_312] {strides = array<i32>} : memref<64x768xf32, #tpu.memory_space<vmem>>, vector<16xf32>,
      %parallel_loop3A_314 = arith.mulf %parallel_loop3A_313, %parallel_loop3A_18 : vector<16xf32>
      %parallel_loop3A_315 = arith.addf %parallel_loop3A_310, %parallel_loop3A_314 : vector<16xf32>
      %parallel_loop3A_316 = arith.index_cast %parallel_loop3A_15 : i32 to index
      %parallel_loop3A_317 = arith.constant 384 : index
      %parallel_loop3A_318 = tpu.vector_load %arg12[%parallel_loop3A_316, %parallel_loop3A_317] {strides = array<i32>} : memref<64x768xf32, #tpu.memory_space<vmem>>, vector<16xf32>,
      tpu.vector_store %arg12[%parallel_loop3A_316, %parallel_loop3A_317], %parallel_loop3A_315 {strides = array<i32>} : memref<64x768xf32, #tpu.memory_space<vmem>>, vector<16xf32>,
      %parallel_loop3A_319 = arith.index_cast %parallel_loop3A_15 : i32 to index
      %parallel_loop3A_320 = arith.constant 400 : index
      %parallel_loop3A_321 = tpu.vector_load %arg12[%parallel_loop3A_319, %parallel_loop3A_320] {strides = array<i32>} : memref<64x768xf32, #tpu.memory_space<vmem>>, vector<16xf32>,
      %parallel_loop3A_322 = arith.mulf %parallel_loop3A_321, %parallel_loop3A_17 : vector<16xf32>
      %parallel_loop3A_323 = arith.index_cast %parallel_loop3A_15 : i32 to index
      %parallel_loop3A_324 = arith.constant 400 : index
      %parallel_loop3A_325 = tpu.vector_load %arg13[%parallel_loop3A_323, %parallel_loop3A_324] {strides = array<i32>} : memref<64x768xf32, #tpu.memory_space<vmem>>, vector<16xf32>,
      %parallel_loop3A_326 = arith.mulf %parallel_loop3A_325, %parallel_loop3A_18 : vector<16xf32>
      %parallel_loop3A_327 = arith.addf %parallel_loop3A_322, %parallel_loop3A_326 : vector<16xf32>
      %parallel_loop3A_328 = arith.index_cast %parallel_loop3A_15 : i32 to index
      %parallel_loop3A_329 = arith.constant 400 : index
      %parallel_loop3A_330 = tpu.vector_load %arg12[%parallel_loop3A_328, %parallel_loop3A_329] {strides = array<i32>} : memref<64x768xf32, #tpu.memory_space<vmem>>, vector<16xf32>,
      tpu.vector_store %arg12[%parallel_loop3A_328, %parallel_loop3A_329], %parallel_loop3A_327 {strides = array<i32>} : memref<64x768xf32, #tpu.memory_space<vmem>>, vector<16xf32>,
      %parallel_loop3A_331 = arith.index_cast %parallel_loop3A_15 : i32 to index
      %parallel_loop3A_332 = arith.constant 416 : index
      %parallel_loop3A_333 = tpu.vector_load %arg12[%parallel_loop3A_331, %parallel_loop3A_332] {strides = array<i32>} : memref<64x768xf32, #tpu.memory_space<vmem>>, vector<16xf32>,
      %parallel_loop3A_334 = arith.mulf %parallel_loop3A_333, %parallel_loop3A_17 : vector<16xf32>
      %parallel_loop3A_335 = arith.index_cast %parallel_loop3A_15 : i32 to index
      %parallel_loop3A_336 = arith.constant 416 : index
      %parallel_loop3A_337 = tpu.vector_load %arg13[%parallel_loop3A_335, %parallel_loop3A_336] {strides = array<i32>} : memref<64x768xf32, #tpu.memory_space<vmem>>, vector<16xf32>,
      %parallel_loop3A_338 = arith.mulf %parallel_loop3A_337, %parallel_loop3A_18 : vector<16xf32>
      %parallel_loop3A_339 = arith.addf %parallel_loop3A_334, %parallel_loop3A_338 : vector<16xf32>
      %parallel_loop3A_340 = arith.index_cast %parallel_loop3A_15 : i32 to index
      %parallel_loop3A_341 = arith.constant 416 : index
      %parallel_loop3A_342 = tpu.vector_load %arg12[%parallel_loop3A_340, %parallel_loop3A_341] {strides = array<i32>} : memref<64x768xf32, #tpu.memory_space<vmem>>, vector<16xf32>,
      tpu.vector_store %arg12[%parallel_loop3A_340, %parallel_loop3A_341], %parallel_loop3A_339 {strides = array<i32>} : memref<64x768xf32, #tpu.memory_space<vmem>>, vector<16xf32>,
      %parallel_loop3A_343 = arith.index_cast %parallel_loop3A_15 : i32 to index
      %parallel_loop3A_344 = arith.constant 432 : index
      %parallel_loop3A_345 = tpu.vector_load %arg12[%parallel_loop3A_343, %parallel_loop3A_344] {strides = array<i32>} : memref<64x768xf32, #tpu.memory_space<vmem>>, vector<16xf32>,
      %parallel_loop3A_346 = arith.mulf %parallel_loop3A_345, %parallel_loop3A_17 : vector<16xf32>
      %parallel_loop3A_347 = arith.index_cast %parallel_loop3A_15 : i32 to index
      %parallel_loop3A_348 = arith.constant 432 : index
      %parallel_loop3A_349 = tpu.vector_load %arg13[%parallel_loop3A_347, %parallel_loop3A_348] {strides = array<i32>} : memref<64x768xf32, #tpu.memory_space<vmem>>, vector<16xf32>,
      %parallel_loop3A_350 = arith.mulf %parallel_loop3A_349, %parallel_loop3A_18 : vector<16xf32>
      %parallel_loop3A_351 = arith.addf %parallel_loop3A_346, %parallel_loop3A_350 : vector<16xf32>
      %parallel_loop3A_352 = arith.index_cast %parallel_loop3A_15 : i32 to index
      %parallel_loop3A_353 = arith.constant 432 : index
      %parallel_loop3A_354 = tpu.vector_load %arg12[%parallel_loop3A_352, %parallel_loop3A_353] {strides = array<i32>} : memref<64x768xf32, #tpu.memory_space<vmem>>, vector<16xf32>,
      tpu.vector_store %arg12[%parallel_loop3A_352, %parallel_loop3A_353], %parallel_loop3A_351 {strides = array<i32>} : memref<64x768xf32, #tpu.memory_space<vmem>>, vector<16xf32>,
      %parallel_loop3A_355 = arith.index_cast %parallel_loop3A_15 : i32 to index
      %parallel_loop3A_356 = arith.constant 448 : index
      %parallel_loop3A_357 = tpu.vector_load %arg12[%parallel_loop3A_355, %parallel_loop3A_356] {strides = array<i32>} : memref<64x768xf32, #tpu.memory_space<vmem>>, vector<16xf32>,
      %parallel_loop3A_358 = arith.mulf %parallel_loop3A_357, %parallel_loop3A_17 : vector<16xf32>
      %parallel_loop3A_359 = arith.index_cast %parallel_loop3A_15 : i32 to index
      %parallel_loop3A_360 = arith.constant 448 : index
      %parallel_loop3A_361 = tpu.vector_load %arg13[%parallel_loop3A_359, %parallel_loop3A_360] {strides = array<i32>} : memref<64x768xf32, #tpu.memory_space<vmem>>, vector<16xf32>,
      %parallel_loop3A_362 = arith.mulf %parallel_loop3A_361, %parallel_loop3A_18 : vector<16xf32>
      %parallel_loop3A_363 = arith.addf %parallel_loop3A_358, %parallel_loop3A_362 : vector<16xf32>
      %parallel_loop3A_364 = arith.index_cast %parallel_loop3A_15 : i32 to index
      %parallel_loop3A_365 = arith.constant 448 : index
      %parallel_loop3A_366 = tpu.vector_load %arg12[%parallel_loop3A_364, %parallel_loop3A_365] {strides = array<i32>} : memref<64x768xf32, #tpu.memory_space<vmem>>, vector<16xf32>,
      tpu.vector_store %arg12[%parallel_loop3A_364, %parallel_loop3A_365], %parallel_loop3A_363 {strides = array<i32>} : memref<64x768xf32, #tpu.memory_space<vmem>>, vector<16xf32>,
      %parallel_loop3A_367 = arith.index_cast %parallel_loop3A_15 : i32 to index
      %parallel_loop3A_368 = arith.constant 464 : index
      %parallel_loop3A_369 = tpu.vector_load %arg12[%parallel_loop3A_367, %parallel_loop3A_368] {strides = array<i32>} : memref<64x768xf32, #tpu.memory_space<vmem>>, vector<16xf32>,
      %parallel_loop3A_370 = arith.mulf %parallel_loop3A_369, %parallel_loop3A_17 : vector<16xf32>
      %parallel_loop3A_371 = arith.index_cast %parallel_loop3A_15 : i32 to index
      %parallel_loop3A_372 = arith.constant 464 : index
      %parallel_loop3A_373 = tpu.vector_load %arg13[%parallel_loop3A_371, %parallel_loop3A_372] {strides = array<i32>} : memref<64x768xf32, #tpu.memory_space<vmem>>, vector<16xf32>,
      %parallel_loop3A_374 = arith.mulf %parallel_loop3A_373, %parallel_loop3A_18 : vector<16xf32>
      %parallel_loop3A_375 = arith.addf %parallel_loop3A_370, %parallel_loop3A_374 : vector<16xf32>
      %parallel_loop3A_376 = arith.index_cast %parallel_loop3A_15 : i32 to index
      %parallel_loop3A_377 = arith.constant 464 : index
      %parallel_loop3A_378 = tpu.vector_load %arg12[%parallel_loop3A_376, %parallel_loop3A_377] {strides = array<i32>} : memref<64x768xf32, #tpu.memory_space<vmem>>, vector<16xf32>,
      tpu.vector_store %arg12[%parallel_loop3A_376, %parallel_loop3A_377], %parallel_loop3A_375 {strides = array<i32>} : memref<64x768xf32, #tpu.memory_space<vmem>>, vector<16xf32>,
      %parallel_loop3A_379 = arith.index_cast %parallel_loop3A_15 : i32 to index
      %parallel_loop3A_380 = arith.constant 480 : index
      %parallel_loop3A_381 = tpu.vector_load %arg12[%parallel_loop3A_379, %parallel_loop3A_380] {strides = array<i32>} : memref<64x768xf32, #tpu.memory_space<vmem>>, vector<16xf32>,
      %parallel_loop3A_382 = arith.mulf %parallel_loop3A_381, %parallel_loop3A_17 : vector<16xf32>
      %parallel_loop3A_383 = arith.index_cast %parallel_loop3A_15 : i32 to index
      %parallel_loop3A_384 = arith.constant 480 : index
      %parallel_loop3A_385 = tpu.vector_load %arg13[%parallel_loop3A_383, %parallel_loop3A_384] {strides = array<i32>} : memref<64x768xf32, #tpu.memory_space<vmem>>, vector<16xf32>,
      %parallel_loop3A_386 = arith.mulf %parallel_loop3A_385, %parallel_loop3A_18 : vector<16xf32>
      %parallel_loop3A_387 = arith.addf %parallel_loop3A_382, %parallel_loop3A_386 : vector<16xf32>
      %parallel_loop3A_388 = arith.index_cast %parallel_loop3A_15 : i32 to index
      %parallel_loop3A_389 = arith.constant 480 : index
      %parallel_loop3A_390 = tpu.vector_load %arg12[%parallel_loop3A_388, %parallel_loop3A_389] {strides = array<i32>} : memref<64x768xf32, #tpu.memory_space<vmem>>, vector<16xf32>,
      tpu.vector_store %arg12[%parallel_loop3A_388, %parallel_loop3A_389], %parallel_loop3A_387 {strides = array<i32>} : memref<64x768xf32, #tpu.memory_space<vmem>>, vector<16xf32>,
      %parallel_loop3A_391 = arith.index_cast %parallel_loop3A_15 : i32 to index
      %parallel_loop3A_392 = arith.constant 496 : index
      %parallel_loop3A_393 = tpu.vector_load %arg12[%parallel_loop3A_391, %parallel_loop3A_392] {strides = array<i32>} : memref<64x768xf32, #tpu.memory_space<vmem>>, vector<16xf32>,
      %parallel_loop3A_394 = arith.mulf %parallel_loop3A_393, %parallel_loop3A_17 : vector<16xf32>
      %parallel_loop3A_395 = arith.index_cast %parallel_loop3A_15 : i32 to index
      %parallel_loop3A_396 = arith.constant 496 : index
      %parallel_loop3A_397 = tpu.vector_load %arg13[%parallel_loop3A_395, %parallel_loop3A_396] {strides = array<i32>} : memref<64x768xf32, #tpu.memory_space<vmem>>, vector<16xf32>,
      %parallel_loop3A_398 = arith.mulf %parallel_loop3A_397, %parallel_loop3A_18 : vector<16xf32>
      %parallel_loop3A_399 = arith.addf %parallel_loop3A_394, %parallel_loop3A_398 : vector<16xf32>
      %parallel_loop3A_400 = arith.index_cast %parallel_loop3A_15 : i32 to index
      %parallel_loop3A_401 = arith.constant 496 : index
      %parallel_loop3A_402 = tpu.vector_load %arg12[%parallel_loop3A_400, %parallel_loop3A_401] {strides = array<i32>} : memref<64x768xf32, #tpu.memory_space<vmem>>, vector<16xf32>,
      tpu.vector_store %arg12[%parallel_loop3A_400, %parallel_loop3A_401], %parallel_loop3A_399 {strides = array<i32>} : memref<64x768xf32, #tpu.memory_space<vmem>>, vector<16xf32>,
      %parallel_loop3A_403 = arith.index_cast %parallel_loop3A_15 : i32 to index
      %parallel_loop3A_404 = arith.constant 512 : index
      %parallel_loop3A_405 = tpu.vector_load %arg12[%parallel_loop3A_403, %parallel_loop3A_404] {strides = array<i32>} : memref<64x768xf32, #tpu.memory_space<vmem>>, vector<16xf32>,
      %parallel_loop3A_406 = arith.mulf %parallel_loop3A_405, %parallel_loop3A_17 : vector<16xf32>
      %parallel_loop3A_407 = arith.index_cast %parallel_loop3A_15 : i32 to index
      %parallel_loop3A_408 = arith.constant 512 : index
      %parallel_loop3A_409 = tpu.vector_load %arg13[%parallel_loop3A_407, %parallel_loop3A_408] {strides = array<i32>} : memref<64x768xf32, #tpu.memory_space<vmem>>, vector<16xf32>,
      %parallel_loop3A_410 = arith.mulf %parallel_loop3A_409, %parallel_loop3A_18 : vector<16xf32>
      %parallel_loop3A_411 = arith.addf %parallel_loop3A_406, %parallel_loop3A_410 : vector<16xf32>
      %parallel_loop3A_412 = arith.index_cast %parallel_loop3A_15 : i32 to index
      %parallel_loop3A_413 = arith.constant 512 : index
      %parallel_loop3A_414 = tpu.vector_load %arg12[%parallel_loop3A_412, %parallel_loop3A_413] {strides = array<i32>} : memref<64x768xf32, #tpu.memory_space<vmem>>, vector<16xf32>,
      tpu.vector_store %arg12[%parallel_loop3A_412, %parallel_loop3A_413], %parallel_loop3A_411 {strides = array<i32>} : memref<64x768xf32, #tpu.memory_space<vmem>>, vector<16xf32>,
      %parallel_loop3A_415 = arith.index_cast %parallel_loop3A_15 : i32 to index
      %parallel_loop3A_416 = arith.constant 528 : index
      %parallel_loop3A_417 = tpu.vector_load %arg12[%parallel_loop3A_415, %parallel_loop3A_416] {strides = array<i32>} : memref<64x768xf32, #tpu.memory_space<vmem>>, vector<16xf32>,
      %parallel_loop3A_418 = arith.mulf %parallel_loop3A_417, %parallel_loop3A_17 : vector<16xf32>
      %parallel_loop3A_419 = arith.index_cast %parallel_loop3A_15 : i32 to index
      %parallel_loop3A_420 = arith.constant 528 : index
      %parallel_loop3A_421 = tpu.vector_load %arg13[%parallel_loop3A_419, %parallel_loop3A_420] {strides = array<i32>} : memref<64x768xf32, #tpu.memory_space<vmem>>, vector<16xf32>,
      %parallel_loop3A_422 = arith.mulf %parallel_loop3A_421, %parallel_loop3A_18 : vector<16xf32>
      %parallel_loop3A_423 = arith.addf %parallel_loop3A_418, %parallel_loop3A_422 : vector<16xf32>
      %parallel_loop3A_424 = arith.index_cast %parallel_loop3A_15 : i32 to index
      %parallel_loop3A_425 = arith.constant 528 : index
      %parallel_loop3A_426 = tpu.vector_load %arg12[%parallel_loop3A_424, %parallel_loop3A_425] {strides = array<i32>} : memref<64x768xf32, #tpu.memory_space<vmem>>, vector<16xf32>,
      tpu.vector_store %arg12[%parallel_loop3A_424, %parallel_loop3A_425], %parallel_loop3A_423 {strides = array<i32>} : memref<64x768xf32, #tpu.memory_space<vmem>>, vector<16xf32>,
      %parallel_loop3A_427 = arith.index_cast %parallel_loop3A_15 : i32 to index
      %parallel_loop3A_428 = arith.constant 544 : index
      %parallel_loop3A_429 = tpu.vector_load %arg12[%parallel_loop3A_427, %parallel_loop3A_428] {strides = array<i32>} : memref<64x768xf32, #tpu.memory_space<vmem>>, vector<16xf32>,
      %parallel_loop3A_430 = arith.mulf %parallel_loop3A_429, %parallel_loop3A_17 : vector<16xf32>
      %parallel_loop3A_431 = arith.index_cast %parallel_loop3A_15 : i32 to index
      %parallel_loop3A_432 = arith.constant 544 : index
      %parallel_loop3A_433 = tpu.vector_load %arg13[%parallel_loop3A_431, %parallel_loop3A_432] {strides = array<i32>} : memref<64x768xf32, #tpu.memory_space<vmem>>, vector<16xf32>,
      %parallel_loop3A_434 = arith.mulf %parallel_loop3A_433, %parallel_loop3A_18 : vector<16xf32>
      %parallel_loop3A_435 = arith.addf %parallel_loop3A_430, %parallel_loop3A_434 : vector<16xf32>
      %parallel_loop3A_436 = arith.index_cast %parallel_loop3A_15 : i32 to index
      %parallel_loop3A_437 = arith.constant 544 : index
      %parallel_loop3A_438 = tpu.vector_load %arg12[%parallel_loop3A_436, %parallel_loop3A_437] {strides = array<i32>} : memref<64x768xf32, #tpu.memory_space<vmem>>, vector<16xf32>,
      tpu.vector_store %arg12[%parallel_loop3A_436, %parallel_loop3A_437], %parallel_loop3A_435 {strides = array<i32>} : memref<64x768xf32, #tpu.memory_space<vmem>>, vector<16xf32>,
      %parallel_loop3A_439 = arith.index_cast %parallel_loop3A_15 : i32 to index
      %parallel_loop3A_440 = arith.constant 560 : index
      %parallel_loop3A_441 = tpu.vector_load %arg12[%parallel_loop3A_439, %parallel_loop3A_440] {strides = array<i32>} : memref<64x768xf32, #tpu.memory_space<vmem>>, vector<16xf32>,
      %parallel_loop3A_442 = arith.mulf %parallel_loop3A_441, %parallel_loop3A_17 : vector<16xf32>
      %parallel_loop3A_443 = arith.index_cast %parallel_loop3A_15 : i32 to index
      %parallel_loop3A_444 = arith.constant 560 : index
      %parallel_loop3A_445 = tpu.vector_load %arg13[%parallel_loop3A_443, %parallel_loop3A_444] {strides = array<i32>} : memref<64x768xf32, #tpu.memory_space<vmem>>, vector<16xf32>,
      %parallel_loop3A_446 = arith.mulf %parallel_loop3A_445, %parallel_loop3A_18 : vector<16xf32>
      %parallel_loop3A_447 = arith.addf %parallel_loop3A_442, %parallel_loop3A_446 : vector<16xf32>
      %parallel_loop3A_448 = arith.index_cast %parallel_loop3A_15 : i32 to index
      %parallel_loop3A_449 = arith.constant 560 : index
      %parallel_loop3A_450 = tpu.vector_load %arg12[%parallel_loop3A_448, %parallel_loop3A_449] {strides = array<i32>} : memref<64x768xf32, #tpu.memory_space<vmem>>, vector<16xf32>,
      tpu.vector_store %arg12[%parallel_loop3A_448, %parallel_loop3A_449], %parallel_loop3A_447 {strides = array<i32>} : memref<64x768xf32, #tpu.memory_space<vmem>>, vector<16xf32>,
      %parallel_loop3A_451 = arith.index_cast %parallel_loop3A_15 : i32 to index
      %parallel_loop3A_452 = arith.constant 576 : index
      %parallel_loop3A_453 = tpu.vector_load %arg12[%parallel_loop3A_451, %parallel_loop3A_452] {strides = array<i32>} : memref<64x768xf32, #tpu.memory_space<vmem>>, vector<16xf32>,
      %parallel_loop3A_454 = arith.mulf %parallel_loop3A_453, %parallel_loop3A_17 : vector<16xf32>
      %parallel_loop3A_455 = arith.index_cast %parallel_loop3A_15 : i32 to index
      %parallel_loop3A_456 = arith.constant 576 : index
      %parallel_loop3A_457 = tpu.vector_load %arg13[%parallel_loop3A_455, %parallel_loop3A_456] {strides = array<i32>} : memref<64x768xf32, #tpu.memory_space<vmem>>, vector<16xf32>,
      %parallel_loop3A_458 = arith.mulf %parallel_loop3A_457, %parallel_loop3A_18 : vector<16xf32>
      %parallel_loop3A_459 = arith.addf %parallel_loop3A_454, %parallel_loop3A_458 : vector<16xf32>
      %parallel_loop3A_460 = arith.index_cast %parallel_loop3A_15 : i32 to index
      %parallel_loop3A_461 = arith.constant 576 : index
      %parallel_loop3A_462 = tpu.vector_load %arg12[%parallel_loop3A_460, %parallel_loop3A_461] {strides = array<i32>} : memref<64x768xf32, #tpu.memory_space<vmem>>, vector<16xf32>,
      tpu.vector_store %arg12[%parallel_loop3A_460, %parallel_loop3A_461], %parallel_loop3A_459 {strides = array<i32>} : memref<64x768xf32, #tpu.memory_space<vmem>>, vector<16xf32>,
      %parallel_loop3A_463 = arith.index_cast %parallel_loop3A_15 : i32 to index
      %parallel_loop3A_464 = arith.constant 592 : index
      %parallel_loop3A_465 = tpu.vector_load %arg12[%parallel_loop3A_463, %parallel_loop3A_464] {strides = array<i32>} : memref<64x768xf32, #tpu.memory_space<vmem>>, vector<16xf32>,
      %parallel_loop3A_466 = arith.mulf %parallel_loop3A_465, %parallel_loop3A_17 : vector<16xf32>
      %parallel_loop3A_467 = arith.index_cast %parallel_loop3A_15 : i32 to index
      %parallel_loop3A_468 = arith.constant 592 : index
      %parallel_loop3A_469 = tpu.vector_load %arg13[%parallel_loop3A_467, %parallel_loop3A_468] {strides = array<i32>} : memref<64x768xf32, #tpu.memory_space<vmem>>, vector<16xf32>,
      %parallel_loop3A_470 = arith.mulf %parallel_loop3A_469, %parallel_loop3A_18 : vector<16xf32>
      %parallel_loop3A_471 = arith.addf %parallel_loop3A_466, %parallel_loop3A_470 : vector<16xf32>
      %parallel_loop3A_472 = arith.index_cast %parallel_loop3A_15 : i32 to index
      %parallel_loop3A_473 = arith.constant 592 : index
      %parallel_loop3A_474 = tpu.vector_load %arg12[%parallel_loop3A_472, %parallel_loop3A_473] {strides = array<i32>} : memref<64x768xf32, #tpu.memory_space<vmem>>, vector<16xf32>,
      tpu.vector_store %arg12[%parallel_loop3A_472, %parallel_loop3A_473], %parallel_loop3A_471 {strides = array<i32>} : memref<64x768xf32, #tpu.memory_space<vmem>>, vector<16xf32>,
      %parallel_loop3A_475 = arith.index_cast %parallel_loop3A_15 : i32 to index
      %parallel_loop3A_476 = arith.constant 608 : index
      %parallel_loop3A_477 = tpu.vector_load %arg12[%parallel_loop3A_475, %parallel_loop3A_476] {strides = array<i32>} : memref<64x768xf32, #tpu.memory_space<vmem>>, vector<16xf32>,
      %parallel_loop3A_478 = arith.mulf %parallel_loop3A_477, %parallel_loop3A_17 : vector<16xf32>
      %parallel_loop3A_479 = arith.index_cast %parallel_loop3A_15 : i32 to index
      %parallel_loop3A_480 = arith.constant 608 : index
      %parallel_loop3A_481 = tpu.vector_load %arg13[%parallel_loop3A_479, %parallel_loop3A_480] {strides = array<i32>} : memref<64x768xf32, #tpu.memory_space<vmem>>, vector<16xf32>,
      %parallel_loop3A_482 = arith.mulf %parallel_loop3A_481, %parallel_loop3A_18 : vector<16xf32>
      %parallel_loop3A_483 = arith.addf %parallel_loop3A_478, %parallel_loop3A_482 : vector<16xf32>
      %parallel_loop3A_484 = arith.index_cast %parallel_loop3A_15 : i32 to index
      %parallel_loop3A_485 = arith.constant 608 : index
      %parallel_loop3A_486 = tpu.vector_load %arg12[%parallel_loop3A_484, %parallel_loop3A_485] {strides = array<i32>} : memref<64x768xf32, #tpu.memory_space<vmem>>, vector<16xf32>,
      tpu.vector_store %arg12[%parallel_loop3A_484, %parallel_loop3A_485], %parallel_loop3A_483 {strides = array<i32>} : memref<64x768xf32, #tpu.memory_space<vmem>>, vector<16xf32>,
      %parallel_loop3A_487 = arith.index_cast %parallel_loop3A_15 : i32 to index
      %parallel_loop3A_488 = arith.constant 624 : index
      %parallel_loop3A_489 = tpu.vector_load %arg12[%parallel_loop3A_487, %parallel_loop3A_488] {strides = array<i32>} : memref<64x768xf32, #tpu.memory_space<vmem>>, vector<16xf32>,
      %parallel_loop3A_490 = arith.mulf %parallel_loop3A_489, %parallel_loop3A_17 : vector<16xf32>
      %parallel_loop3A_491 = arith.index_cast %parallel_loop3A_15 : i32 to index
      %parallel_loop3A_492 = arith.constant 624 : index
      %parallel_loop3A_493 = tpu.vector_load %arg13[%parallel_loop3A_491, %parallel_loop3A_492] {strides = array<i32>} : memref<64x768xf32, #tpu.memory_space<vmem>>, vector<16xf32>,
      %parallel_loop3A_494 = arith.mulf %parallel_loop3A_493, %parallel_loop3A_18 : vector<16xf32>
      %parallel_loop3A_495 = arith.addf %parallel_loop3A_490, %parallel_loop3A_494 : vector<16xf32>
      %parallel_loop3A_496 = arith.index_cast %parallel_loop3A_15 : i32 to index
      %parallel_loop3A_497 = arith.constant 624 : index
      %parallel_loop3A_498 = tpu.vector_load %arg12[%parallel_loop3A_496, %parallel_loop3A_497] {strides = array<i32>} : memref<64x768xf32, #tpu.memory_space<vmem>>, vector<16xf32>,
      tpu.vector_store %arg12[%parallel_loop3A_496, %parallel_loop3A_497], %parallel_loop3A_495 {strides = array<i32>} : memref<64x768xf32, #tpu.memory_space<vmem>>, vector<16xf32>,
      %parallel_loop3A_499 = arith.index_cast %parallel_loop3A_15 : i32 to index
      %parallel_loop3A_500 = arith.constant 640 : index
      %parallel_loop3A_501 = tpu.vector_load %arg12[%parallel_loop3A_499, %parallel_loop3A_500] {strides = array<i32>} : memref<64x768xf32, #tpu.memory_space<vmem>>, vector<16xf32>,
      %parallel_loop3A_502 = arith.mulf %parallel_loop3A_501, %parallel_loop3A_17 : vector<16xf32>
      %parallel_loop3A_503 = arith.index_cast %parallel_loop3A_15 : i32 to index
      %parallel_loop3A_504 = arith.constant 640 : index
      %parallel_loop3A_505 = tpu.vector_load %arg13[%parallel_loop3A_503, %parallel_loop3A_504] {strides = array<i32>} : memref<64x768xf32, #tpu.memory_space<vmem>>, vector<16xf32>,
      %parallel_loop3A_506 = arith.mulf %parallel_loop3A_505, %parallel_loop3A_18 : vector<16xf32>
      %parallel_loop3A_507 = arith.addf %parallel_loop3A_502, %parallel_loop3A_506 : vector<16xf32>
      %parallel_loop3A_508 = arith.index_cast %parallel_loop3A_15 : i32 to index
      %parallel_loop3A_509 = arith.constant 640 : index
      %parallel_loop3A_510 = tpu.vector_load %arg12[%parallel_loop3A_508, %parallel_loop3A_509] {strides = array<i32>} : memref<64x768xf32, #tpu.memory_space<vmem>>, vector<16xf32>,
      tpu.vector_store %arg12[%parallel_loop3A_508, %parallel_loop3A_509], %parallel_loop3A_507 {strides = array<i32>} : memref<64x768xf32, #tpu.memory_space<vmem>>, vector<16xf32>,
      %parallel_loop3A_511 = arith.index_cast %parallel_loop3A_15 : i32 to index
      %parallel_loop3A_512 = arith.constant 656 : index
      %parallel_loop3A_513 = tpu.vector_load %arg12[%parallel_loop3A_511, %parallel_loop3A_512] {strides = array<i32>} : memref<64x768xf32, #tpu.memory_space<vmem>>, vector<16xf32>,
      %parallel_loop3A_514 = arith.mulf %parallel_loop3A_513, %parallel_loop3A_17 : vector<16xf32>
      %parallel_loop3A_515 = arith.index_cast %parallel_loop3A_15 : i32 to index
      %parallel_loop3A_516 = arith.constant 656 : index
      %parallel_loop3A_517 = tpu.vector_load %arg13[%parallel_loop3A_515, %parallel_loop3A_516] {strides = array<i32>} : memref<64x768xf32, #tpu.memory_space<vmem>>, vector<16xf32>,
      %parallel_loop3A_518 = arith.mulf %parallel_loop3A_517, %parallel_loop3A_18 : vector<16xf32>
      %parallel_loop3A_519 = arith.addf %parallel_loop3A_514, %parallel_loop3A_518 : vector<16xf32>
      %parallel_loop3A_520 = arith.index_cast %parallel_loop3A_15 : i32 to index
      %parallel_loop3A_521 = arith.constant 656 : index
      %parallel_loop3A_522 = tpu.vector_load %arg12[%parallel_loop3A_520, %parallel_loop3A_521] {strides = array<i32>} : memref<64x768xf32, #tpu.memory_space<vmem>>, vector<16xf32>,
      tpu.vector_store %arg12[%parallel_loop3A_520, %parallel_loop3A_521], %parallel_loop3A_519 {strides = array<i32>} : memref<64x768xf32, #tpu.memory_space<vmem>>, vector<16xf32>,
      %parallel_loop3A_523 = arith.index_cast %parallel_loop3A_15 : i32 to index
      %parallel_loop3A_524 = arith.constant 672 : index
      %parallel_loop3A_525 = tpu.vector_load %arg12[%parallel_loop3A_523, %parallel_loop3A_524] {strides = array<i32>} : memref<64x768xf32, #tpu.memory_space<vmem>>, vector<16xf32>,
      %parallel_loop3A_526 = arith.mulf %parallel_loop3A_525, %parallel_loop3A_17 : vector<16xf32>
      %parallel_loop3A_527 = arith.index_cast %parallel_loop3A_15 : i32 to index
      %parallel_loop3A_528 = arith.constant 672 : index
      %parallel_loop3A_529 = tpu.vector_load %arg13[%parallel_loop3A_527, %parallel_loop3A_528] {strides = array<i32>} : memref<64x768xf32, #tpu.memory_space<vmem>>, vector<16xf32>,
      %parallel_loop3A_530 = arith.mulf %parallel_loop3A_529, %parallel_loop3A_18 : vector<16xf32>
      %parallel_loop3A_531 = arith.addf %parallel_loop3A_526, %parallel_loop3A_530 : vector<16xf32>
      %parallel_loop3A_532 = arith.index_cast %parallel_loop3A_15 : i32 to index
      %parallel_loop3A_533 = arith.constant 672 : index
      %parallel_loop3A_534 = tpu.vector_load %arg12[%parallel_loop3A_532, %parallel_loop3A_533] {strides = array<i32>} : memref<64x768xf32, #tpu.memory_space<vmem>>, vector<16xf32>,
      tpu.vector_store %arg12[%parallel_loop3A_532, %parallel_loop3A_533], %parallel_loop3A_531 {strides = array<i32>} : memref<64x768xf32, #tpu.memory_space<vmem>>, vector<16xf32>,
      %parallel_loop3A_535 = arith.index_cast %parallel_loop3A_15 : i32 to index
      %parallel_loop3A_536 = arith.constant 688 : index
      %parallel_loop3A_537 = tpu.vector_load %arg12[%parallel_loop3A_535, %parallel_loop3A_536] {strides = array<i32>} : memref<64x768xf32, #tpu.memory_space<vmem>>, vector<16xf32>,
      %parallel_loop3A_538 = arith.mulf %parallel_loop3A_537, %parallel_loop3A_17 : vector<16xf32>
      %parallel_loop3A_539 = arith.index_cast %parallel_loop3A_15 : i32 to index
      %parallel_loop3A_540 = arith.constant 688 : index
      %parallel_loop3A_541 = tpu.vector_load %arg13[%parallel_loop3A_539, %parallel_loop3A_540] {strides = array<i32>} : memref<64x768xf32, #tpu.memory_space<vmem>>, vector<16xf32>,
      %parallel_loop3A_542 = arith.mulf %parallel_loop3A_541, %parallel_loop3A_18 : vector<16xf32>
      %parallel_loop3A_543 = arith.addf %parallel_loop3A_538, %parallel_loop3A_542 : vector<16xf32>
      %parallel_loop3A_544 = arith.index_cast %parallel_loop3A_15 : i32 to index
      %parallel_loop3A_545 = arith.constant 688 : index
      %parallel_loop3A_546 = tpu.vector_load %arg12[%parallel_loop3A_544, %parallel_loop3A_545] {strides = array<i32>} : memref<64x768xf32, #tpu.memory_space<vmem>>, vector<16xf32>,
      tpu.vector_store %arg12[%parallel_loop3A_544, %parallel_loop3A_545], %parallel_loop3A_543 {strides = array<i32>} : memref<64x768xf32, #tpu.memory_space<vmem>>, vector<16xf32>,
      %parallel_loop3A_547 = arith.index_cast %parallel_loop3A_15 : i32 to index
      %parallel_loop3A_548 = arith.constant 704 : index
      %parallel_loop3A_549 = tpu.vector_load %arg12[%parallel_loop3A_547, %parallel_loop3A_548] {strides = array<i32>} : memref<64x768xf32, #tpu.memory_space<vmem>>, vector<16xf32>,
      %parallel_loop3A_550 = arith.mulf %parallel_loop3A_549, %parallel_loop3A_17 : vector<16xf32>
      %parallel_loop3A_551 = arith.index_cast %parallel_loop3A_15 : i32 to index
      %parallel_loop3A_552 = arith.constant 704 : index
      %parallel_loop3A_553 = tpu.vector_load %arg13[%parallel_loop3A_551, %parallel_loop3A_552] {strides = array<i32>} : memref<64x768xf32, #tpu.memory_space<vmem>>, vector<16xf32>,
      %parallel_loop3A_554 = arith.mulf %parallel_loop3A_553, %parallel_loop3A_18 : vector<16xf32>
      %parallel_loop3A_555 = arith.addf %parallel_loop3A_550, %parallel_loop3A_554 : vector<16xf32>
      %parallel_loop3A_556 = arith.index_cast %parallel_loop3A_15 : i32 to index
      %parallel_loop3A_557 = arith.constant 704 : index
      %parallel_loop3A_558 = tpu.vector_load %arg12[%parallel_loop3A_556, %parallel_loop3A_557] {strides = array<i32>} : memref<64x768xf32, #tpu.memory_space<vmem>>, vector<16xf32>,
      tpu.vector_store %arg12[%parallel_loop3A_556, %parallel_loop3A_557], %parallel_loop3A_555 {strides = array<i32>} : memref<64x768xf32, #tpu.memory_space<vmem>>, vector<16xf32>,
      %parallel_loop3A_559 = arith.index_cast %parallel_loop3A_15 : i32 to index
      %parallel_loop3A_560 = arith.constant 720 : index
      %parallel_loop3A_561 = tpu.vector_load %arg12[%parallel_loop3A_559, %parallel_loop3A_560] {strides = array<i32>} : memref<64x768xf32, #tpu.memory_space<vmem>>, vector<16xf32>,
      %parallel_loop3A_562 = arith.mulf %parallel_loop3A_561, %parallel_loop3A_17 : vector<16xf32>
      %parallel_loop3A_563 = arith.index_cast %parallel_loop3A_15 : i32 to index
      %parallel_loop3A_564 = arith.constant 720 : index
      %parallel_loop3A_565 = tpu.vector_load %arg13[%parallel_loop3A_563, %parallel_loop3A_564] {strides = array<i32>} : memref<64x768xf32, #tpu.memory_space<vmem>>, vector<16xf32>,
      %parallel_loop3A_566 = arith.mulf %parallel_loop3A_565, %parallel_loop3A_18 : vector<16xf32>
      %parallel_loop3A_567 = arith.addf %parallel_loop3A_562, %parallel_loop3A_566 : vector<16xf32>
      %parallel_loop3A_568 = arith.index_cast %parallel_loop3A_15 : i32 to index
      %parallel_loop3A_569 = arith.constant 720 : index
      %parallel_loop3A_570 = tpu.vector_load %arg12[%parallel_loop3A_568, %parallel_loop3A_569] {strides = array<i32>} : memref<64x768xf32, #tpu.memory_space<vmem>>, vector<16xf32>,
      tpu.vector_store %arg12[%parallel_loop3A_568, %parallel_loop3A_569], %parallel_loop3A_567 {strides = array<i32>} : memref<64x768xf32, #tpu.memory_space<vmem>>, vector<16xf32>,
      %parallel_loop3A_571 = arith.index_cast %parallel_loop3A_15 : i32 to index
      %parallel_loop3A_572 = arith.constant 736 : index
      %parallel_loop3A_573 = tpu.vector_load %arg12[%parallel_loop3A_571, %parallel_loop3A_572] {strides = array<i32>} : memref<64x768xf32, #tpu.memory_space<vmem>>, vector<16xf32>,
      %parallel_loop3A_574 = arith.mulf %parallel_loop3A_573, %parallel_loop3A_17 : vector<16xf32>
      %parallel_loop3A_575 = arith.index_cast %parallel_loop3A_15 : i32 to index
      %parallel_loop3A_576 = arith.constant 736 : index
      %parallel_loop3A_577 = tpu.vector_load %arg13[%parallel_loop3A_575, %parallel_loop3A_576] {strides = array<i32>} : memref<64x768xf32, #tpu.memory_space<vmem>>, vector<16xf32>,
      %parallel_loop3A_578 = arith.mulf %parallel_loop3A_577, %parallel_loop3A_18 : vector<16xf32>
      %parallel_loop3A_579 = arith.addf %parallel_loop3A_574, %parallel_loop3A_578 : vector<16xf32>
      %parallel_loop3A_580 = arith.index_cast %parallel_loop3A_15 : i32 to index
      %parallel_loop3A_581 = arith.constant 736 : index
      %parallel_loop3A_582 = tpu.vector_load %arg12[%parallel_loop3A_580, %parallel_loop3A_581] {strides = array<i32>} : memref<64x768xf32, #tpu.memory_space<vmem>>, vector<16xf32>,
      tpu.vector_store %arg12[%parallel_loop3A_580, %parallel_loop3A_581], %parallel_loop3A_579 {strides = array<i32>} : memref<64x768xf32, #tpu.memory_space<vmem>>, vector<16xf32>,
      %parallel_loop3A_583 = arith.index_cast %parallel_loop3A_15 : i32 to index
      %parallel_loop3A_584 = arith.constant 752 : index
      %parallel_loop3A_585 = tpu.vector_load %arg12[%parallel_loop3A_583, %parallel_loop3A_584] {strides = array<i32>} : memref<64x768xf32, #tpu.memory_space<vmem>>, vector<16xf32>,
      %parallel_loop3A_586 = arith.mulf %parallel_loop3A_585, %parallel_loop3A_17 : vector<16xf32>
      %parallel_loop3A_587 = arith.index_cast %parallel_loop3A_15 : i32 to index
      %parallel_loop3A_588 = arith.constant 752 : index
      %parallel_loop3A_589 = tpu.vector_load %arg13[%parallel_loop3A_587, %parallel_loop3A_588] {strides = array<i32>} : memref<64x768xf32, #tpu.memory_space<vmem>>, vector<16xf32>,
      %parallel_loop3A_590 = arith.mulf %parallel_loop3A_589, %parallel_loop3A_18 : vector<16xf32>
      %parallel_loop3A_591 = arith.addf %parallel_loop3A_586, %parallel_loop3A_590 : vector<16xf32>
      %parallel_loop3A_592 = arith.index_cast %parallel_loop3A_15 : i32 to index
      %parallel_loop3A_593 = arith.constant 752 : index
      %parallel_loop3A_594 = tpu.vector_load %arg12[%parallel_loop3A_592, %parallel_loop3A_593] {strides = array<i32>} : memref<64x768xf32, #tpu.memory_space<vmem>>, vector<16xf32>,
      tpu.vector_store %arg12[%parallel_loop3A_592, %parallel_loop3A_593], %parallel_loop3A_591 {strides = array<i32>} : memref<64x768xf32, #tpu.memory_space<vmem>>, vector<16xf32>,
    } {sc.loop_unroll_factor = 2 : i64, sc.parallel_access}
    "tpu.region"() ({
      %run_scoped3A = tpu.sem_alloc : memref<!tpu.dma_semaphore, #tpu.memory_space<semaphore_mem>>
      %dma_start3A_15 = arith.constant 0 : i32
      %dma_start3A_16 = tpu.memref_slice %arg7[%mul3A_2, %dma_start3A_15] : memref<2048x768xf32, #tpu.memory_space<hbm>> -> memref<64x768xf32, #tpu.memory_space<hbm>>
      %dma_start3A_17 = arith.constant 0 : i32
      %dma_start3A_18 = tpu.memref_slice %arg7[%mul3A_2, %dma_start3A_17] : memref<2048x768xf32, #tpu.memory_space<hbm>> -> memref<64x768xf32, #tpu.memory_space<hbm>>
      tpu.enqueue_dma source(%arg12 : memref<64x768xf32, #tpu.memory_space<vmem>>) target(%dma_start3A_18 : memref<64x768xf32, #tpu.memory_space<hbm>>) target_semaphore(%run_scoped3A : memref<!tpu.dma_semaphore, #tpu.memory_space<semaphore_mem>>)
      %dma_wait3A_19 = arith.constant 0 : i32
      %dma_wait3A_20 = tpu.memref_slice %arg7[%mul3A_2, %dma_wait3A_19] : memref<2048x768xf32, #tpu.memory_space<hbm>> -> memref<64x768xf32, #tpu.memory_space<hbm>>
      %dma_wait3A_21 = arith.constant 0 : i32
      %dma_wait3A_22 = tpu.memref_slice %arg7[%mul3A_2, %dma_wait3A_21] : memref<2048x768xf32, #tpu.memory_space<hbm>> -> memref<64x768xf32, #tpu.memory_space<hbm>>
      tpu.wait_dma2 semaphore(%run_scoped3A : memref<!tpu.dma_semaphore, #tpu.memory_space<semaphore_mem>>) src(%arg12 : memref<64x768xf32, #tpu.memory_space<vmem>>) dst(%dma_wait3A_22 : memref<64x768xf32, #tpu.memory_space<hbm>>)
      tpu.yield
    }) : () -> ()
    return
  }
}

#map = affine_map<(d0, d1) -> (0, 0)>
#map1 = affine_map<(d0, d1) -> (0)>
module attributes {stable_mosaic.version = 14 : i64} {
  func.func @_scatter_body(%arg0: i32, %arg1: i32, %arg2: memref<2048x768xf32, #tpu.memory_space<hbm>>, %arg3: memref<2048xi32, #tpu.memory_space<hbm>>, %arg4: memref<2048xi32, #tpu.memory_space<hbm>>, %arg5: memref<7168x768xf32, #tpu.memory_space<hbm>>, %arg6: memref<128xi32, #tpu.memory_space<vmem>>, %arg7: memref<128x768xf32, #tpu.memory_space<vmem>>, %arg8: memref<!tpu.dma_semaphore, #tpu.memory_space<semaphore_mem>>, %arg9: memref<!tpu.dma_semaphore, #tpu.memory_space<semaphore_mem>>) attributes {dimension_semantics = [#tpu.dimension_semantics<core_parallel>, #tpu.dimension_semantics<subcore_parallel>], iteration_bounds = array<i64: 2, 16>, scalar_prefetch = 0 : i64, scratch_operands = 4 : i64, tpu.core_type = #tpu.core_type<sc_vector_subcore>, window_params = [{transform_indices = #map}, {transform_indices = #map1}, {transform_indices = #map1}, {transform_indices = #map}]} {
    %mul3A = arith.constant 2 : i32
    %mul3A_0 = arith.muli %arg1, %mul3A : i32
    %add3A = arith.addi %mul3A_0, %arg0 : i32
    %and3A = arith.constant 15 : i32
    %and3A_1 = arith.andi %add3A, %and3A : i32
    %mul3A_2 = arith.constant 128 : i32
    %mul3A_3 = arith.muli %and3A_1, %mul3A_2 : i32
    %dma_start3A = arith.constant 0 : i32
    %dma_start3A_4 = tpu.memref_slice %arg2[%mul3A_3, %dma_start3A] : memref<2048x768xf32, #tpu.memory_space<hbm>> -> memref<128x768xf32, #tpu.memory_space<hbm>>
    %dma_start3A_5 = arith.constant 0 : i32
    %dma_start3A_6 = tpu.memref_slice %arg2[%mul3A_3, %dma_start3A_5] : memref<2048x768xf32, #tpu.memory_space<hbm>> -> memref<128x768xf32, #tpu.memory_space<hbm>>
    tpu.enqueue_dma source(%dma_start3A_6 : memref<128x768xf32, #tpu.memory_space<hbm>>) target(%arg7 : memref<128x768xf32, #tpu.memory_space<vmem>>) target_semaphore(%arg8 : memref<!tpu.dma_semaphore, #tpu.memory_space<semaphore_mem>>)
    %lt3A = arith.constant 16 : i32
    %lt3A_7 = arith.cmpi slt, %add3A, %lt3A : i32
    %convert_element_type3A = arith.extui %lt3A_7 : i1 to i32
    %cond3A = arith.constant 0 : i32
    %cond3A_8 = arith.cmpi ne, %convert_element_type3A, %cond3A : i32
    scf.if %cond3A_8 {
      %mul3A_22 = arith.constant 128 : i32
      %mul3A_23 = arith.muli %and3A_1, %mul3A_22 : i32
      "tpu.region"() ({
        %run_scoped3A = tpu.sem_alloc : memref<!tpu.dma_semaphore, #tpu.memory_space<semaphore_mem>>
        %dma_start3A_24 = tpu.memref_slice %arg3[%mul3A_23] : memref<2048xi32, #tpu.memory_space<hbm>> -> memref<128xi32, #tpu.memory_space<hbm>>
        %dma_start3A_25 = tpu.memref_slice %arg3[%mul3A_23] : memref<2048xi32, #tpu.memory_space<hbm>> -> memref<128xi32, #tpu.memory_space<hbm>>
        tpu.enqueue_dma source(%dma_start3A_25 : memref<128xi32, #tpu.memory_space<hbm>>) target(%arg6 : memref<128xi32, #tpu.memory_space<vmem>>) target_semaphore(%run_scoped3A : memref<!tpu.dma_semaphore, #tpu.memory_space<semaphore_mem>>)
        %dma_wait3A_26 = tpu.memref_slice %arg3[%mul3A_23] : memref<2048xi32, #tpu.memory_space<hbm>> -> memref<128xi32, #tpu.memory_space<hbm>>
        %dma_wait3A_27 = tpu.memref_slice %arg3[%mul3A_23] : memref<2048xi32, #tpu.memory_space<hbm>> -> memref<128xi32, #tpu.memory_space<hbm>>
        tpu.wait_dma2 semaphore(%run_scoped3A : memref<!tpu.dma_semaphore, #tpu.memory_space<semaphore_mem>>) src(%dma_wait3A_27 : memref<128xi32, #tpu.memory_space<hbm>>) dst(%arg6 : memref<128xi32, #tpu.memory_space<vmem>>)
        tpu.yield
      }) : () -> ()
    } else {
    }
    %ge3A = arith.constant 16 : i32
    %ge3A_9 = arith.cmpi sge, %add3A, %ge3A : i32
    %convert_element_type3A_10 = arith.extui %ge3A_9 : i1 to i32
    %cond3A_11 = arith.constant 0 : i32
    %cond3A_12 = arith.cmpi ne, %convert_element_type3A_10, %cond3A_11 : i32
    scf.if %cond3A_12 {
      %mul3A_22 = arith.constant 128 : i32
      %mul3A_23 = arith.muli %and3A_1, %mul3A_22 : i32
      "tpu.region"() ({
        %run_scoped3A = tpu.sem_alloc : memref<!tpu.dma_semaphore, #tpu.memory_space<semaphore_mem>>
        %dma_start3A_24 = tpu.memref_slice %arg4[%mul3A_23] : memref<2048xi32, #tpu.memory_space<hbm>> -> memref<128xi32, #tpu.memory_space<hbm>>
        %dma_start3A_25 = tpu.memref_slice %arg4[%mul3A_23] : memref<2048xi32, #tpu.memory_space<hbm>> -> memref<128xi32, #tpu.memory_space<hbm>>
        tpu.enqueue_dma source(%dma_start3A_25 : memref<128xi32, #tpu.memory_space<hbm>>) target(%arg6 : memref<128xi32, #tpu.memory_space<vmem>>) target_semaphore(%run_scoped3A : memref<!tpu.dma_semaphore, #tpu.memory_space<semaphore_mem>>)
        %dma_wait3A_26 = tpu.memref_slice %arg4[%mul3A_23] : memref<2048xi32, #tpu.memory_space<hbm>> -> memref<128xi32, #tpu.memory_space<hbm>>
        %dma_wait3A_27 = tpu.memref_slice %arg4[%mul3A_23] : memref<2048xi32, #tpu.memory_space<hbm>> -> memref<128xi32, #tpu.memory_space<hbm>>
        tpu.wait_dma2 semaphore(%run_scoped3A : memref<!tpu.dma_semaphore, #tpu.memory_space<semaphore_mem>>) src(%dma_wait3A_27 : memref<128xi32, #tpu.memory_space<hbm>>) dst(%arg6 : memref<128xi32, #tpu.memory_space<vmem>>)
        tpu.yield
      }) : () -> ()
    } else {
    }
    %dma_wait3A = arith.constant 0 : i32
    %dma_wait3A_13 = tpu.memref_slice %arg2[%mul3A_3, %dma_wait3A] : memref<2048x768xf32, #tpu.memory_space<hbm>> -> memref<128x768xf32, #tpu.memory_space<hbm>>
    %dma_wait3A_14 = arith.constant 0 : i32
    %dma_wait3A_15 = tpu.memref_slice %arg2[%mul3A_3, %dma_wait3A_14] : memref<2048x768xf32, #tpu.memory_space<hbm>> -> memref<128x768xf32, #tpu.memory_space<hbm>>
    tpu.wait_dma2 semaphore(%arg8 : memref<!tpu.dma_semaphore, #tpu.memory_space<semaphore_mem>>) src(%dma_wait3A_15 : memref<128x768xf32, #tpu.memory_space<hbm>>) dst(%arg7 : memref<128x768xf32, #tpu.memory_space<vmem>>)
    %dma_start3A_16 = arith.constant 0 : i32
    %dma_start3A_17 = arith.constant 0 : i32
    %dma_start3A_18 = tpu.memref_slice %arg5[%dma_start3A_16, %dma_start3A_17] : memref<7168x768xf32, #tpu.memory_space<hbm>> -> memref<7168x768xf32, #tpu.memory_space<hbm>>
    tpu.enqueue_indirect_dma source(%arg7 : memref<128x768xf32, #tpu.memory_space<vmem>>) target(%dma_start3A_18 : memref<7168x768xf32, #tpu.memory_space<hbm>>) offsets(%arg6 : memref<128xi32, #tpu.memory_space<vmem>>) semaphore(%arg9 : memref<!tpu.dma_semaphore, #tpu.memory_space<semaphore_mem>>)
    %dma_wait3A_19 = arith.constant 0 : i32
    %dma_wait3A_20 = arith.constant 0 : i32
    %dma_wait3A_21 = tpu.memref_slice %arg5[%dma_wait3A_19, %dma_wait3A_20] : memref<7168x768xf32, #tpu.memory_space<hbm>> -> memref<7168x768xf32, #tpu.memory_space<hbm>>
    tpu.wait_indirect_dma semaphore(%arg9 : memref<!tpu.dma_semaphore, #tpu.memory_space<semaphore_mem>>) src(%arg7 : memref<128x768xf32, #tpu.memory_space<vmem>>) dst(%dma_wait3A_21 : memref<7168x768xf32, #tpu.memory_space<hbm>>)
    return
  }
}

module attributes {stable_mosaic.version = 14 : i64} {
  func.func @_router_body(%arg0: i32, %arg1: memref<2048x768xf32, #tpu.memory_space<vmem>>, %arg2: memref<1x12x768xf32, #tpu.memory_space<vmem>>, %arg3: memref<2048xi32, #tpu.memory_space<vmem>>, %arg4: memref<2048xi32, #tpu.memory_space<vmem>>, %arg5: memref<2048xf32, #tpu.memory_space<vmem>>, %arg6: memref<2048xf32, #tpu.memory_space<vmem>>, %arg7: memref<28xi32, #tpu.memory_space<vmem>>) attributes {dimension_semantics = [#tpu.dimension_semantics<arbitrary>], iteration_bounds = array<i64: 1>, scalar_prefetch = 0 : i64, scratch_operands = 0 : i64, tpu.core_type = #tpu.core_type<tc>, window_params = [{pipeline_mode = #tpu.pipeline_mode<synchronous>, transform_indices = @transform_0, window_bounds = array<i64: 2048, 768>}, {transform_indices = @transform_1, window_bounds = array<i64: 1, 12, 768>}, {pipeline_mode = #tpu.pipeline_mode<synchronous>, transform_indices = @transform_2, window_bounds = array<i64: 2048>}, {pipeline_mode = #tpu.pipeline_mode<synchronous>, transform_indices = @transform_3, window_bounds = array<i64: 2048>}, {pipeline_mode = #tpu.pipeline_mode<synchronous>, transform_indices = @transform_4, window_bounds = array<i64: 2048>}, {pipeline_mode = #tpu.pipeline_mode<synchronous>, transform_indices = @transform_5, window_bounds = array<i64: 2048>}, {pipeline_mode = #tpu.pipeline_mode<synchronous>, transform_indices = @transform_6, window_bounds = array<i64: 28>}]} {
    %get3A = arith.constant 0 : index
    %get3A_0 = arith.constant 0 : index
    %get3A_1 = vector.load %arg1[%get3A, %get3A_0] : memref<2048x768xf32, #tpu.memory_space<vmem>>, vector<2048x768xf32>
    %get3A_2 = arith.constant 0 : index
    %get3A_3 = arith.constant 0 : index
    %get3A_4 = arith.constant 0 : index
    %get3A_5 = vector.load %arg2[%get3A_2, %get3A_3, %get3A_4] : memref<1x12x768xf32, #tpu.memory_space<vmem>>, vector<1x12x768xf32>
    %get3A_6 = vector.shape_cast %get3A_5 : vector<1x12x768xf32> to vector<12x768xf32>
    %dot_general3A = arith.constant dense<0.000000e+00> : vector<2048x12xf32>
    %dot_general3A_7 = tpu.matmul %get3A_1, %get3A_6, %dot_general3A {dimension_numbers = #tpu.dot_dimension_numbers<[1], [1], [0], [0], [0, 0, 1, 0], [], []>, transpose_lhs_hint = false} : vector<2048x768xf32>, vector<12x768xf32>, vector<2048x12xf32> -> vector<2048x12xf32>
    %iota3A = tpu.iota {dimensions = array<i32: 1>} : vector<2048x12xi32>
    %reduce_max3A = arith.constant dense<0xFF800000> : vector<2048xf32>
    %reduce_max3A_8 = vector.multi_reduction <maximumf>, %dot_general3A_7, %reduce_max3A [1] : vector<2048x12xf32> to vector<2048xf32>
    %broadcast_in_dim3A = vector.shape_cast %reduce_max3A_8 : vector<2048xf32> to vector<2048x1xf32>
    %ge3A = vector.broadcast %broadcast_in_dim3A : vector<2048x1xf32> to vector<2048x12xf32>
    %ge3A_9 = arith.cmpf oge, %dot_general3A_7, %ge3A : vector<2048x12xf32>
    %jit3A = arith.constant 12 : i32
    %broadcast_in_dim3A_10 = vector.broadcast %jit3A : i32 to vector<2048x12xi32>
    %select_n3A = arith.select %ge3A_9, %iota3A, %broadcast_in_dim3A_10 : vector<2048x12xi1>, vector<2048x12xi32>
    %reduce_min3A = arith.constant dense<2147483647> : vector<2048xi32>
    %reduce_min3A_11 = vector.multi_reduction <minsi>, %select_n3A, %reduce_min3A [1] : vector<2048x12xi32> to vector<2048xi32>
    %broadcast_in_dim3A_12 = vector.shape_cast %reduce_min3A_11 : vector<2048xi32> to vector<2048x1xi32>
    %eq3A = vector.broadcast %broadcast_in_dim3A_12 : vector<2048x1xi32> to vector<2048x12xi32>
    %eq3A_13 = arith.cmpi eq, %iota3A, %eq3A : vector<2048x12xi32>
    %jit3A_14 = arith.constant -1.000000e+30 : f32
    %broadcast_in_dim3A_15 = vector.broadcast %jit3A_14 : f32 to vector<2048x12xf32>
    %select_n3A_16 = arith.select %eq3A_13, %broadcast_in_dim3A_15, %dot_general3A_7 : vector<2048x12xi1>, vector<2048x12xf32>
    %reduce_max3A_17 = arith.constant dense<0xFF800000> : vector<2048xf32>
    %reduce_max3A_18 = vector.multi_reduction <maximumf>, %select_n3A_16, %reduce_max3A_17 [1] : vector<2048x12xf32> to vector<2048xf32>
    %broadcast_in_dim3A_19 = vector.shape_cast %reduce_max3A_18 : vector<2048xf32> to vector<2048x1xf32>
    %ge3A_20 = vector.broadcast %broadcast_in_dim3A_19 : vector<2048x1xf32> to vector<2048x12xf32>
    %ge3A_21 = arith.cmpf oge, %select_n3A_16, %ge3A_20 : vector<2048x12xf32>
    %jit3A_22 = arith.constant 12 : i32
    %broadcast_in_dim3A_23 = vector.broadcast %jit3A_22 : i32 to vector<2048x12xi32>
    %select_n3A_24 = arith.select %ge3A_21, %iota3A, %broadcast_in_dim3A_23 : vector<2048x12xi1>, vector<2048x12xi32>
    %reduce_min3A_25 = arith.constant dense<2147483647> : vector<2048xi32>
    %reduce_min3A_26 = vector.multi_reduction <minsi>, %select_n3A_24, %reduce_min3A_25 [1] : vector<2048x12xi32> to vector<2048xi32>
    %broadcast_in_dim3A_27 = vector.shape_cast %reduce_min3A_26 : vector<2048xi32> to vector<2048x1xi32>
    %eq3A_28 = vector.broadcast %broadcast_in_dim3A_27 : vector<2048x1xi32> to vector<2048x12xi32>
    %eq3A_29 = arith.cmpi eq, %iota3A, %eq3A_28 : vector<2048x12xi32>
    %sub3A = arith.subf %broadcast_in_dim3A_19, %broadcast_in_dim3A : vector<2048x1xf32>
    %exp3A = math.exp %sub3A : vector<2048x1xf32>
    %add3A = arith.constant 1.000000e+00 : f32
    %add3A_30 = vector.broadcast %add3A : f32 to vector<2048x1xf32>
    %add3A_31 = arith.addf %add3A_30, %exp3A : vector<2048x1xf32>
    %div3A = arith.constant 1.000000e+00 : f32
    %div3A_32 = vector.broadcast %div3A : f32 to vector<2048x1xf32>
    %div3A_33 = arith.divf %div3A_32, %add3A_31 : vector<2048x1xf32>
    %reshape3A = vector.shape_cast %div3A_33 : vector<2048x1xf32> to vector<2048xf32>
    %swap3A = arith.constant 0 : index
    %swap3A_34 = vector.load %arg5[%swap3A] : memref<2048xf32, #tpu.memory_space<vmem>>, vector<2048xf32>
    tpu.vector_store %arg5[%swap3A], %reshape3A {strides = array<i32>} : memref<2048xf32, #tpu.memory_space<vmem>>, vector<2048xf32>,
    %sub3A_35 = arith.constant 1.000000e+00 : f32
    %sub3A_36 = vector.broadcast %sub3A_35 : f32 to vector<2048x1xf32>
    %sub3A_37 = arith.subf %sub3A_36, %div3A_33 : vector<2048x1xf32>
    %reshape3A_38 = vector.shape_cast %sub3A_37 : vector<2048x1xf32> to vector<2048xf32>
    %swap3A_39 = arith.constant 0 : index
    %swap3A_40 = vector.load %arg6[%swap3A_39] : memref<2048xf32, #tpu.memory_space<vmem>>, vector<2048xf32>
    tpu.vector_store %arg6[%swap3A_39], %reshape3A_38 {strides = array<i32>} : memref<2048xf32, #tpu.memory_space<vmem>>, vector<2048xf32>,
    %convert_element_type3A = arith.extui %eq3A_13 : vector<2048x12xi1> to vector<2048x12xi32>
    %convert_element_type3A_41 = arith.sitofp %convert_element_type3A : vector<2048x12xi32> to vector<2048x12xf32>
    %convert_element_type3A_42 = arith.extui %eq3A_29 : vector<2048x12xi1> to vector<2048x12xi32>
    %convert_element_type3A_43 = arith.sitofp %convert_element_type3A_42 : vector<2048x12xi32> to vector<2048x12xf32>
    %add3A_44 = arith.addf %convert_element_type3A_41, %convert_element_type3A_43 : vector<2048x12xf32>
    %iota3A_45 = tpu.iota {dimensions = array<i32: 0>} : vector<256x256xi32>
    %iota3A_46 = tpu.iota {dimensions = array<i32: 1>} : vector<256x256xi32>
    %lt3A = arith.cmpi slt, %iota3A_46, %iota3A_45 : vector<256x256xi32>
    %convert_element_type3A_47 = arith.extui %lt3A : vector<256x256xi1> to vector<256x256xi32>
    %convert_element_type3A_48 = arith.sitofp %convert_element_type3A_47 : vector<256x256xi32> to vector<256x256xf32>
    %broadcast_in_dim3A_49 = arith.constant 0.000000e+00 : f32
    %broadcast_in_dim3A_50 = vector.broadcast %broadcast_in_dim3A_49 : f32 to vector<1x12xf32>
    %slice3A = vector.extract_strided_slice %add3A_44 {offsets = [0, 0], sizes = [256, 12], strides = [1, 1]} : vector<2048x12xf32> to vector<256x12xf32>
    %dot_general3A_51 = arith.constant dense<0.000000e+00> : vector<256x12xf32>
    %dot_general3A_52 = tpu.matmul %convert_element_type3A_48, %slice3A, %dot_general3A_51 {dimension_numbers = #tpu.dot_dimension_numbers<[1], [0], [0], [1], [0, 0, 1, 1], [], []>, transpose_lhs_hint = false} : vector<256x256xf32>, vector<256x12xf32>, vector<256x12xf32> -> vector<256x12xf32>
    %add3A_53 = vector.broadcast %broadcast_in_dim3A_50 : vector<1x12xf32> to vector<256x12xf32>
    %add3A_54 = arith.addf %dot_general3A_52, %add3A_53 : vector<256x12xf32>
    %reduce_sum3A = arith.constant dense<0.000000e+00> : vector<12xf32>
    %reduce_sum3A_55 = vector.multi_reduction <add>, %slice3A, %reduce_sum3A [0] : vector<256x12xf32> to vector<12xf32>
    %broadcast_in_dim3A_56 = vector.shape_cast %reduce_sum3A_55 : vector<12xf32> to vector<1x12xf32>
    %add3A_57 = arith.addf %broadcast_in_dim3A_50, %broadcast_in_dim3A_56 : vector<1x12xf32>
    %slice3A_58 = vector.extract_strided_slice %add3A_44 {offsets = [256, 0], sizes = [256, 12], strides = [1, 1]} : vector<2048x12xf32> to vector<256x12xf32>
    %dot_general3A_59 = arith.constant dense<0.000000e+00> : vector<256x12xf32>
    %dot_general3A_60 = tpu.matmul %convert_element_type3A_48, %slice3A_58, %dot_general3A_59 {dimension_numbers = #tpu.dot_dimension_numbers<[1], [0], [0], [1], [0, 0, 1, 1], [], []>, transpose_lhs_hint = false} : vector<256x256xf32>, vector<256x12xf32>, vector<256x12xf32> -> vector<256x12xf32>
    %add3A_61 = vector.broadcast %add3A_57 : vector<1x12xf32> to vector<256x12xf32>
    %add3A_62 = arith.addf %dot_general3A_60, %add3A_61 : vector<256x12xf32>
    %reduce_sum3A_63 = arith.constant dense<0.000000e+00> : vector<12xf32>
    %reduce_sum3A_64 = vector.multi_reduction <add>, %slice3A_58, %reduce_sum3A_63 [0] : vector<256x12xf32> to vector<12xf32>
    %broadcast_in_dim3A_65 = vector.shape_cast %reduce_sum3A_64 : vector<12xf32> to vector<1x12xf32>
    %add3A_66 = arith.addf %add3A_57, %broadcast_in_dim3A_65 : vector<1x12xf32>
    %slice3A_67 = vector.extract_strided_slice %add3A_44 {offsets = [512, 0], sizes = [256, 12], strides = [1, 1]} : vector<2048x12xf32> to vector<256x12xf32>
    %dot_general3A_68 = arith.constant dense<0.000000e+00> : vector<256x12xf32>
    %dot_general3A_69 = tpu.matmul %convert_element_type3A_48, %slice3A_67, %dot_general3A_68 {dimension_numbers = #tpu.dot_dimension_numbers<[1], [0], [0], [1], [0, 0, 1, 1], [], []>, transpose_lhs_hint = false} : vector<256x256xf32>, vector<256x12xf32>, vector<256x12xf32> -> vector<256x12xf32>
    %add3A_70 = vector.broadcast %add3A_66 : vector<1x12xf32> to vector<256x12xf32>
    %add3A_71 = arith.addf %dot_general3A_69, %add3A_70 : vector<256x12xf32>
    %reduce_sum3A_72 = arith.constant dense<0.000000e+00> : vector<12xf32>
    %reduce_sum3A_73 = vector.multi_reduction <add>, %slice3A_67, %reduce_sum3A_72 [0] : vector<256x12xf32> to vector<12xf32>
    %broadcast_in_dim3A_74 = vector.shape_cast %reduce_sum3A_73 : vector<12xf32> to vector<1x12xf32>
    %add3A_75 = arith.addf %add3A_66, %broadcast_in_dim3A_74 : vector<1x12xf32>
    %slice3A_76 = vector.extract_strided_slice %add3A_44 {offsets = [768, 0], sizes = [256, 12], strides = [1, 1]} : vector<2048x12xf32> to vector<256x12xf32>
    %dot_general3A_77 = arith.constant dense<0.000000e+00> : vector<256x12xf32>
    %dot_general3A_78 = tpu.matmul %convert_element_type3A_48, %slice3A_76, %dot_general3A_77 {dimension_numbers = #tpu.dot_dimension_numbers<[1], [0], [0], [1], [0, 0, 1, 1], [], []>, transpose_lhs_hint = false} : vector<256x256xf32>, vector<256x12xf32>, vector<256x12xf32> -> vector<256x12xf32>
    %add3A_79 = vector.broadcast %add3A_75 : vector<1x12xf32> to vector<256x12xf32>
    %add3A_80 = arith.addf %dot_general3A_78, %add3A_79 : vector<256x12xf32>
    %reduce_sum3A_81 = arith.constant dense<0.000000e+00> : vector<12xf32>
    %reduce_sum3A_82 = vector.multi_reduction <add>, %slice3A_76, %reduce_sum3A_81 [0] : vector<256x12xf32> to vector<12xf32>
    %broadcast_in_dim3A_83 = vector.shape_cast %reduce_sum3A_82 : vector<12xf32> to vector<1x12xf32>
    %add3A_84 = arith.addf %add3A_75, %broadcast_in_dim3A_83 : vector<1x12xf32>
    %slice3A_85 = vector.extract_strided_slice %add3A_44 {offsets = [1024, 0], sizes = [256, 12], strides = [1, 1]} : vector<2048x12xf32> to vector<256x12xf32>
    %dot_general3A_86 = arith.constant dense<0.000000e+00> : vector<256x12xf32>
    %dot_general3A_87 = tpu.matmul %convert_element_type3A_48, %slice3A_85, %dot_general3A_86 {dimension_numbers = #tpu.dot_dimension_numbers<[1], [0], [0], [1], [0, 0, 1, 1], [], []>, transpose_lhs_hint = false} : vector<256x256xf32>, vector<256x12xf32>, vector<256x12xf32> -> vector<256x12xf32>
    %add3A_88 = vector.broadcast %add3A_84 : vector<1x12xf32> to vector<256x12xf32>
    %add3A_89 = arith.addf %dot_general3A_87, %add3A_88 : vector<256x12xf32>
    %reduce_sum3A_90 = arith.constant dense<0.000000e+00> : vector<12xf32>
    %reduce_sum3A_91 = vector.multi_reduction <add>, %slice3A_85, %reduce_sum3A_90 [0] : vector<256x12xf32> to vector<12xf32>
    %broadcast_in_dim3A_92 = vector.shape_cast %reduce_sum3A_91 : vector<12xf32> to vector<1x12xf32>
    %add3A_93 = arith.addf %add3A_84, %broadcast_in_dim3A_92 : vector<1x12xf32>
    %slice3A_94 = vector.extract_strided_slice %add3A_44 {offsets = [1280, 0], sizes = [256, 12], strides = [1, 1]} : vector<2048x12xf32> to vector<256x12xf32>
    %dot_general3A_95 = arith.constant dense<0.000000e+00> : vector<256x12xf32>
    %dot_general3A_96 = tpu.matmul %convert_element_type3A_48, %slice3A_94, %dot_general3A_95 {dimension_numbers = #tpu.dot_dimension_numbers<[1], [0], [0], [1], [0, 0, 1, 1], [], []>, transpose_lhs_hint = false} : vector<256x256xf32>, vector<256x12xf32>, vector<256x12xf32> -> vector<256x12xf32>
    %add3A_97 = vector.broadcast %add3A_93 : vector<1x12xf32> to vector<256x12xf32>
    %add3A_98 = arith.addf %dot_general3A_96, %add3A_97 : vector<256x12xf32>
    %reduce_sum3A_99 = arith.constant dense<0.000000e+00> : vector<12xf32>
    %reduce_sum3A_100 = vector.multi_reduction <add>, %slice3A_94, %reduce_sum3A_99 [0] : vector<256x12xf32> to vector<12xf32>
    %broadcast_in_dim3A_101 = vector.shape_cast %reduce_sum3A_100 : vector<12xf32> to vector<1x12xf32>
    %add3A_102 = arith.addf %add3A_93, %broadcast_in_dim3A_101 : vector<1x12xf32>
    %slice3A_103 = vector.extract_strided_slice %add3A_44 {offsets = [1536, 0], sizes = [256, 12], strides = [1, 1]} : vector<2048x12xf32> to vector<256x12xf32>
    %dot_general3A_104 = arith.constant dense<0.000000e+00> : vector<256x12xf32>
    %dot_general3A_105 = tpu.matmul %convert_element_type3A_48, %slice3A_103, %dot_general3A_104 {dimension_numbers = #tpu.dot_dimension_numbers<[1], [0], [0], [1], [0, 0, 1, 1], [], []>, transpose_lhs_hint = false} : vector<256x256xf32>, vector<256x12xf32>, vector<256x12xf32> -> vector<256x12xf32>
    %add3A_106 = vector.broadcast %add3A_102 : vector<1x12xf32> to vector<256x12xf32>
    %add3A_107 = arith.addf %dot_general3A_105, %add3A_106 : vector<256x12xf32>
    %reduce_sum3A_108 = arith.constant dense<0.000000e+00> : vector<12xf32>
    %reduce_sum3A_109 = vector.multi_reduction <add>, %slice3A_103, %reduce_sum3A_108 [0] : vector<256x12xf32> to vector<12xf32>
    %broadcast_in_dim3A_110 = vector.shape_cast %reduce_sum3A_109 : vector<12xf32> to vector<1x12xf32>
    %add3A_111 = arith.addf %add3A_102, %broadcast_in_dim3A_110 : vector<1x12xf32>
    %slice3A_112 = vector.extract_strided_slice %add3A_44 {offsets = [1792, 0], sizes = [256, 12], strides = [1, 1]} : vector<2048x12xf32> to vector<256x12xf32>
    %dot_general3A_113 = arith.constant dense<0.000000e+00> : vector<256x12xf32>
    %dot_general3A_114 = tpu.matmul %convert_element_type3A_48, %slice3A_112, %dot_general3A_113 {dimension_numbers = #tpu.dot_dimension_numbers<[1], [0], [0], [1], [0, 0, 1, 1], [], []>, transpose_lhs_hint = false} : vector<256x256xf32>, vector<256x12xf32>, vector<256x12xf32> -> vector<256x12xf32>
    %add3A_115 = vector.broadcast %add3A_111 : vector<1x12xf32> to vector<256x12xf32>
    %add3A_116 = arith.addf %dot_general3A_114, %add3A_115 : vector<256x12xf32>
    %reduce_sum3A_117 = arith.constant dense<0.000000e+00> : vector<12xf32>
    %reduce_sum3A_118 = vector.multi_reduction <add>, %slice3A_112, %reduce_sum3A_117 [0] : vector<256x12xf32> to vector<12xf32>
    %broadcast_in_dim3A_119 = vector.shape_cast %reduce_sum3A_118 : vector<12xf32> to vector<1x12xf32>
    %add3A_120 = arith.addf %add3A_111, %broadcast_in_dim3A_119 : vector<1x12xf32>
    %concatenate3A = tpu.concatenate %add3A_54, %add3A_62, %add3A_71, %add3A_80, %add3A_89, %add3A_98, %add3A_107, %add3A_116 in 0 : vector<256x12xf32>, vector<256x12xf32>, vector<256x12xf32>, vector<256x12xf32>, vector<256x12xf32>, vector<256x12xf32>, vector<256x12xf32>, vector<256x12xf32> -> vector<2048x12xf32>
    %convert_element_type3A_121 = arith.fptosi %add3A_120 : vector<1x12xf32> to vector<1x12xi32>
    %add3A_122 = arith.constant 255 : i32
    %add3A_123 = vector.broadcast %add3A_122 : i32 to vector<1x12xi32>
    %add3A_124 = arith.addi %convert_element_type3A_121, %add3A_123 : vector<1x12xi32>
    %jit3A_125 = arith.constant 256 : i32
    %div3A_126 = vector.broadcast %jit3A_125 : i32 to vector<1x12xi32>
    %div3A_127 = arith.divsi %add3A_124, %div3A_126 : vector<1x12xi32>
    %sign3A = arith.constant 0 : i32
    %sign3A_128 = vector.broadcast %sign3A : i32 to vector<1x12xi32>
    %sign3A_129 = arith.cmpi sgt, %add3A_124, %sign3A_128 : vector<1x12xi32>
    %sign3A_130 = arith.extui %sign3A_129 : vector<1x12xi1> to vector<1x12xi32>
    %sign3A_131 = arith.constant 0 : i32
    %sign3A_132 = vector.broadcast %sign3A_131 : i32 to vector<1x12xi32>
    %sign3A_133 = arith.cmpi slt, %add3A_124, %sign3A_132 : vector<1x12xi32>
    %sign3A_134 = arith.extui %sign3A_133 : vector<1x12xi1> to vector<1x12xi32>
    %sign3A_135 = arith.subi %sign3A_130, %sign3A_134 : vector<1x12xi32>
    %sign3A_136 = arith.constant 0 : i32
    %sign3A_137 = arith.cmpi sgt, %jit3A_125, %sign3A_136 : i32
    %sign3A_138 = arith.extui %sign3A_137 : i1 to i32
    %sign3A_139 = arith.constant 0 : i32
    %sign3A_140 = arith.cmpi slt, %jit3A_125, %sign3A_139 : i32
    %sign3A_141 = arith.extui %sign3A_140 : i1 to i32
    %sign3A_142 = arith.subi %sign3A_138, %sign3A_141 : i32
    %ne3A = vector.broadcast %sign3A_142 : i32 to vector<1x12xi32>
    %ne3A_143 = arith.cmpi ne, %sign3A_135, %ne3A : vector<1x12xi32>
    %rem3A = vector.broadcast %jit3A_125 : i32 to vector<1x12xi32>
    %rem3A_144 = arith.remsi %add3A_124, %rem3A : vector<1x12xi32>
    %ne3A_145 = arith.constant 0 : i32
    %ne3A_146 = vector.broadcast %ne3A_145 : i32 to vector<1x12xi32>
    %ne3A_147 = arith.cmpi ne, %rem3A_144, %ne3A_146 : vector<1x12xi32>
    %and3A = arith.andi %ne3A_143, %ne3A_147 : vector<1x12xi1>
    %sub3A_148 = arith.constant 1 : i32
    %sub3A_149 = vector.broadcast %sub3A_148 : i32 to vector<1x12xi32>
    %sub3A_150 = arith.subi %div3A_127, %sub3A_149 : vector<1x12xi32>
    %select_n3A_151 = arith.select %and3A, %sub3A_150, %div3A_127 : vector<1x12xi1>, vector<1x12xi32>
    %mul3A = arith.constant 256 : i32
    %mul3A_152 = vector.broadcast %mul3A : i32 to vector<1x12xi32>
    %mul3A_153 = arith.muli %select_n3A_151, %mul3A_152 : vector<1x12xi32>
    %iota3A_154 = tpu.iota {dimensions = array<i32: 0>} : vector<12x12xi32>
    %iota3A_155 = tpu.iota {dimensions = array<i32: 1>} : vector<12x12xi32>
    %lt3A_156 = arith.cmpi slt, %iota3A_154, %iota3A_155 : vector<12x12xi32>
    %convert_element_type3A_157 = arith.extui %lt3A_156 : vector<12x12xi1> to vector<12x12xi32>
    %convert_element_type3A_158 = arith.sitofp %convert_element_type3A_157 : vector<12x12xi32> to vector<12x12xf32>
    %convert_element_type3A_159 = arith.sitofp %mul3A_153 : vector<1x12xi32> to vector<1x12xf32>
    %dot_general3A_160 = arith.constant dense<0.000000e+00> : vector<1x12xf32>
    %dot_general3A_161 = tpu.matmul %convert_element_type3A_159, %convert_element_type3A_158, %dot_general3A_160 {dimension_numbers = #tpu.dot_dimension_numbers<[1], [0], [0], [1], [0, 0, 1, 1], [], []>, transpose_lhs_hint = false} : vector<1x12xf32>, vector<12x12xf32>, vector<1x12xf32> -> vector<1x12xf32>
    %add3A_162 = vector.broadcast %dot_general3A_161 : vector<1x12xf32> to vector<2048x12xf32>
    %add3A_163 = arith.addf %concatenate3A, %add3A_162 : vector<2048x12xf32>
    %jit3A_164 = arith.constant 0.000000e+00 : f32
    %broadcast_in_dim3A_165 = vector.broadcast %jit3A_164 : f32 to vector<2048x12xf32>
    %select_n3A_166 = arith.select %eq3A_13, %add3A_163, %broadcast_in_dim3A_165 : vector<2048x12xi1>, vector<2048x12xf32>
    %reduce_sum3A_167 = arith.constant dense<0.000000e+00> : vector<2048xf32>
    %reduce_sum3A_168 = vector.multi_reduction <add>, %select_n3A_166, %reduce_sum3A_167 [1] : vector<2048x12xf32> to vector<2048xf32>
    %convert_element_type3A_169 = arith.fptosi %reduce_sum3A_168 : vector<2048xf32> to vector<2048xi32>
    %swap3A_170 = arith.constant 0 : index
    %swap3A_171 = vector.load %arg3[%swap3A_170] : memref<2048xi32, #tpu.memory_space<vmem>>, vector<2048xi32>
    tpu.vector_store %arg3[%swap3A_170], %convert_element_type3A_169 {strides = array<i32>} : memref<2048xi32, #tpu.memory_space<vmem>>, vector<2048xi32>,
    %jit3A_172 = arith.constant 0.000000e+00 : f32
    %broadcast_in_dim3A_173 = vector.broadcast %jit3A_172 : f32 to vector<2048x12xf32>
    %select_n3A_174 = arith.select %eq3A_29, %add3A_163, %broadcast_in_dim3A_173 : vector<2048x12xi1>, vector<2048x12xf32>
    %reduce_sum3A_175 = arith.constant dense<0.000000e+00> : vector<2048xf32>
    %reduce_sum3A_176 = vector.multi_reduction <add>, %select_n3A_174, %reduce_sum3A_175 [1] : vector<2048x12xf32> to vector<2048xf32>
    %convert_element_type3A_177 = arith.fptosi %reduce_sum3A_176 : vector<2048xf32> to vector<2048xi32>
    %swap3A_178 = arith.constant 0 : index
    %swap3A_179 = vector.load %arg4[%swap3A_178] : memref<2048xi32, #tpu.memory_space<vmem>>, vector<2048xi32>
    tpu.vector_store %arg4[%swap3A_178], %convert_element_type3A_177 {strides = array<i32>} : memref<2048xi32, #tpu.memory_space<vmem>>, vector<2048xi32>,
    %reduce_sum3A_180 = vector.shape_cast %mul3A_153 : vector<1x12xi32> to vector<1x1x12xi32>
    %reduce_sum3A_181 = arith.constant dense<0> : vector<1xi32>
    %reduce_sum3A_182 = vector.multi_reduction <add>, %reduce_sum3A_180, %reduce_sum3A_181 [1, 2] : vector<1x1x12xi32> to vector<1xi32>
    %reduce_sum3A_183 = vector.shape_cast %reduce_sum3A_182 : vector<1xi32> to vector<1x1x1xi32>
    %reduce_sum3A_184 = vector.extract %reduce_sum3A_183[0, 0, 0] : i32 from vector<1x1x1xi32>
    %iota3A_185 = tpu.iota {dimensions = array<i32: 0>} : vector<28x1xi32>
    %mul3A_186 = arith.constant 256 : i32
    %mul3A_187 = vector.broadcast %mul3A_186 : i32 to vector<28x1xi32>
    %mul3A_188 = arith.muli %iota3A_185, %mul3A_187 : vector<28x1xi32>
    %sub3A_189 = arith.constant 1 : i32
    %sub3A_190 = arith.subi %reduce_sum3A_184, %sub3A_189 : i32
    %min3A = vector.broadcast %sub3A_190 : i32 to vector<28x1xi32>
    %min3A_191 = arith.minsi %mul3A_188, %min3A : vector<28x1xi32>
    %convert_element_type3A_192 = arith.fptosi %dot_general3A_161 : vector<1x12xf32> to vector<1x12xi32>
    %le3A = vector.broadcast %convert_element_type3A_192 : vector<1x12xi32> to vector<28x12xi32>
    %le3A_193 = vector.broadcast %min3A_191 : vector<28x1xi32> to vector<28x12xi32>
    %le3A_194 = arith.cmpi sle, %le3A, %le3A_193 : vector<28x12xi32>
    %convert_element_type3A_195 = arith.extui %le3A_194 : vector<28x12xi1> to vector<28x12xi32>
    %reduce_sum3A_196 = arith.constant dense<0> : vector<28xi32>
    %reduce_sum3A_197 = vector.multi_reduction <add>, %convert_element_type3A_195, %reduce_sum3A_196 [1] : vector<28x12xi32> to vector<28xi32>
    %sub3A_198 = arith.constant 1 : i32
    %sub3A_199 = vector.broadcast %sub3A_198 : i32 to vector<28xi32>
    %sub3A_200 = arith.subi %reduce_sum3A_197, %sub3A_199 : vector<28xi32>
    %swap3A_201 = arith.constant 0 : index
    %swap3A_202 = vector.load %arg7[%swap3A_201] : memref<28xi32, #tpu.memory_space<vmem>>, vector<28xi32>
    tpu.vector_store %arg7[%swap3A_201], %sub3A_200 {strides = array<i32>} : memref<28xi32, #tpu.memory_space<vmem>>, vector<28xi32>,
    return
  }
  func.func @transform_0(%arg0: i32) -> (i32, i32) {
    %c0_i32 = arith.constant 0 : i32
    %c0_i32_0 = arith.constant 0 : i32
    %c0_i32_1 = arith.constant 0 : i32
    return %c0_i32, %c0_i32_0 : i32, i32
  }
  func.func @transform_1(%arg0: i32) -> (i32, i32, i32) {
    %c4_i32 = arith.constant 4 : i32
    %c0_i32 = arith.constant 0 : i32
    %c0_i32_0 = arith.constant 0 : i32
    %c0_i32_1 = arith.constant 0 : i32
    return %c4_i32, %c0_i32, %c0_i32_0 : i32, i32, i32
  }
  func.func @transform_2(%arg0: i32) -> i32 {
    %c0_i32 = arith.constant 0 : i32
    %c0_i32_0 = arith.constant 0 : i32
    return %c0_i32 : i32
  }
  func.func @transform_3(%arg0: i32) -> i32 {
    %c0_i32 = arith.constant 0 : i32
    %c0_i32_0 = arith.constant 0 : i32
    return %c0_i32 : i32
  }
  func.func @transform_4(%arg0: i32) -> i32 {
    %c0_i32 = arith.constant 0 : i32
    %c0_i32_0 = arith.constant 0 : i32
    return %c0_i32 : i32
  }
  func.func @transform_5(%arg0: i32) -> i32 {
    %c0_i32 = arith.constant 0 : i32
    %c0_i32_0 = arith.constant 0 : i32
    return %c0_i32 : i32
  }
  func.func @transform_6(%arg0: i32) -> i32 {
    %c0_i32 = arith.constant 0 : i32
    %c0_i32_0 = arith.constant 0 : i32
    return %c0_i32 : i32
  }
}

module attributes {stable_mosaic.version = 14 : i64} {
  func.func @_ffn_body(%arg0: i32, %arg1: memref<28xi32, #tpu.memory_space<smem>>, %arg2: memref<256x768xf32, #tpu.memory_space<vmem>>, %arg3: memref<1x1280x768xf32, #tpu.memory_space<vmem>>, %arg4: memref<1x1280x768xf32, #tpu.memory_space<vmem>>, %arg5: memref<1x768x1280xf32, #tpu.memory_space<vmem>>, %arg6: memref<256x768xf32, #tpu.memory_space<vmem>>) attributes {dimension_semantics = [#tpu.dimension_semantics<arbitrary>], iteration_bounds = array<i64: 28>, scalar_prefetch = 1 : i64, scratch_operands = 0 : i64, tpu.core_type = #tpu.core_type<tc>, window_params = [{transform_indices = @transform_0, window_bounds = array<i64: 256, 768>}, {transform_indices = @transform_1, window_bounds = array<i64: 1, 1280, 768>}, {transform_indices = @transform_2, window_bounds = array<i64: 1, 1280, 768>}, {transform_indices = @transform_3, window_bounds = array<i64: 1, 768, 1280>}, {transform_indices = @transform_4, window_bounds = array<i64: 256, 768>}]} {
    %get3A = arith.constant 0 : index
    %get3A_0 = arith.constant 0 : index
    %get3A_1 = vector.load %arg2[%get3A, %get3A_0] : memref<256x768xf32, #tpu.memory_space<vmem>>, vector<256x768xf32>
    %convert_element_type3A = arith.truncf %get3A_1 : vector<256x768xf32> to vector<256x768xbf16>
    %get3A_2 = arith.constant 0 : index
    %get3A_3 = arith.constant 0 : index
    %get3A_4 = arith.constant 0 : index
    %get3A_5 = vector.load %arg3[%get3A_2, %get3A_3, %get3A_4] : memref<1x1280x768xf32, #tpu.memory_space<vmem>>, vector<1x1280x768xf32>
    %get3A_6 = vector.shape_cast %get3A_5 : vector<1x1280x768xf32> to vector<1280x768xf32>
    %convert_element_type3A_7 = arith.truncf %get3A_6 : vector<1280x768xf32> to vector<1280x768xbf16>
    %get3A_8 = arith.constant 0 : index
    %get3A_9 = arith.constant 0 : index
    %get3A_10 = arith.constant 0 : index
    %get3A_11 = vector.load %arg4[%get3A_8, %get3A_9, %get3A_10] : memref<1x1280x768xf32, #tpu.memory_space<vmem>>, vector<1x1280x768xf32>
    %get3A_12 = vector.shape_cast %get3A_11 : vector<1x1280x768xf32> to vector<1280x768xf32>
    %convert_element_type3A_13 = arith.truncf %get3A_12 : vector<1280x768xf32> to vector<1280x768xbf16>
    %get3A_14 = arith.constant 0 : index
    %get3A_15 = arith.constant 0 : index
    %get3A_16 = arith.constant 0 : index
    %get3A_17 = vector.load %arg5[%get3A_14, %get3A_15, %get3A_16] : memref<1x768x1280xf32, #tpu.memory_space<vmem>>, vector<1x768x1280xf32>
    %get3A_18 = vector.shape_cast %get3A_17 : vector<1x768x1280xf32> to vector<768x1280xf32>
    %convert_element_type3A_19 = arith.truncf %get3A_18 : vector<768x1280xf32> to vector<768x1280xbf16>
    %dot_general3A = arith.constant dense<0.000000e+00> : vector<256x1280xf32>
    %dot_general3A_20 = tpu.matmul %convert_element_type3A, %convert_element_type3A_7, %dot_general3A {dimension_numbers = #tpu.dot_dimension_numbers<[1], [1], [0], [0], [0, 0, 1, 0], [], []>, transpose_lhs_hint = false} : vector<256x768xbf16>, vector<1280x768xbf16>, vector<256x1280xf32> -> vector<256x1280xf32>
    %dot_general3A_21 = arith.constant dense<0.000000e+00> : vector<256x1280xf32>
    %dot_general3A_22 = tpu.matmul %convert_element_type3A, %convert_element_type3A_13, %dot_general3A_21 {dimension_numbers = #tpu.dot_dimension_numbers<[1], [1], [0], [0], [0, 0, 1, 0], [], []>, transpose_lhs_hint = false} : vector<256x768xbf16>, vector<1280x768xbf16>, vector<256x1280xf32> -> vector<256x1280xf32>
    %mul3A = arith.mulf %dot_general3A_20, %dot_general3A_22 : vector<256x1280xf32>
    %neg3A = arith.constant 0.000000e+00 : f32
    %neg3A_23 = vector.broadcast %neg3A : f32 to vector<256x1280xf32>
    %neg3A_24 = arith.subf %neg3A_23, %mul3A : vector<256x1280xf32>
    %exp3A = math.exp %neg3A_24 : vector<256x1280xf32>
    %add3A = arith.constant 1.000000e+00 : f32
    %add3A_25 = vector.broadcast %add3A : f32 to vector<256x1280xf32>
    %add3A_26 = arith.addf %add3A_25, %exp3A : vector<256x1280xf32>
    %div3A = arith.divf %mul3A, %add3A_26 : vector<256x1280xf32>
    %convert_element_type3A_27 = arith.truncf %div3A : vector<256x1280xf32> to vector<256x1280xbf16>
    %dot_general3A_28 = arith.constant dense<0.000000e+00> : vector<256x768xf32>
    %dot_general3A_29 = tpu.matmul %convert_element_type3A_27, %convert_element_type3A_19, %dot_general3A_28 {dimension_numbers = #tpu.dot_dimension_numbers<[1], [1], [0], [0], [0, 0, 1, 0], [], []>, transpose_lhs_hint = false} : vector<256x1280xbf16>, vector<768x1280xbf16>, vector<256x768xf32> -> vector<256x768xf32>
    %swap3A = arith.constant 0 : index
    %swap3A_30 = arith.constant 0 : index
    %swap3A_31 = vector.load %arg6[%swap3A, %swap3A_30] : memref<256x768xf32, #tpu.memory_space<vmem>>, vector<256x768xf32>
    tpu.vector_store %arg6[%swap3A, %swap3A_30], %dot_general3A_29 {strides = array<i32>} : memref<256x768xf32, #tpu.memory_space<vmem>>, vector<256x768xf32>,
    return
  }
  func.func @transform_0(%arg0: i32, %arg1: memref<28xi32, #tpu.memory_space<smem>>) -> (i32, i32) {
    %c0_i32 = arith.constant 0 : i32
    %c0_i32_0 = arith.constant 0 : i32
    return %arg0, %c0_i32 : i32, i32
  }
  func.func @transform_1(%arg0: i32, %arg1: memref<28xi32, #tpu.memory_space<smem>>) -> (i32, i32, i32) {
    %get3A = arith.index_cast %arg0 : i32 to index
    %get3A_0 = memref.load %arg1[%get3A] : memref<28xi32, #tpu.memory_space<smem>>
    %c0_i32 = arith.constant 0 : i32
    %c0_i32_1 = arith.constant 0 : i32
    %c0_i32_2 = arith.constant 0 : i32
    return %get3A_0, %c0_i32, %c0_i32_1 : i32, i32, i32
  }
  func.func @transform_2(%arg0: i32, %arg1: memref<28xi32, #tpu.memory_space<smem>>) -> (i32, i32, i32) {
    %get3A = arith.index_cast %arg0 : i32 to index
    %get3A_0 = memref.load %arg1[%get3A] : memref<28xi32, #tpu.memory_space<smem>>
    %c0_i32 = arith.constant 0 : i32
    %c0_i32_1 = arith.constant 0 : i32
    %c0_i32_2 = arith.constant 0 : i32
    return %get3A_0, %c0_i32, %c0_i32_1 : i32, i32, i32
  }
  func.func @transform_3(%arg0: i32, %arg1: memref<28xi32, #tpu.memory_space<smem>>) -> (i32, i32, i32) {
    %get3A = arith.index_cast %arg0 : i32 to index
    %get3A_0 = memref.load %arg1[%get3A] : memref<28xi32, #tpu.memory_space<smem>>
    %c0_i32 = arith.constant 0 : i32
    %c0_i32_1 = arith.constant 0 : i32
    %c0_i32_2 = arith.constant 0 : i32
    return %get3A_0, %c0_i32, %c0_i32_1 : i32, i32, i32
  }
  func.func @transform_4(%arg0: i32, %arg1: memref<28xi32, #tpu.memory_space<smem>>) -> (i32, i32) {
    %c0_i32 = arith.constant 0 : i32
    %c0_i32_0 = arith.constant 0 : i32
    return %arg0, %c0_i32 : i32, i32
  }
}

</mosaic_0001>

<sc_bundles>
// kernel: kernel.6.cloned.1.call-start
scs
__scs_entry_jumppad:
0x0: {  	(pc) =	sbr.rel $0x88, $3  }
0x1: {  	(tag) =	ssettag $0x0;
	lr =	simm.s32 $0x1  }
0x2: {  	[smem:$0x3F9C] =	sst lr;
	_ =	strace $0xD0000000  }
0x3: {  	_ = 	snop  }
0x4: {  	_ = 	snop  }
0x5: {  	_ = 	snop  }
0x6: {  	_ = 	snop  }
0x7: {  	_ = 	snop  }
__scs_overlays_trampoline_lowered:
0x8: {  	[smem:$0x3FAB] =	sst s0  }
0x9: {  	[smem:$0x3FAC] =	sst s1  }
0xa: {  	[smem:$0x3FAD] =	sst s2  }
0xb: {  	[smem:$0x3FAE] =	sst s3  }
0xc: {  	[smem:$0x3FAF] =	sst s4  }
0xd: {  	[smem:$0x3FB0] =	sst s5  }
0xe: {  	[smem:$0x3FB1] =	sst s6  }
0xf: {  	[smem:$0x3FB2] =	sst s7  }
0x10: {  	[smem:$0x3FB3] =	sst s8  }
0x11: {  	[smem:$0x3FB4] =	sst s9;
	s0 =	simm.s32 @!p0 $0x0  }
0x12: {  	s1 =	sld [smem:$0x3F9A];
	s0 =	simm.s32 @p0 $0x1  }
0x13: {  	[smem:$0x3FB5] =	sst s0;
	s0 =	simm.s32 @!p1 $0x0  }
0x14: {  	s2 =	sld [smem:$0x3F99];
	s0 =	simm.s32 @p1 $0x1  }
0x15: {  	[smem:$0x3FB6] =	sst s0;
	s0 =	simm.s32 @!p2 $0x0  }
0x16: {  	s3 =	sld [smem:$0x3FDB];
	s0 =	simm.s32 @p2 $0x1  }
0x17: {  	s4 =	simm.s32 $0x1BF5;
	[smem:$0x3FB8] =	sst s0  }
0x18: {  	s0 =	sld [smem:$0x3F9B];
	_ =	swait.ge [sflag:s4], $0x0  }
0x19: {  	s7 =	sld [smem:$0x3F9C]  }
0x1a: {  	s8 =	sadd.s32 $0xFFFFE003, lr  }
0x1b: {  	s9 =	sadd.s32 $0xFFFFFEF7, lr;
	s5 =	simm.s32 $0xFFFFFFFF;
	p2 =	slt.u32 s8, $0xFFFFF086  }
0x1c: {  	p1 =	slt.u32 s9, $0xF7A;
	s5 =	simm.s32 @!p2 $0x0  }
0x1d: {  	s5 =	simm.s32 @p1 $0x1;
	p0 =	seq.s32 s7, s2  }
0x1e: {  	s7 =	smul.u32 @!p0 $0xF7A, s2;
	p2 =	seq.s32 @!p0 s5, $0x0  }
0x1f: {  	s9 =	smul.u32 $0xF7A, s1;
	s8 =	simm.s32 @!p0 $0x1BF5;
	p2 =	por !p2, p0  }
0x20: {  	[sflag:s8] =	ssyncset.s32 @!p0 $0xFFFFF086;
	s6 =	sadd.s32 @!p0 s3, s7;
	s7 =	simm.s32 @!p0 $0x108  }
0x21: {  	s3 =	sadd.s32 s3, s9;
	s6 =	sadd.s32 @!p0 $0x88, s6;
	s7 =	simm.s32 @p2 $0x1082  }
0x22: {  	[simem:s7], [sflag:s8] =	dma.local @!p0 [hbm:s6], $0xF7A  }
0x23: {  	s9 =	sor.u32 $0xD0000000, s2;
	s6 =	simm.s32 $0x108;
	_ =	swait.ge @!p0 [sflag:s8], $0x0  }
0x24: {  	s3 =	sadd.s32 $0x88, s3;
	s6 =	simm.s32 @!p1 $0x1082;
	[sflag:s4] =	ssyncset.s32 $0xFFFFF086  }
0x25: {  	[simem:s6], [sflag:s4] =	dma.local [hbm:s3], $0xF7A  }
0x26: {  	[smem:$0x3F9C] =	sst s1;
	(tag) =	ssettag s2;
	_ =	strace s9  }
0x27: {  	s1 =	sld [smem:$0x3FAC]  }
0x28: {  	s2 =	sld [smem:$0x3FAD]  }
0x29: {  	s4 =	sld [smem:$0x3FAF]  }
0x2a: {  	p0 =	seq.s32 s5, $0x0;
	s5 =	sld [smem:$0x3FB0]  }
0x2b: {  	s6 =	sld [smem:$0x3FB1]  }
0x2c: {  	s7 =	sld [smem:$0x3FB2]  }
0x2d: {  	s3 =	simm.s32 $0x108;
	s8 =	sld [smem:$0x3FB3]  }
0x2e: {  	s3 =	simm.s32 @!p0 $0x1082;
	s9 =	sld [smem:$0x3FB4]  }
0x2f: {  	lr =	sadd.s32 s0, s3;
	s0 =	sld [smem:$0x3FAB]  }
0x30: {  	s3 =	sld [smem:$0x3FAE]  }
0x31: {  	[smem:$0x3FB7] =	sst s10  }
0x32: {  	s10 =	sld [smem:$0x3FB5];
	_ =	sdelay $0x3  }
0x33: {  	p0 =	seq.s32 s10, $0x1;
	s10 =	sld [smem:$0x3FB7];
	_ =	sdelay $0x3  }
0x34: {  	[smem:$0x3FB7] =	sst s10  }
0x35: {  	s10 =	sld [smem:$0x3FB6];
	_ =	sdelay $0x3  }
0x36: {  	p1 =	seq.s32 s10, $0x1;
	s10 =	sld [smem:$0x3FB7];
	_ =	sdelay $0x3  }
0x37: {  	[smem:$0x3FB7] =	sst s10  }
0x38: {  	s10 =	sld [smem:$0x3FB8]  }
0x39: {  	_ = 	snop;
	(pc) =	sbr.ind lr, $3  }
0x3a: {  	_ = 	snop  }
0x3b: {  	_ = 	snop  }
0x3c: {  	p2 =	seq.s32 s10, $0x1;
	s10 =	sld [smem:$0x3FB7]  }
0x3d: {  	_ =	shalt  }
0x3e: {  	_ =	shalt  }
0x3f: {  	_ =	shalt  }
0x40: {  	_ =	shalt  }
0x41: {  	_ =	shalt  }
0x42: {  	_ =	shalt  }
0x43: {  	_ =	shalt  }
0x44: {  	_ =	shalt  }
0x45: {  	_ =	shalt  }
0x46: {  	_ =	shalt  }
0x47: {  	_ =	shalt  }
0x48: {  	_ =	shalt  }
0x49: {  	_ =	shalt  }
0x4a: {  	_ =	shalt  }
0x4b: {  	_ =	shalt  }
0x4c: {  	_ =	shalt  }
0x4d: {  	_ =	shalt  }
0x4e: {  	_ =	shalt  }
0x4f: {  	_ =	shalt  }
0x50: {  	_ =	shalt  }
0x51: {  	_ =	shalt  }
0x52: {  	_ =	shalt  }
0x53: {  	_ =	shalt  }
0x54: {  	_ =	shalt  }
0x55: {  	_ =	shalt  }
0x56: {  	_ =	shalt  }
0x57: {  	_ =	shalt  }
0x58: {  	_ =	shalt  }
0x59: {  	_ =	shalt  }
0x5a: {  	_ =	shalt  }
0x5b: {  	_ =	shalt  }
0x5c: {  	_ =	shalt  }
0x5d: {  	_ =	shalt  }
0x5e: {  	_ =	shalt  }
0x5f: {  	_ =	shalt  }
0x60: {  	_ =	shalt  }
0x61: {  	_ =	shalt  }
0x62: {  	_ =	shalt  }
0x63: {  	_ =	shalt  }
0x64: {  	_ =	shalt  }
0x65: {  	_ =	shalt  }
0x66: {  	_ =	shalt  }
0x67: {  	_ =	shalt  }
0x68: {  	_ =	shalt  }
0x69: {  	_ =	shalt  }
0x6a: {  	_ =	shalt  }
0x6b: {  	_ =	shalt  }
0x6c: {  	_ =	shalt  }
0x6d: {  	_ =	shalt  }
0x6e: {  	_ =	shalt  }
0x6f: {  	_ =	shalt  }
0x70: {  	_ =	shalt  }
0x71: {  	_ =	shalt  }
0x72: {  	_ =	shalt  }
0x73: {  	_ =	shalt  }
0x74: {  	_ =	shalt  }
0x75: {  	_ =	shalt  }
0x76: {  	_ =	shalt  }
0x77: {  	_ =	shalt  }
0x78: {  	_ =	shalt  }
0x79: {  	_ =	shalt  }
0x7a: {  	_ =	shalt  }
0x7b: {  	_ =	shalt  }
0x7c: {  	_ =	shalt  }
0x7d: {  	_ =	shalt  }
0x7e: {  	_ =	shalt  }
0x7f: {  	_ =	shalt  }
0x80: {  	_ =	shalt  }
0x81: {  	_ =	shalt  }
0x82: {  	_ =	shalt  }
0x83: {  	_ =	shalt  }
0x84: {  	_ =	shalt  }
0x85: {  	_ =	shalt  }
0x86: {  	_ =	shalt  }
0x87: {  	_ =	shalt  }
.Lfunc_end0:
.L_simem_size_0:
called_computation_lowered:
.L_overlay_start_0:
0x88: {  	s2 =	sld [smem:$0x3FD9]  }
0x89: {  	s3 =	sld [smem:$0x3FFE];
	_ =	sdelay $0x1  }
0x8a: {  	s1 =	srdreg.scid  }
0x8b: {  	s0 =	sand.u32 $0x1, s1  }
0x8c: {  	s17 =	sshll.u32 s0, $0xA;
	s2 =	sadd.s32 s3, s2  }
0x8d: {  	s2 =	sadd.s32 s2, s17  }
0x8e: {  	[smem:$0x3FC3] =	sst s2  }
0x8f: {  	_ = 	snop  }
0x90: {  	s2 =	sld [smem:$0x3FC9];
	(tm) =	ssettm $0x1  }
0x91: {  	s18 =	sld [smem:$0x3FFB];
	_ =	sdelay $0x3  }
0x92: {  	_ =	strace s18  }
0x93: {  	s3 =	sld [smem:$0x3FFC];
	_ =	sdelay $0x3  }
0x94: {  	_ =	strace s3  }
0x95: {  	s3 =	sld [smem:$0x3FFD];
	_ =	sdelay $0x3  }
0x96: {  	_ =	strace s3  }
0x97: {  	_ =	strace $0x8FFFFFFF  }
0x98: {  	s19 =	sld [smem:$0x3FDB];
	_ =	sdelay $0x1  }
0x99: {  	s4 =	simm.s32 $_scs_section_size  }
0x9a: {  	s5 =	simm.s32 $_size__tile_overlayer_lowered;
	s6 =	simm.s32 $_tile_overlayer_lowered  }
0x9b: {  	s22 =	simm.s32 $0x1BFF;
	s21 =	sshll.u32 s6, $0x1;
	s3 =	sadd.s32 s4, s19  }
0x9c: {  	s7 =	simm.s32 $0x0;
	s20 =	sshll.u32 s5, $0x1;
	s5 =	sadd.s32 s21, s3  }
0x9d: {  	[timem:s7], [sflag:s22] =	dma.local [hbm:s5], s20  }
0x9e: {  	_ =	swait.ge [sflag:s22], s20  }
0x9f: {  	s4 =	ssub.s32 $0x0, s20;
	[sflag:s22] =	ssyncset.done $0x0  }
0xa0: {  	[sflag:s22] =	ssyncadd.s32 s4;
	_ =	sdelay $0x1  }
0xa1: {  	s23 =	simm.s32 $0x1B8B  }
0xa2: {  	_ =	swait.ge [sflag:s23], $0x1  }
0xa3: {  	[sflag:s23] =	ssyncset.done $0x0  }
0xa4: {  	s25 =	simm.s32 $0x1B8E;
	s24 =	sld [smem:$0x3FFE];
	[sflag:s23] =	ssyncadd.s32 $0xFFFFFFFF  }
0xa5: {  	s26 =	simm.s32 $execute0_lowered;
	[smem:$0x3FD2] =	sst s25  }
0xa6: {  	s5 =	sshll.u32 s26, $0x1;
	_ =	strace $0x80000046;
	[dreg:$0x1] =	wrdreg $0xFFFFFFFF  }
0xa7: {  	s28 =	simm.s32 $_size_execute0_lowered;
	s3 =	sadd.s32 s3, s5;
	[dreg:$0x0] =	wrdreg $0x0  }
0xa8: {  	s5 =	sshll.u32 s28, $0x1;
	[dreg:$0x2] =	wrdreg s3  }
0xa9: {  	[dreg:$0x3] =	wrdreg s5  }
0xaa: {  	[dreg:$0x4] =	wrdreg $0xC0  }
0xab: {  	_ =	task [dreg:s7], $0x5FFFF  }
0xac: {  	[dreg:$0x1] =	wrdreg $0xFFFFFFFF  }
0xad: {  	[dreg:$0x0] =	wrdreg $0x60  }
0xae: {  	[dreg:$0x2] =	wrdreg s2  }
0xaf: {  	[dreg:$0x3] =	wrdreg s24  }
0xb0: {  	[dreg:$0x4] =	wrdreg $0x9  }
0xb1: {  	_ =	task.clear_ibuf [dreg:s7], $0x5FFFF;
	_ =	strace $0x90000046  }
0xb2: {  	s29 =	simm.s32 $0x9;
	_ =	strace $0x80000048  }
0xb3: {  	_ =	swait.ge [sflag:s29], $0x1  }
0xb4: {  	[sflag:s29] =	ssyncadd.s32 $0xFFFFFFFF  }
0xb5: {  	_ =	strace $0x90000048  }
0xb6: {  	_ =	sfence  }
0xb7: {  	s30 =	sld [smem:$0x0];
	_ =	sdelay $0x2  }
0xb8: {  	s31 =	sshll.u32 s1, $0xD;
	s1 =	sshrl.u32 s1, $0x2  }
0xb9: {  	s3 =	sand.u32 $0x4000, s31;
	s1 =	sadd.s32 s1, s30  }
0xba: {  	s0 =	sor.u32 s3, s0;
	s1 =	sshll.u32 s1, $0x11  }
0xbb: {  	s0 =	sor.u32 s1, s0  }
0xbc: {  	s0 =	sadd.s32 $0x8F2B, s0  }
0xbd: {  	[sflag:s0] =	ssyncadd.remote.s32 $0x1  }
0xbe: {  	_ =	sfence.sel $0xFFFF  }
0xbf: {  	[dreg:$0x0] =	wrdreg $0xFFFFFFFF;
	(pc) =	sbr.abs _section_cstart, $3  }
0xc0: {  	[dreg:$0x1] =	wrdreg $0xFFFFFFFF  }
0xc1: {  	_ =	task.clear_ibuf [dreg:s7], $0x2FFFF;
	_ =	strace $0x9FFFFFFF  }
0xc2: {  	(tm) =	ssettm $0x7FFFFFFF  }
0xc3: {  	_ =	shalt  }
tec
execute0_lowered:
.L_overlay_start_1:
0x0: {  	(tag) =	ssettag $0x1  }
0x1: {  	s1 =	srdreg.scid;
	s0 =	stileid.u32  }
0x2: {  	s3 =	rddreg [dreg:$0x0];
	s4 =	sand.u32 $0x1, s1;
	s2 =	sshll.u32 s0, $0x5  }
0x3: {  	s1 =	rddreg [dreg:$0x1];
	s6 =	sand.u32 $0xE0, s2;
	s2 =	simm.s32 $0x0  }
0x4: {  	s23 =	simm.s32 $0x880;
	[smem:$0x7FF] =	sst s2  }
0x5: {  	s24 =	simm.s32 $0x1080;
	_ =	strace $0x80000047;
	[dreg:$0x5] =	wrdreg s23  }
0x6: {  	s7 =	simm.s32 $0x1800;
	s25 =	simm.s32 $0x1880;
	[dreg:$0x6] =	wrdreg s24  }
0x7: {  	s26 =	simm.s32 $0x2080;
	p0 =	slt.u32 s0, $0x8;
	[dreg:$0x7] =	wrdreg s25  }
0x8: {  	s0 =	simm.s32 $0x2880;
	s7 =	simm.s32 @!p0 $0x1A00;
	[dreg:$0x8] =	wrdreg s26  }
0x9: {  	s21 =	sadd.s32 s7, s1;
	s7 =	simm.s32 $0x4080;
	[dreg:$0x9] =	wrdreg s0  }
0xa: {  	s8 =	simm.s32 $0x4880;
	[dreg:$0xc] =	wrdreg s7  }
0xb: {  	s9 =	simm.s32 $0x5080;
	[dreg:$0xd] =	wrdreg s8  }
0xc: {  	s10 =	simm.s32 $0x5880;
	s11 =	simm.s32 $0x6080;
	[dreg:$0xe] =	wrdreg s9  }
0xd: {  	s12 =	simm.s32 $0x6880;
	s13 =	simm.s32 $0x7080;
	[dreg:$0xf] =	wrdreg s10  }
0xe: {  	s14 =	simm.s32 $0x7880;
	s15 =	simm.s32 $0x8080;
	[dreg:$0x10] =	wrdreg s11  }
0xf: {  	s16 =	simm.s32 $0x8880;
	s17 =	simm.s32 $0x9080;
	[dreg:$0x11] =	wrdreg s12  }
0x10: {  	s18 =	simm.s32 $0x9880;
	s20 =	simm.s32 $0xA080;
	[dreg:$0x12] =	wrdreg s13  }
0x11: {  	s28 =	simm.s32 $0x16080;
	s29 =	simm.s32 $0x16880;
	[dreg:$0x13] =	wrdreg s14  }
0x12: {  	s30 =	simm.s32 $0x17080;
	s31 =	simm.s32 $0x17880;
	[dreg:$0x14] =	wrdreg s15  }
0x13: {  	s5 =	sshll.u32 s4, $0x4;
	s4 =	ssub.s32 $0x2, s4;
	[dreg:$0x15] =	wrdreg s16  }
0x14: {  	s5 =	sor.u32 s5, s6;
	s19 =	sshrl.u32 s4, $0x1;
	[dreg:$0x16] =	wrdreg s17  }
0x15: {  	s6 =	smul.u32 $0x300, s5;
	s22 =	sadd.s32 s21, s5;
	[dreg:$0x17] =	wrdreg s18  }
0x16: {  	s5 =	simm.s32 $0x3080;
	[dreg:$0x18] =	wrdreg s20;
	s21 =	simm.s32 $0xA880  }
0x17: {  	s23 =	simm.s32 $0xB880;
	s24 =	simm.s32 $0xC080;
	s7 =	simm.s32 $0x80  }
0x18: {  	s25 =	simm.s32 $0xC880;
	s8 =	simm.s32 $0x3;
	s26 =	simm.s32 $0xD080  }
0x19: {  	s9 =	simm.s32 $0x1;
	s11 =	simm.s32 $0xE080;
	[dreg:$0x4] =	wrdreg s22  }
0x1a: {  	s12 =	simm.s32 $0xE880;
	s13 =	simm.s32 $0xF080;
	[dreg:$0xa] =	wrdreg s5  }
0x1b: {  	s14 =	simm.s32 $0xF880;
	s15 =	simm.s32 $0x10080;
	[dreg:$0x19] =	wrdreg s21  }
0x1c: {  	s16 =	simm.s32 $0x10880;
	s17 =	simm.s32 $0x11080;
	[dreg:$0x1b] =	wrdreg s23  }
0x1d: {  	s18 =	simm.s32 $0x11880;
	s20 =	simm.s32 $0x12880;
	[dreg:$0x1c] =	wrdreg s24  }
0x1e: {  	s22 =	simm.s32 $0xB080;
	s5 =	sadd.s32 $0x2200, s1;
	[dreg:$0x1d] =	wrdreg s25  }
0x1f: {  	[dreg:$0x1e] =	wrdreg s26;
	s21 =	simm.s32 $0x13080;
	s23 =	simm.s32 $0x14080  }
0x20: {  	s24 =	simm.s32 $0x14880;
	s3 =	sadd.s32 s3, s6;
	[dreg:$0x1a] =	wrdreg s22  }
0x21: {  	s25 =	simm.s32 $0x15080;
	s6 =	simm.s32 $0x3880;
	[dreg:$0x3] =	wrdreg s3  }
0x22: {  	v2 =	vlaneseq.u32;
	s26 =	simm.s32 $0x15880;
	s22 =	simm.s32 $0x13880;
	[dreg:$0xb] =	wrdreg s6  }
0x23: {  	vm0 =	vmmov $0xffff;
	v1 =	vshrl.u32 v2, $0x3;
	s3 =	sadd.s32 $0x2000, s1;
	s6 =	ssub.s32 s4, s19;
	s4 =	sadd.s32 $0x2100, s1  }
0x24: {  	v0 =	vand.u32 $0x7, v2;
	v2 =	vor.u32 $0x8, v2;
	v1 =	vmul.u32 $0x8, v1;
	s19 =	simm.s32 $0x12080;
	s1 =	simm.s32 $0x2;
	s6 =	smax.u32 s6, $0x1  }
.LBB2_1:
0x25: {  	s0 =	rddreg [dreg:$0x3]  }
0x26: {  	[tilespmem:s7], [sflag:$0x1] =	stream.linear.gather [hbm4b:s0+s2], $0x18000, $0x38;
	[tilespmem:$0x18080] =	vst v63  }
0x27: {  	s10 =	rddreg [dreg:$0x4]  }
0x28: {  	[tilespmem:s2], [sflag:$0x3] =	stream.linear.gather [hbm4b:s10+s2], $0x80, $0x38;
	[tilespmem:$0x18080] =	vst v63  }
0x29: {  	_ =	swait.ge [sflag:s8], $0x80  }
0x2a: {  	[sflag:s8] =	ssyncset.done $0x0  }
0x2b: {  	[sflag:s8] =	ssyncadd.s32 $0xFFFFFF80  }
0x2c: {  	_ =	swait.ge [sflag:s9], $0x18000  }
0x2d: {  	[sflag:s9] =	ssyncset.done $0x0  }
0x2e: {  	[sflag:s9] =	ssyncadd.s32 $0xFFFE8000  }
0x2f: {  	v3 =	vld [tilespmem:$0x0];
	_ =	sdelay $0x4  }
0x30: {  	v4 =	vshrl.u32 v3, $0x3  }
0x31: {  	v4 =	vmul.u32 $0x30, v4  }
0x32: {  	v3 =	vand.u32 $0x7, v3  }
0x33: {  	v3 =	vor.u32 v3, v4  }
0x34: {  	v4 =	vperm.xlane v3, v0;
	_ =	sdelay $0x1  }
0x35: {  	v4 =	vadd.s32 v1, v4;
	_ =	sdelay $0x3  }
0x36: {  	v3 =	vperm.xlane v3, v2  }
0x37: {  	[hbm4b:s3+s2] =	stream.indirect_vreg.scatter [tilespmem:s7], [sflag:$0x2], $0x80, v4, vm0, $0xb8;
	[tilespmem:$0x18080] =	vst v63  }
0x38: {  	s0 =	rddreg [dreg:$0x5];
	v3 =	vadd.s32 v1, v3  }
0x39: {  	[hbm4b:s4+s2] =	stream.indirect_vreg.scatter [tilespmem:s0], [sflag:$0x2], $0x80, v4, vm0, $0xb8;
	[tilespmem:$0x18080] =	vst v63  }
0x3a: {  	s10 =	rddreg [dreg:$0x6]  }
0x3b: {  	[hbm4b:s5+s2] =	stream.indirect_vreg.scatter [tilespmem:s10], [sflag:$0x2], $0x80, v4, vm0, $0xb8;
	[tilespmem:$0x18080] =	vst v63  }
0x3c: {  	s0 =	rddreg [dreg:$0x7]  }
0x3d: {  	[hbm4b:s3+s2] =	stream.indirect_vreg.scatter [tilespmem:s0], [sflag:$0x2], $0x80, v3, vm0, $0xb8;
	[tilespmem:$0x18080] =	vst v63  }
0x3e: {  	s10 =	rddreg [dreg:$0x8]  }
0x3f: {  	[hbm4b:s4+s2] =	stream.indirect_vreg.scatter [tilespmem:s10], [sflag:$0x2], $0x80, v3, vm0, $0xb8;
	[tilespmem:$0x18080] =	vst v63  }
0x40: {  	s0 =	rddreg [dreg:$0x9]  }
0x41: {  	[hbm4b:s5+s2] =	stream.indirect_vreg.scatter [tilespmem:s0], [sflag:$0x2], $0x80, v3, vm0, $0xb8;
	[tilespmem:$0x18080] =	vst v63  }
0x42: {  	v3 =	vld [tilespmem:$0x10];
	_ =	sdelay $0x4  }
0x43: {  	v57 =	vshrl.u32 v3, $0x3  }
0x44: {  	v4 =	vmul.u32 $0x30, v57  }
0x45: {  	v3 =	vand.u32 $0x7, v3  }
0x46: {  	v3 =	vor.u32 v3, v4  }
0x47: {  	v4 =	vperm.xlane v3, v0;
	_ =	sdelay $0x1  }
0x48: {  	v4 =	vadd.s32 v1, v4;
	_ =	sdelay $0x3  }
0x49: {  	s0 =	rddreg [dreg:$0xa];
	v3 =	vperm.xlane v3, v2  }
0x4a: {  	[hbm4b:s3+s2] =	stream.indirect_vreg.scatter [tilespmem:s0], [sflag:$0x2], $0x80, v4, vm0, $0xb8;
	[tilespmem:$0x18080] =	vst v63  }
0x4b: {  	s10 =	rddreg [dreg:$0xb];
	v3 =	vadd.s32 v1, v3  }
0x4c: {  	[hbm4b:s4+s2] =	stream.indirect_vreg.scatter [tilespmem:s10], [sflag:$0x2], $0x80, v4, vm0, $0xb8;
	[tilespmem:$0x18080] =	vst v63  }
0x4d: {  	s0 =	rddreg [dreg:$0xc]  }
0x4e: {  	[hbm4b:s5+s2] =	stream.indirect_vreg.scatter [tilespmem:s0], [sflag:$0x2], $0x80, v4, vm0, $0xb8;
	[tilespmem:$0x18080] =	vst v63  }
0x4f: {  	s10 =	rddreg [dreg:$0xd]  }
0x50: {  	[hbm4b:s3+s2] =	stream.indirect_vreg.scatter [tilespmem:s10], [sflag:$0x2], $0x80, v3, vm0, $0xb8;
	[tilespmem:$0x18080] =	vst v63  }
0x51: {  	s0 =	rddreg [dreg:$0xe]  }
0x52: {  	[hbm4b:s4+s2] =	stream.indirect_vreg.scatter [tilespmem:s0], [sflag:$0x2], $0x80, v3, vm0, $0xb8;
	[tilespmem:$0x18080] =	vst v63  }
0x53: {  	s10 =	rddreg [dreg:$0xf]  }
0x54: {  	[hbm4b:s5+s2] =	stream.indirect_vreg.scatter [tilespmem:s10], [sflag:$0x2], $0x80, v3, vm0, $0xb8;
	[tilespmem:$0x18080] =	vst v63  }
0x55: {  	v3 =	vld [tilespmem:$0x20];
	_ =	sdelay $0x4  }
0x56: {  	v58 =	vshrl.u32 v3, $0x3  }
0x57: {  	v4 =	vmul.u32 $0x30, v58  }
0x58: {  	v3 =	vand.u32 $0x7, v3  }
0x59: {  	v3 =	vor.u32 v3, v4  }
0x5a: {  	v4 =	vperm.xlane v3, v0;
	_ =	sdelay $0x1  }
0x5b: {  	v4 =	vadd.s32 v1, v4;
	_ =	sdelay $0x3  }
0x5c: {  	s0 =	rddreg [dreg:$0x10];
	v3 =	vperm.xlane v3, v2  }
0x5d: {  	[hbm4b:s3+s2] =	stream.indirect_vreg.scatter [tilespmem:s0], [sflag:$0x2], $0x80, v4, vm0, $0xb8;
	[tilespmem:$0x18080] =	vst v63  }
0x5e: {  	s10 =	rddreg [dreg:$0x11];
	v3 =	vadd.s32 v1, v3  }
0x5f: {  	[hbm4b:s4+s2] =	stream.indirect_vreg.scatter [tilespmem:s10], [sflag:$0x2], $0x80, v4, vm0, $0xb8;
	[tilespmem:$0x18080] =	vst v63  }
0x60: {  	s0 =	rddreg [dreg:$0x12]  }
0x61: {  	[hbm4b:s5+s2] =	stream.indirect_vreg.scatter [tilespmem:s0], [sflag:$0x2], $0x80, v4, vm0, $0xb8;
	[tilespmem:$0x18080] =	vst v63  }
0x62: {  	s10 =	rddreg [dreg:$0x13]  }
0x63: {  	[hbm4b:s3+s2] =	stream.indirect_vreg.scatter [tilespmem:s10], [sflag:$0x2], $0x80, v3, vm0, $0xb8;
	[tilespmem:$0x18080] =	vst v63  }
0x64: {  	s0 =	rddreg [dreg:$0x14]  }
0x65: {  	[hbm4b:s4+s2] =	stream.indirect_vreg.scatter [tilespmem:s0], [sflag:$0x2], $0x80, v3, vm0, $0xb8;
	[tilespmem:$0x18080] =	vst v63  }
0x66: {  	s10 =	rddreg [dreg:$0x15]  }
0x67: {  	[hbm4b:s5+s2] =	stream.indirect_vreg.scatter [tilespmem:s10], [sflag:$0x2], $0x80, v3, vm0, $0xb8;
	[tilespmem:$0x18080] =	vst v63  }
0x68: {  	v3 =	vld [tilespmem:$0x30];
	_ =	sdelay $0x4  }
0x69: {  	v59 =	vshrl.u32 v3, $0x3  }
0x6a: {  	v4 =	vmul.u32 $0x30, v59  }
0x6b: {  	v3 =	vand.u32 $0x7, v3  }
0x6c: {  	v3 =	vor.u32 v3, v4  }
0x6d: {  	v4 =	vperm.xlane v3, v0;
	_ =	sdelay $0x1  }
0x6e: {  	v4 =	vadd.s32 v1, v4;
	_ =	sdelay $0x3  }
0x6f: {  	s0 =	rddreg [dreg:$0x16];
	v3 =	vperm.xlane v3, v2  }
0x70: {  	[hbm4b:s3+s2] =	stream.indirect_vreg.scatter [tilespmem:s0], [sflag:$0x2], $0x80, v4, vm0, $0xb8;
	[tilespmem:$0x18080] =	vst v63  }
0x71: {  	s10 =	rddreg [dreg:$0x17];
	v3 =	vadd.s32 v1, v3  }
0x72: {  	[hbm4b:s4+s2] =	stream.indirect_vreg.scatter [tilespmem:s10], [sflag:$0x2], $0x80, v4, vm0, $0xb8;
	[tilespmem:$0x18080] =	vst v63  }
0x73: {  	s0 =	rddreg [dreg:$0x18]  }
0x74: {  	[hbm4b:s5+s2] =	stream.indirect_vreg.scatter [tilespmem:s0], [sflag:$0x2], $0x80, v4, vm0, $0xb8;
	[tilespmem:$0x18080] =	vst v63  }
0x75: {  	s10 =	rddreg [dreg:$0x19]  }
0x76: {  	[hbm4b:s3+s2] =	stream.indirect_vreg.scatter [tilespmem:s10], [sflag:$0x2], $0x80, v3, vm0, $0xb8;
	[tilespmem:$0x18080] =	vst v63  }
0x77: {  	s0 =	rddreg [dreg:$0x1a]  }
0x78: {  	[hbm4b:s4+s2] =	stream.indirect_vreg.scatter [tilespmem:s0], [sflag:$0x2], $0x80, v3, vm0, $0xb8;
	[tilespmem:$0x18080] =	vst v63  }
0x79: {  	s10 =	rddreg [dreg:$0x1b]  }
0x7a: {  	[hbm4b:s5+s2] =	stream.indirect_vreg.scatter [tilespmem:s10], [sflag:$0x2], $0x80, v3, vm0, $0xb8;
	[tilespmem:$0x18080] =	vst v63  }
0x7b: {  	v3 =	vld [tilespmem:$0x40];
	_ =	sdelay $0x4  }
0x7c: {  	v60 =	vshrl.u32 v3, $0x3  }
0x7d: {  	v4 =	vmul.u32 $0x30, v60  }
0x7e: {  	v3 =	vand.u32 $0x7, v3  }
0x7f: {  	v3 =	vor.u32 v3, v4  }
0x80: {  	v4 =	vperm.xlane v3, v0;
	_ =	sdelay $0x1  }
0x81: {  	v4 =	vadd.s32 v1, v4;
	_ =	sdelay $0x3  }
0x82: {  	s0 =	rddreg [dreg:$0x1c];
	v3 =	vperm.xlane v3, v2  }
0x83: {  	[hbm4b:s3+s2] =	stream.indirect_vreg.scatter [tilespmem:s0], [sflag:$0x2], $0x80, v4, vm0, $0xb8;
	[tilespmem:$0x18080] =	vst v63  }
0x84: {  	s10 =	rddreg [dreg:$0x1d];
	v3 =	vadd.s32 v1, v3  }
0x85: {  	[hbm4b:s4+s2] =	stream.indirect_vreg.scatter [tilespmem:s10], [sflag:$0x2], $0x80, v4, vm0, $0xb8;
	[tilespmem:$0x18080] =	vst v63  }
0x86: {  	s0 =	rddreg [dreg:$0x1e]  }
0x87: {  	[hbm4b:s5+s2] =	stream.indirect_vreg.scatter [tilespmem:s0], [sflag:$0x2], $0x80, v4, vm0, $0xb8;
	[tilespmem:$0x18080] =	vst v63  }
0x88: {  	s10 =	simm.s32 $0xD880  }
0x89: {  	[hbm4b:s3+s2] =	stream.indirect_vreg.scatter [tilespmem:s10], [sflag:$0x2], $0x80, v3, vm0, $0xb8;
	[tilespmem:$0x18080] =	vst v63  }
0x8a: {  	_ = 	snop  }
0x8b: {  	[hbm4b:s4+s2] =	stream.indirect_vreg.scatter [tilespmem:s11], [sflag:$0x2], $0x80, v3, vm0, $0xb8;
	[tilespmem:$0x18080] =	vst v63  }
0x8c: {  	_ = 	snop  }
0x8d: {  	[hbm4b:s5+s2] =	stream.indirect_vreg.scatter [tilespmem:s12], [sflag:$0x2], $0x80, v3, vm0, $0xb8;
	[tilespmem:$0x18080] =	vst v63  }
0x8e: {  	v3 =	vld [tilespmem:$0x50];
	_ =	sdelay $0x4  }
0x8f: {  	v61 =	vshrl.u32 v3, $0x3  }
0x90: {  	v4 =	vmul.u32 $0x30, v61  }
0x91: {  	v3 =	vand.u32 $0x7, v3  }
0x92: {  	v3 =	vor.u32 v3, v4  }
0x93: {  	v4 =	vperm.xlane v3, v0;
	_ =	sdelay $0x1  }
0x94: {  	v4 =	vadd.s32 v1, v4;
	_ =	sdelay $0x3  }
0x95: {  	v3 =	vperm.xlane v3, v2  }
0x96: {  	[hbm4b:s3+s2] =	stream.indirect_vreg.scatter [tilespmem:s13], [sflag:$0x2], $0x80, v4, vm0, $0xb8;
	[tilespmem:$0x18080] =	vst v63  }
0x97: {  	v3 =	vadd.s32 v1, v3  }
0x98: {  	[hbm4b:s4+s2] =	stream.indirect_vreg.scatter [tilespmem:s14], [sflag:$0x2], $0x80, v4, vm0, $0xb8;
	[tilespmem:$0x18080] =	vst v63  }
0x99: {  	_ = 	snop  }
0x9a: {  	[hbm4b:s5+s2] =	stream.indirect_vreg.scatter [tilespmem:s15], [sflag:$0x2], $0x80, v4, vm0, $0xb8;
	[tilespmem:$0x18080] =	vst v63  }
0x9b: {  	_ = 	snop  }
0x9c: {  	[hbm4b:s3+s2] =	stream.indirect_vreg.scatter [tilespmem:s16], [sflag:$0x2], $0x80, v3, vm0, $0xb8;
	[tilespmem:$0x18080] =	vst v63  }
0x9d: {  	_ = 	snop  }
0x9e: {  	[hbm4b:s4+s2] =	stream.indirect_vreg.scatter [tilespmem:s17], [sflag:$0x2], $0x80, v3, vm0, $0xb8;
	[tilespmem:$0x18080] =	vst v63  }
0x9f: {  	_ = 	snop  }
0xa0: {  	[hbm4b:s5+s2] =	stream.indirect_vreg.scatter [tilespmem:s18], [sflag:$0x2], $0x80, v3, vm0, $0xb8;
	[tilespmem:$0x18080] =	vst v63  }
0xa1: {  	v3 =	vld [tilespmem:$0x60];
	_ =	sdelay $0x4  }
0xa2: {  	v62 =	vshrl.u32 v3, $0x3  }
0xa3: {  	v4 =	vmul.u32 $0x30, v62  }
0xa4: {  	v3 =	vand.u32 $0x7, v3  }
0xa5: {  	v3 =	vor.u32 v3, v4  }
0xa6: {  	v4 =	vperm.xlane v3, v0;
	_ =	sdelay $0x1  }
0xa7: {  	v4 =	vadd.s32 v1, v4;
	_ =	sdelay $0x3  }
0xa8: {  	v3 =	vperm.xlane v3, v2  }
0xa9: {  	[hbm4b:s3+s2] =	stream.indirect_vreg.scatter [tilespmem:s19], [sflag:$0x2], $0x80, v4, vm0, $0xb8;
	[tilespmem:$0x18080] =	vst v63  }
0xaa: {  	v3 =	vadd.s32 v1, v3  }
0xab: {  	[hbm4b:s4+s2] =	stream.indirect_vreg.scatter [tilespmem:s20], [sflag:$0x2], $0x80, v4, vm0, $0xb8;
	[tilespmem:$0x18080] =	vst v63  }
0xac: {  	_ = 	snop  }
0xad: {  	[hbm4b:s5+s2] =	stream.indirect_vreg.scatter [tilespmem:s21], [sflag:$0x2], $0x80, v4, vm0, $0xb8;
	[tilespmem:$0x18080] =	vst v63  }
0xae: {  	_ = 	snop  }
0xaf: {  	[hbm4b:s3+s2] =	stream.indirect_vreg.scatter [tilespmem:s22], [sflag:$0x2], $0x80, v3, vm0, $0xb8;
	[tilespmem:$0x18080] =	vst v63  }
0xb0: {  	_ = 	snop  }
0xb1: {  	[hbm4b:s4+s2] =	stream.indirect_vreg.scatter [tilespmem:s23], [sflag:$0x2], $0x80, v3, vm0, $0xb8;
	[tilespmem:$0x18080] =	vst v63  }
0xb2: {  	_ = 	snop  }
0xb3: {  	[hbm4b:s5+s2] =	stream.indirect_vreg.scatter [tilespmem:s24], [sflag:$0x2], $0x80, v3, vm0, $0xb8;
	[tilespmem:$0x18080] =	vst v63  }
0xb4: {  	v3 =	vld [tilespmem:$0x70];
	_ =	sdelay $0x4  }
0xb5: {  	v63 =	vshrl.u32 v3, $0x3  }
0xb6: {  	v4 =	vmul.u32 $0x30, v63  }
0xb7: {  	v3 =	vand.u32 $0x7, v3  }
0xb8: {  	v3 =	vor.u32 v3, v4  }
0xb9: {  	v4 =	vperm.xlane v3, v0;
	_ =	sdelay $0x1  }
0xba: {  	v4 =	vadd.s32 v1, v4;
	_ =	sdelay $0x3  }
0xbb: {  	v3 =	vperm.xlane v3, v2  }
0xbc: {  	[hbm4b:s3+s2] =	stream.indirect_vreg.scatter [tilespmem:s25], [sflag:$0x2], $0x80, v4, vm0, $0xb8;
	[tilespmem:$0x18080] =	vst v63  }
0xbd: {  	v3 =	vadd.s32 v1, v3  }
0xbe: {  	[hbm4b:s4+s2] =	stream.indirect_vreg.scatter [tilespmem:s26], [sflag:$0x2], $0x80, v4, vm0, $0xb8;
	[tilespmem:$0x18080] =	vst v63  }
0xbf: {  	_ = 	snop  }
0xc0: {  	[hbm4b:s5+s2] =	stream.indirect_vreg.scatter [tilespmem:s28], [sflag:$0x2], $0x80, v4, vm0, $0xb8;
	[tilespmem:$0x18080] =	vst v63  }
0xc1: {  	_ = 	snop  }
0xc2: {  	[hbm4b:s3+s2] =	stream.indirect_vreg.scatter [tilespmem:s29], [sflag:$0x2], $0x80, v3, vm0, $0xb8;
	[tilespmem:$0x18080] =	vst v63  }
0xc3: {  	p0 =	sne.s32 s6, $0x1  }
0xc4: {  	[hbm4b:s4+s2] =	stream.indirect_vreg.scatter [tilespmem:s30], [sflag:$0x2], $0x80, v3, vm0, $0xb8;
	[tilespmem:$0x18080] =	vst v63  }
.Ltmp0:
0xc5: {  	_ = 	snop;
	(pc) =	sbr.rel @p0 .LBB2_1-.Ltmp0, $4  }
0xc6: {  	[hbm4b:s5+s2] =	stream.indirect_vreg.scatter [tilespmem:s31], [sflag:$0x2], $0x80, v3, vm0, $0xb8;
	[tilespmem:$0x18080] =	vst v63  }
0xc7: {  	_ =	swait.ge [sflag:s1], $0x18000  }
0xc8: {  	[sflag:s1] =	ssyncset.done $0x0  }
0xc9: {  	s6 =	sadd.s32 $0xFFFFFFFF, s6;
	[sflag:s1] =	ssyncadd.s32 $0xFFFE8000  }
0xca: {  	_ =	sfence.sel $0x180000  }
0xcb: {  	[bflag:$0x0] =	sbarrier.arrive $0xFFFF  }
0xcc: {  	_ =	strace $0x90000047  }
0xcd: {  	s0 =	stileid.u32;
	[bflag:$0x2] =	sbarrier.arrive $0xFFFF  }
0xce: {  	p0 =	sne.s32 s0, $0x0;
	s0 =	rddreg [dreg:$0x2]  }
0xcf: {  	s0 =	sadd.s32 @!p0 $0x100000, s0  }
0xd0: {  	[sflag:s0] =	ssyncadd.tile.s32 @!p0 $0x1;
	_ =	shalt  }
.Lfunc_end2:
_tile_overlayer_lowered:
.L_overlay_start_2:
0xd1: {  	(tag) =	ssettag $0x2  }
0xd2: {  	s0 =	rddreg [dreg:$0x0];
	s2 =	stileid.u32  }
0xd3: {  	s1 =	rddreg [dreg:$0x1];
	p0 =	sne.s32 s2, $0x0  }
0xd4: {  	s3 =	rddreg [dreg:$0x2];
	[bflag:$0x3] =	sbarrier.arrive $0xFFFF;
	s2 =	simm.s32 @!p0 $0x1C03  }
0xd5: {  	[timem:s3], [sflag:s2] =	dma.local @!p0 [hbm:s0], s1  }
0xd6: {  	s0 =	simm.s32 @!p0 $0x3  }
0xd7: {  	_ =	swait.ge @!p0 [sflag:s0], s1  }
0xd8: {  	s1 =	ssub.s32 @!p0 $0x0, s1;
	[sflag:s0] =	ssyncset.done @!p0 $0x0  }
0xd9: {  	[sflag:s0] =	ssyncadd.s32 @!p0 s1  }
0xda: {  	[bflag:$0x3] =	sbarrier.arrive $0xFFFF  }
0xdb: {  	_ =	shalt  }

// kernel: kernel.9.cloned.1.call-start
scs
__scs_entry_jumppad:
0x0: {  	(pc) =	sbr.rel $0x88, $3  }
0x1: {  	(tag) =	ssettag $0x0;
	lr =	simm.s32 $0x1  }
0x2: {  	[smem:$0x3F9C] =	sst lr;
	_ =	strace $0xD0000000  }
0x3: {  	_ = 	snop  }
0x4: {  	_ = 	snop  }
0x5: {  	_ = 	snop  }
0x6: {  	_ = 	snop  }
0x7: {  	_ = 	snop  }
__scs_overlays_trampoline_lowered:
0x8: {  	[smem:$0x3FAB] =	sst s0  }
0x9: {  	[smem:$0x3FAC] =	sst s1  }
0xa: {  	[smem:$0x3FAD] =	sst s2  }
0xb: {  	[smem:$0x3FAE] =	sst s3  }
0xc: {  	[smem:$0x3FAF] =	sst s4  }
0xd: {  	[smem:$0x3FB0] =	sst s5  }
0xe: {  	[smem:$0x3FB1] =	sst s6  }
0xf: {  	[smem:$0x3FB2] =	sst s7  }
0x10: {  	[smem:$0x3FB3] =	sst s8  }
0x11: {  	[smem:$0x3FB4] =	sst s9;
	s0 =	simm.s32 @!p0 $0x0  }
0x12: {  	s1 =	sld [smem:$0x3F9A];
	s0 =	simm.s32 @p0 $0x1  }
0x13: {  	[smem:$0x3FB5] =	sst s0;
	s0 =	simm.s32 @!p1 $0x0  }
0x14: {  	s2 =	sld [smem:$0x3F99];
	s0 =	simm.s32 @p1 $0x1  }
0x15: {  	[smem:$0x3FB6] =	sst s0;
	s0 =	simm.s32 @!p2 $0x0  }
0x16: {  	s3 =	sld [smem:$0x3FDB];
	s0 =	simm.s32 @p2 $0x1  }
0x17: {  	s4 =	simm.s32 $0x1BF5;
	[smem:$0x3FB8] =	sst s0  }
0x18: {  	s0 =	sld [smem:$0x3F9B];
	_ =	swait.ge [sflag:s4], $0x0  }
0x19: {  	s7 =	sld [smem:$0x3F9C]  }
0x1a: {  	s8 =	sadd.s32 $0xFFFFE003, lr  }
0x1b: {  	s9 =	sadd.s32 $0xFFFFFEF7, lr;
	s5 =	simm.s32 $0xFFFFFFFF;
	p2 =	slt.u32 s8, $0xFFFFF086  }
0x1c: {  	p1 =	slt.u32 s9, $0xF7A;
	s5 =	simm.s32 @!p2 $0x0  }
0x1d: {  	s5 =	simm.s32 @p1 $0x1;
	p0 =	seq.s32 s7, s2  }
0x1e: {  	s7 =	smul.u32 @!p0 $0xF7A, s2;
	p2 =	seq.s32 @!p0 s5, $0x0  }
0x1f: {  	s9 =	smul.u32 $0xF7A, s1;
	s8 =	simm.s32 @!p0 $0x1BF5;
	p2 =	por !p2, p0  }
0x20: {  	[sflag:s8] =	ssyncset.s32 @!p0 $0xFFFFF086;
	s6 =	sadd.s32 @!p0 s3, s7;
	s7 =	simm.s32 @!p0 $0x108  }
0x21: {  	s3 =	sadd.s32 s3, s9;
	s6 =	sadd.s32 @!p0 $0x88, s6;
	s7 =	simm.s32 @p2 $0x1082  }
0x22: {  	[simem:s7], [sflag:s8] =	dma.local @!p0 [hbm:s6], $0xF7A  }
0x23: {  	s9 =	sor.u32 $0xD0000000, s2;
	s6 =	simm.s32 $0x108;
	_ =	swait.ge @!p0 [sflag:s8], $0x0  }
0x24: {  	s3 =	sadd.s32 $0x88, s3;
	s6 =	simm.s32 @!p1 $0x1082;
	[sflag:s4] =	ssyncset.s32 $0xFFFFF086  }
0x25: {  	[simem:s6], [sflag:s4] =	dma.local [hbm:s3], $0xF7A  }
0x26: {  	[smem:$0x3F9C] =	sst s1;
	(tag) =	ssettag s2;
	_ =	strace s9  }
0x27: {  	s1 =	sld [smem:$0x3FAC]  }
0x28: {  	s2 =	sld [smem:$0x3FAD]  }
0x29: {  	s4 =	sld [smem:$0x3FAF]  }
0x2a: {  	p0 =	seq.s32 s5, $0x0;
	s5 =	sld [smem:$0x3FB0]  }
0x2b: {  	s6 =	sld [smem:$0x3FB1]  }
0x2c: {  	s7 =	sld [smem:$0x3FB2]  }
0x2d: {  	s3 =	simm.s32 $0x108;
	s8 =	sld [smem:$0x3FB3]  }
0x2e: {  	s3 =	simm.s32 @!p0 $0x1082;
	s9 =	sld [smem:$0x3FB4]  }
0x2f: {  	lr =	sadd.s32 s0, s3;
	s0 =	sld [smem:$0x3FAB]  }
0x30: {  	s3 =	sld [smem:$0x3FAE]  }
0x31: {  	[smem:$0x3FB7] =	sst s10  }
0x32: {  	s10 =	sld [smem:$0x3FB5];
	_ =	sdelay $0x3  }
0x33: {  	p0 =	seq.s32 s10, $0x1;
	s10 =	sld [smem:$0x3FB7];
	_ =	sdelay $0x3  }
0x34: {  	[smem:$0x3FB7] =	sst s10  }
0x35: {  	s10 =	sld [smem:$0x3FB6];
	_ =	sdelay $0x3  }
0x36: {  	p1 =	seq.s32 s10, $0x1;
	s10 =	sld [smem:$0x3FB7];
	_ =	sdelay $0x3  }
0x37: {  	[smem:$0x3FB7] =	sst s10  }
0x38: {  	s10 =	sld [smem:$0x3FB8]  }
0x39: {  	_ = 	snop;
	(pc) =	sbr.ind lr, $3  }
0x3a: {  	_ = 	snop  }
0x3b: {  	_ = 	snop  }
0x3c: {  	p2 =	seq.s32 s10, $0x1;
	s10 =	sld [smem:$0x3FB7]  }
0x3d: {  	_ =	shalt  }
0x3e: {  	_ =	shalt  }
0x3f: {  	_ =	shalt  }
0x40: {  	_ =	shalt  }
0x41: {  	_ =	shalt  }
0x42: {  	_ =	shalt  }
0x43: {  	_ =	shalt  }
0x44: {  	_ =	shalt  }
0x45: {  	_ =	shalt  }
0x46: {  	_ =	shalt  }
0x47: {  	_ =	shalt  }
0x48: {  	_ =	shalt  }
0x49: {  	_ =	shalt  }
0x4a: {  	_ =	shalt  }
0x4b: {  	_ =	shalt  }
0x4c: {  	_ =	shalt  }
0x4d: {  	_ =	shalt  }
0x4e: {  	_ =	shalt  }
0x4f: {  	_ =	shalt  }
0x50: {  	_ =	shalt  }
0x51: {  	_ =	shalt  }
0x52: {  	_ =	shalt  }
0x53: {  	_ =	shalt  }
0x54: {  	_ =	shalt  }
0x55: {  	_ =	shalt  }
0x56: {  	_ =	shalt  }
0x57: {  	_ =	shalt  }
0x58: {  	_ =	shalt  }
0x59: {  	_ =	shalt  }
0x5a: {  	_ =	shalt  }
0x5b: {  	_ =	shalt  }
0x5c: {  	_ =	shalt  }
0x5d: {  	_ =	shalt  }
0x5e: {  	_ =	shalt  }
0x5f: {  	_ =	shalt  }
0x60: {  	_ =	shalt  }
0x61: {  	_ =	shalt  }
0x62: {  	_ =	shalt  }
0x63: {  	_ =	shalt  }
0x64: {  	_ =	shalt  }
0x65: {  	_ =	shalt  }
0x66: {  	_ =	shalt  }
0x67: {  	_ =	shalt  }
0x68: {  	_ =	shalt  }
0x69: {  	_ =	shalt  }
0x6a: {  	_ =	shalt  }
0x6b: {  	_ =	shalt  }
0x6c: {  	_ =	shalt  }
0x6d: {  	_ =	shalt  }
0x6e: {  	_ =	shalt  }
0x6f: {  	_ =	shalt  }
0x70: {  	_ =	shalt  }
0x71: {  	_ =	shalt  }
0x72: {  	_ =	shalt  }
0x73: {  	_ =	shalt  }
0x74: {  	_ =	shalt  }
0x75: {  	_ =	shalt  }
0x76: {  	_ =	shalt  }
0x77: {  	_ =	shalt  }
0x78: {  	_ =	shalt  }
0x79: {  	_ =	shalt  }
0x7a: {  	_ =	shalt  }
0x7b: {  	_ =	shalt  }
0x7c: {  	_ =	shalt  }
0x7d: {  	_ =	shalt  }
0x7e: {  	_ =	shalt  }
0x7f: {  	_ =	shalt  }
0x80: {  	_ =	shalt  }
0x81: {  	_ =	shalt  }
0x82: {  	_ =	shalt  }
0x83: {  	_ =	shalt  }
0x84: {  	_ =	shalt  }
0x85: {  	_ =	shalt  }
0x86: {  	_ =	shalt  }
0x87: {  	_ =	shalt  }
.Lfunc_end0:
.L_simem_size_0:
called_computation.1_lowered:
.L_overlay_start_0:
0x88: {  	s2 =	sld [smem:$0x3FD9]  }
0x89: {  	s3 =	sld [smem:$0x3FFE];
	_ =	sdelay $0x1  }
0x8a: {  	s1 =	srdreg.scid  }
0x8b: {  	s0 =	sand.u32 $0x1, s1  }
0x8c: {  	s17 =	sshll.u32 s0, $0xA;
	s2 =	sadd.s32 s3, s2  }
0x8d: {  	s2 =	sadd.s32 s2, s17  }
0x8e: {  	[smem:$0x3FC3] =	sst s2  }
0x8f: {  	_ = 	snop  }
0x90: {  	s2 =	sld [smem:$0x3FD0];
	(tm) =	ssettm $0x1  }
0x91: {  	s18 =	sld [smem:$0x3FFB];
	_ =	sdelay $0x3  }
0x92: {  	_ =	strace s18  }
0x93: {  	s3 =	sld [smem:$0x3FFC];
	_ =	sdelay $0x3  }
0x94: {  	_ =	strace s3  }
0x95: {  	s3 =	sld [smem:$0x3FFD];
	_ =	sdelay $0x3  }
0x96: {  	_ =	strace s3  }
0x97: {  	_ =	strace $0x8FFFFFFF  }
0x98: {  	s19 =	sld [smem:$0x3FDB];
	_ =	sdelay $0x1  }
0x99: {  	s4 =	simm.s32 $_scs_section_size  }
0x9a: {  	s5 =	simm.s32 $_size__tile_overlayer_lowered;
	s6 =	simm.s32 $_tile_overlayer_lowered  }
0x9b: {  	s22 =	simm.s32 $0x1BFF;
	s21 =	sshll.u32 s6, $0x1;
	s3 =	sadd.s32 s4, s19  }
0x9c: {  	s7 =	simm.s32 $0x0;
	s20 =	sshll.u32 s5, $0x1;
	s5 =	sadd.s32 s21, s3  }
0x9d: {  	[timem:s7], [sflag:s22] =	dma.local [hbm:s5], s20  }
0x9e: {  	_ =	swait.ge [sflag:s22], s20  }
0x9f: {  	s4 =	ssub.s32 $0x0, s20;
	[sflag:s22] =	ssyncset.done $0x0  }
0xa0: {  	[sflag:s22] =	ssyncadd.s32 s4;
	_ =	sdelay $0x1  }
0xa1: {  	s23 =	simm.s32 $0x1B8B  }
0xa2: {  	_ =	swait.ge [sflag:s23], $0x1  }
0xa3: {  	[sflag:s23] =	ssyncset.done $0x0  }
0xa4: {  	s25 =	simm.s32 $0x1B8E;
	s24 =	sld [smem:$0x3FFE];
	[sflag:s23] =	ssyncadd.s32 $0xFFFFFFFF  }
0xa5: {  	s26 =	simm.s32 $execute0_lowered;
	[smem:$0x3FD2] =	sst s25  }
0xa6: {  	s5 =	sshll.u32 s26, $0x1;
	_ =	strace $0x80000049;
	[dreg:$0x1] =	wrdreg $0xFFFFFFFF  }
0xa7: {  	s28 =	simm.s32 $_size_execute0_lowered;
	s3 =	sadd.s32 s3, s5;
	[dreg:$0x0] =	wrdreg $0x0  }
0xa8: {  	s5 =	sshll.u32 s28, $0x1;
	[dreg:$0x2] =	wrdreg s3  }
0xa9: {  	[dreg:$0x3] =	wrdreg s5  }
0xaa: {  	[dreg:$0x4] =	wrdreg $0xC0  }
0xab: {  	_ =	task [dreg:s7], $0x5FFFF  }
0xac: {  	[dreg:$0x1] =	wrdreg $0xFFFFFFFF  }
0xad: {  	[dreg:$0x0] =	wrdreg $0x60  }
0xae: {  	[dreg:$0x2] =	wrdreg s24  }
0xaf: {  	[dreg:$0x3] =	wrdreg s2  }
0xb0: {  	[dreg:$0x4] =	wrdreg $0x9  }
0xb1: {  	_ =	task.clear_ibuf [dreg:s7], $0x5FFFF;
	_ =	strace $0x90000049  }
0xb2: {  	s29 =	simm.s32 $0x9;
	_ =	strace $0x8000004B  }
0xb3: {  	_ =	swait.ge [sflag:s29], $0x1  }
0xb4: {  	[sflag:s29] =	ssyncadd.s32 $0xFFFFFFFF  }
0xb5: {  	_ =	strace $0x9000004B  }
0xb6: {  	_ =	sfence  }
0xb7: {  	s30 =	sld [smem:$0x0];
	_ =	sdelay $0x2  }
0xb8: {  	s31 =	sshll.u32 s1, $0xD;
	s1 =	sshrl.u32 s1, $0x2  }
0xb9: {  	s3 =	sand.u32 $0x4000, s31;
	s1 =	sadd.s32 s1, s30  }
0xba: {  	s0 =	sor.u32 s3, s0;
	s1 =	sshll.u32 s1, $0x11  }
0xbb: {  	s0 =	sor.u32 s1, s0  }
0xbc: {  	s0 =	sadd.s32 $0x8F2B, s0  }
0xbd: {  	[sflag:s0] =	ssyncadd.remote.s32 $0x1  }
0xbe: {  	_ =	sfence.sel $0xFFFF  }
0xbf: {  	[dreg:$0x0] =	wrdreg $0xFFFFFFFF;
	(pc) =	sbr.abs _section_cstart, $3  }
0xc0: {  	[dreg:$0x1] =	wrdreg $0xFFFFFFFF  }
0xc1: {  	_ =	task.clear_ibuf [dreg:s7], $0x2FFFF;
	_ =	strace $0x9FFFFFFF  }
0xc2: {  	(tm) =	ssettm $0x7FFFFFFF  }
0xc3: {  	_ =	shalt  }
tec
execute0_lowered:
.L_overlay_start_1:
0x0: {  	(tag) =	ssettag $0x1  }
0x1: {  	s0 =	rddreg [dreg:$0x0]  }
0x2: {  	s1 =	rddreg [dreg:$0x1];
	s3 =	srdreg.scid;
	s2 =	simm.s32 $0x0  }
0x3: {  	s4 =	stileid.u32;
	s12 =	simm.s32 $0x2;
	s13 =	simm.s32 $0x200  }
0x4: {  	s20 =	simm.s32 $0x16A00;
	s21 =	simm.s32 $0x17200;
	s22 =	simm.s32 $0x17A00  }
0x5: {  	s23 =	simm.s32 $0x100;
	s24 =	simm.s32 $0x180;
	s25 =	simm.s32 $0x1  }
0x6: {  	s26 =	simm.s32 $0x0;
	s3 =	sand.u32 $0x1, s3;
	[smem:$0x7FF] =	sst s2  }
0x7: {  	s4 =	sshll.u32 s4, $0x4;
	s7 =	sadd.s32 $0x2200, s0;
	s5 =	sshll.u32 s3, $0x3  }
0x8: {  	_ =	strace $0x8000004A;
	s31 =	ssub.s32 $0x2, s3;
	s5 =	sor.u32 s5, s4  }
0x9: {  	s3 =	sadd.s32 $0x2000, s0;
	s6 =	sshrl.u32 s31, $0x1;
	s9 =	sadd.s32 s5, s0  }
0xa: {  	v2 =	vlaneseq.u32;
	s11 =	ssub.s32 s31, s6;
	s10 =	smul.u32 $0x300, s5;
	s6 =	sadd.s32 $0x2100, s0  }
0xb: {  	vm0 =	vmmov $0xffff;
	v1 =	vshrl.u32 v2, $0x3;
	s4 =	sadd.s32 $0x1800, s9;
	s5 =	sadd.s32 $0x1A00, s9;
	s8 =	sadd.s32 $0x1C00, s9  }
0xc: {  	v0 =	vand.u32 $0x7, v2;
	v2 =	vor.u32 $0x8, v2;
	v1 =	vmul.u32 $0x8, v1;
	s9 =	sadd.s32 $0x1E00, s9;
	s11 =	smax.u32 s11, $0x1;
	s10 =	sadd.s32 s1, s10  }
.LBB2_1:
0xd: {  	[tilespmem:s2], [sflag:$0x2] =	stream.linear.gather [hbm4b:s4+s2], $0x40, $0x38;
	[tilespmem:$0x18200] =	vst v63  }
0xe: {  	_ =	swait.ge [sflag:s12], $0x40  }
0xf: {  	[sflag:s12] =	ssyncset.done $0x0  }
0x10: {  	s0 =	simm.s32 $0x80;
	[sflag:s12] =	ssyncadd.s32 $0xFFFFFFC0  }
0x11: {  	[tilespmem:s0], [sflag:$0x2] =	stream.linear.gather [hbm4b:s5+s2], $0x40, $0x38;
	[tilespmem:$0x18200] =	vst v63  }
0x12: {  	_ =	swait.ge [sflag:s12], $0x40  }
0x13: {  	[sflag:s12] =	ssyncset.done $0x0  }
0x14: {  	[sflag:s12] =	ssyncadd.s32 $0xFFFFFFC0  }
0x15: {  	v3 =	vld [tilespmem:$0x0];
	_ =	sdelay $0x4  }
0x16: {  	v4 =	vshrl.u32 v3, $0x3  }
0x17: {  	v4 =	vmul.u32 $0x30, v4  }
0x18: {  	v3 =	vand.u32 $0x7, v3  }
0x19: {  	v3 =	vor.u32 v3, v4  }
0x1a: {  	v4 =	vperm.xlane v3, v0;
	_ =	sdelay $0x1  }
0x1b: {  	v4 =	vadd.s32 v1, v4;
	_ =	sdelay $0x3  }
0x1c: {  	v3 =	vperm.xlane v3, v2  }
0x1d: {  	[tilespmem:s13], [sflag:$0x1] =	stream.indirect_vreg.gather [hbm4b:s3+s2], $0x80, v4, vm0, $0xb8;
	[tilespmem:$0x18200] =	vst v63  }
0x1e: {  	s1 =	simm.s32 $0xA00;
	v3 =	vadd.s32 v1, v3  }
0x1f: {  	[tilespmem:s1], [sflag:$0x1] =	stream.indirect_vreg.gather [hbm4b:s6+s2], $0x80, v4, vm0, $0xb8;
	[tilespmem:$0x18200] =	vst v63  }
0x20: {  	s15 =	simm.s32 $0x1200  }
0x21: {  	[tilespmem:s15], [sflag:$0x1] =	stream.indirect_vreg.gather [hbm4b:s7+s2], $0x80, v4, vm0, $0xb8;
	[tilespmem:$0x18200] =	vst v63  }
0x22: {  	s16 =	simm.s32 $0x1A00  }
0x23: {  	[tilespmem:s16], [sflag:$0x1] =	stream.indirect_vreg.gather [hbm4b:s3+s2], $0x80, v3, vm0, $0xb8;
	[tilespmem:$0x18200] =	vst v63  }
0x24: {  	s17 =	simm.s32 $0x2200  }
0x25: {  	[tilespmem:s17], [sflag:$0x1] =	stream.indirect_vreg.gather [hbm4b:s6+s2], $0x80, v3, vm0, $0xb8;
	[tilespmem:$0x18200] =	vst v63  }
0x26: {  	s18 =	simm.s32 $0x2A00  }
0x27: {  	[tilespmem:s18], [sflag:$0x1] =	stream.indirect_vreg.gather [hbm4b:s7+s2], $0x80, v3, vm0, $0xb8;
	[tilespmem:$0x18200] =	vst v63  }
0x28: {  	v3 =	vld [tilespmem:$0x10];
	_ =	sdelay $0x4  }
0x29: {  	v4 =	vshrl.u32 v3, $0x3  }
0x2a: {  	v4 =	vmul.u32 $0x30, v4  }
0x2b: {  	v3 =	vand.u32 $0x7, v3  }
0x2c: {  	v3 =	vor.u32 v3, v4  }
0x2d: {  	v4 =	vperm.xlane v3, v0;
	_ =	sdelay $0x1  }
0x2e: {  	v4 =	vadd.s32 v1, v4;
	_ =	sdelay $0x3  }
0x2f: {  	s19 =	simm.s32 $0x3200;
	v3 =	vperm.xlane v3, v2  }
0x30: {  	[tilespmem:s19], [sflag:$0x1] =	stream.indirect_vreg.gather [hbm4b:s3+s2], $0x80, v4, vm0, $0xb8;
	[tilespmem:$0x18200] =	vst v63  }
0x31: {  	s14 =	simm.s32 $0x3A00;
	v3 =	vadd.s32 v1, v3  }
0x32: {  	[tilespmem:s14], [sflag:$0x1] =	stream.indirect_vreg.gather [hbm4b:s6+s2], $0x80, v4, vm0, $0xb8;
	[tilespmem:$0x18200] =	vst v63  }
0x33: {  	s15 =	simm.s32 $0x4200  }
0x34: {  	[tilespmem:s15], [sflag:$0x1] =	stream.indirect_vreg.gather [hbm4b:s7+s2], $0x80, v4, vm0, $0xb8;
	[tilespmem:$0x18200] =	vst v63  }
0x35: {  	s16 =	simm.s32 $0x4A00  }
0x36: {  	[tilespmem:s16], [sflag:$0x1] =	stream.indirect_vreg.gather [hbm4b:s3+s2], $0x80, v3, vm0, $0xb8;
	[tilespmem:$0x18200] =	vst v63  }
0x37: {  	s17 =	simm.s32 $0x5200  }
0x38: {  	[tilespmem:s17], [sflag:$0x1] =	stream.indirect_vreg.gather [hbm4b:s6+s2], $0x80, v3, vm0, $0xb8;
	[tilespmem:$0x18200] =	vst v63  }
0x39: {  	s18 =	simm.s32 $0x5A00  }
0x3a: {  	[tilespmem:s18], [sflag:$0x1] =	stream.indirect_vreg.gather [hbm4b:s7+s2], $0x80, v3, vm0, $0xb8;
	[tilespmem:$0x18200] =	vst v63  }
0x3b: {  	v3 =	vld [tilespmem:$0x20];
	_ =	sdelay $0x4  }
0x3c: {  	v4 =	vshrl.u32 v3, $0x3  }
0x3d: {  	v4 =	vmul.u32 $0x30, v4  }
0x3e: {  	v3 =	vand.u32 $0x7, v3  }
0x3f: {  	v3 =	vor.u32 v3, v4  }
0x40: {  	v4 =	vperm.xlane v3, v0;
	_ =	sdelay $0x1  }
0x41: {  	v4 =	vadd.s32 v1, v4;
	_ =	sdelay $0x3  }
0x42: {  	s19 =	simm.s32 $0x6200;
	v3 =	vperm.xlane v3, v2  }
0x43: {  	[tilespmem:s19], [sflag:$0x1] =	stream.indirect_vreg.gather [hbm4b:s3+s2], $0x80, v4, vm0, $0xb8;
	[tilespmem:$0x18200] =	vst v63  }
0x44: {  	s14 =	simm.s32 $0x6A00;
	v3 =	vadd.s32 v1, v3  }
0x45: {  	[tilespmem:s14], [sflag:$0x1] =	stream.indirect_vreg.gather [hbm4b:s6+s2], $0x80, v4, vm0, $0xb8;
	[tilespmem:$0x18200] =	vst v63  }
0x46: {  	s15 =	simm.s32 $0x7200  }
0x47: {  	[tilespmem:s15], [sflag:$0x1] =	stream.indirect_vreg.gather [hbm4b:s7+s2], $0x80, v4, vm0, $0xb8;
	[tilespmem:$0x18200] =	vst v63  }
0x48: {  	s16 =	simm.s32 $0x7A00  }
0x49: {  	[tilespmem:s16], [sflag:$0x1] =	stream.indirect_vreg.gather [hbm4b:s3+s2], $0x80, v3, vm0, $0xb8;
	[tilespmem:$0x18200] =	vst v63  }
0x4a: {  	s17 =	simm.s32 $0x8200  }
0x4b: {  	[tilespmem:s17], [sflag:$0x1] =	stream.indirect_vreg.gather [hbm4b:s6+s2], $0x80, v3, vm0, $0xb8;
	[tilespmem:$0x18200] =	vst v63  }
0x4c: {  	s18 =	simm.s32 $0x8A00  }
0x4d: {  	[tilespmem:s18], [sflag:$0x1] =	stream.indirect_vreg.gather [hbm4b:s7+s2], $0x80, v3, vm0, $0xb8;
	[tilespmem:$0x18200] =	vst v63  }
0x4e: {  	v3 =	vld [tilespmem:$0x30];
	_ =	sdelay $0x4  }
0x4f: {  	v4 =	vshrl.u32 v3, $0x3  }
0x50: {  	v4 =	vmul.u32 $0x30, v4  }
0x51: {  	v3 =	vand.u32 $0x7, v3  }
0x52: {  	v3 =	vor.u32 v3, v4  }
0x53: {  	v4 =	vperm.xlane v3, v0;
	_ =	sdelay $0x1  }
0x54: {  	v4 =	vadd.s32 v1, v4;
	_ =	sdelay $0x3  }
0x55: {  	s19 =	simm.s32 $0x9200;
	v3 =	vperm.xlane v3, v2  }
0x56: {  	[tilespmem:s19], [sflag:$0x1] =	stream.indirect_vreg.gather [hbm4b:s3+s2], $0x80, v4, vm0, $0xb8;
	[tilespmem:$0x18200] =	vst v63  }
0x57: {  	s14 =	simm.s32 $0x9A00;
	v3 =	vadd.s32 v1, v3  }
0x58: {  	[tilespmem:s14], [sflag:$0x1] =	stream.indirect_vreg.gather [hbm4b:s6+s2], $0x80, v4, vm0, $0xb8;
	[tilespmem:$0x18200] =	vst v63  }
0x59: {  	s15 =	simm.s32 $0xA200  }
0x5a: {  	[tilespmem:s15], [sflag:$0x1] =	stream.indirect_vreg.gather [hbm4b:s7+s2], $0x80, v4, vm0, $0xb8;
	[tilespmem:$0x18200] =	vst v63  }
0x5b: {  	s16 =	simm.s32 $0xAA00  }
0x5c: {  	[tilespmem:s16], [sflag:$0x1] =	stream.indirect_vreg.gather [hbm4b:s3+s2], $0x80, v3, vm0, $0xb8;
	[tilespmem:$0x18200] =	vst v63  }
0x5d: {  	s17 =	simm.s32 $0xB200  }
0x5e: {  	[tilespmem:s17], [sflag:$0x1] =	stream.indirect_vreg.gather [hbm4b:s6+s2], $0x80, v3, vm0, $0xb8;
	[tilespmem:$0x18200] =	vst v63  }
0x5f: {  	s18 =	simm.s32 $0xBA00  }
0x60: {  	[tilespmem:s18], [sflag:$0x1] =	stream.indirect_vreg.gather [hbm4b:s7+s2], $0x80, v3, vm0, $0xb8;
	[tilespmem:$0x18200] =	vst v63  }
0x61: {  	v3 =	vld [tilespmem:$0x80];
	_ =	sdelay $0x4  }
0x62: {  	v4 =	vshrl.u32 v3, $0x3  }
0x63: {  	v4 =	vmul.u32 $0x30, v4  }
0x64: {  	v3 =	vand.u32 $0x7, v3  }
0x65: {  	v3 =	vor.u32 v3, v4  }
0x66: {  	v4 =	vperm.xlane v3, v0;
	_ =	sdelay $0x1  }
0x67: {  	v4 =	vadd.s32 v1, v4;
	_ =	sdelay $0x3  }
0x68: {  	s19 =	simm.s32 $0xC200;
	v3 =	vperm.xlane v3, v2  }
0x69: {  	[tilespmem:s19], [sflag:$0x1] =	stream.indirect_vreg.gather [hbm4b:s3+s2], $0x80, v4, vm0, $0xb8;
	[tilespmem:$0x18200] =	vst v63  }
0x6a: {  	s14 =	simm.s32 $0xCA00;
	v3 =	vadd.s32 v1, v3  }
0x6b: {  	[tilespmem:s14], [sflag:$0x1] =	stream.indirect_vreg.gather [hbm4b:s6+s2], $0x80, v4, vm0, $0xb8;
	[tilespmem:$0x18200] =	vst v63  }
0x6c: {  	s15 =	simm.s32 $0xD200  }
0x6d: {  	[tilespmem:s15], [sflag:$0x1] =	stream.indirect_vreg.gather [hbm4b:s7+s2], $0x80, v4, vm0, $0xb8;
	[tilespmem:$0x18200] =	vst v63  }
0x6e: {  	s16 =	simm.s32 $0xDA00  }
0x6f: {  	[tilespmem:s16], [sflag:$0x1] =	stream.indirect_vreg.gather [hbm4b:s3+s2], $0x80, v3, vm0, $0xb8;
	[tilespmem:$0x18200] =	vst v63  }
0x70: {  	s17 =	simm.s32 $0xE200  }
0x71: {  	[tilespmem:s17], [sflag:$0x1] =	stream.indirect_vreg.gather [hbm4b:s6+s2], $0x80, v3, vm0, $0xb8;
	[tilespmem:$0x18200] =	vst v63  }
0x72: {  	s18 =	simm.s32 $0xEA00  }
0x73: {  	[tilespmem:s18], [sflag:$0x1] =	stream.indirect_vreg.gather [hbm4b:s7+s2], $0x80, v3, vm0, $0xb8;
	[tilespmem:$0x18200] =	vst v63  }
0x74: {  	v3 =	vld [tilespmem:$0x90];
	_ =	sdelay $0x4  }
0x75: {  	v4 =	vshrl.u32 v3, $0x3  }
0x76: {  	v4 =	vmul.u32 $0x30, v4  }
0x77: {  	v3 =	vand.u32 $0x7, v3  }
0x78: {  	v3 =	vor.u32 v3, v4  }
0x79: {  	v4 =	vperm.xlane v3, v0;
	_ =	sdelay $0x1  }
0x7a: {  	v4 =	vadd.s32 v1, v4;
	_ =	sdelay $0x3  }
0x7b: {  	s19 =	simm.s32 $0xF200;
	v3 =	vperm.xlane v3, v2  }
0x7c: {  	[tilespmem:s19], [sflag:$0x1] =	stream.indirect_vreg.gather [hbm4b:s3+s2], $0x80, v4, vm0, $0xb8;
	[tilespmem:$0x18200] =	vst v63  }
0x7d: {  	s14 =	simm.s32 $0xFA00;
	v3 =	vadd.s32 v1, v3  }
0x7e: {  	[tilespmem:s14], [sflag:$0x1] =	stream.indirect_vreg.gather [hbm4b:s6+s2], $0x80, v4, vm0, $0xb8;
	[tilespmem:$0x18200] =	vst v63  }
0x7f: {  	s15 =	simm.s32 $0x10200  }
0x80: {  	[tilespmem:s15], [sflag:$0x1] =	stream.indirect_vreg.gather [hbm4b:s7+s2], $0x80, v4, vm0, $0xb8;
	[tilespmem:$0x18200] =	vst v63  }
0x81: {  	s16 =	simm.s32 $0x10A00  }
0x82: {  	[tilespmem:s16], [sflag:$0x1] =	stream.indirect_vreg.gather [hbm4b:s3+s2], $0x80, v3, vm0, $0xb8;
	[tilespmem:$0x18200] =	vst v63  }
0x83: {  	s17 =	simm.s32 $0x11200  }
0x84: {  	[tilespmem:s17], [sflag:$0x1] =	stream.indirect_vreg.gather [hbm4b:s6+s2], $0x80, v3, vm0, $0xb8;
	[tilespmem:$0x18200] =	vst v63  }
0x85: {  	s18 =	simm.s32 $0x11A00  }
0x86: {  	[tilespmem:s18], [sflag:$0x1] =	stream.indirect_vreg.gather [hbm4b:s7+s2], $0x80, v3, vm0, $0xb8;
	[tilespmem:$0x18200] =	vst v63  }
0x87: {  	v3 =	vld [tilespmem:$0xA0];
	_ =	sdelay $0x4  }
0x88: {  	v4 =	vshrl.u32 v3, $0x3  }
0x89: {  	v4 =	vmul.u32 $0x30, v4  }
0x8a: {  	v3 =	vand.u32 $0x7, v3  }
0x8b: {  	v3 =	vor.u32 v3, v4  }
0x8c: {  	v4 =	vperm.xlane v3, v0;
	_ =	sdelay $0x1  }
0x8d: {  	v4 =	vadd.s32 v1, v4;
	_ =	sdelay $0x3  }
0x8e: {  	s19 =	simm.s32 $0x12200;
	v3 =	vperm.xlane v3, v2  }
0x8f: {  	[tilespmem:s19], [sflag:$0x1] =	stream.indirect_vreg.gather [hbm4b:s3+s2], $0x80, v4, vm0, $0xb8;
	[tilespmem:$0x18200] =	vst v63  }
0x90: {  	s14 =	simm.s32 $0x12A00;
	v3 =	vadd.s32 v1, v3  }
0x91: {  	[tilespmem:s14], [sflag:$0x1] =	stream.indirect_vreg.gather [hbm4b:s6+s2], $0x80, v4, vm0, $0xb8;
	[tilespmem:$0x18200] =	vst v63  }
0x92: {  	s15 =	simm.s32 $0x13200  }
0x93: {  	[tilespmem:s15], [sflag:$0x1] =	stream.indirect_vreg.gather [hbm4b:s7+s2], $0x80, v4, vm0, $0xb8;
	[tilespmem:$0x18200] =	vst v63  }
0x94: {  	s16 =	simm.s32 $0x13A00  }
0x95: {  	[tilespmem:s16], [sflag:$0x1] =	stream.indirect_vreg.gather [hbm4b:s3+s2], $0x80, v3, vm0, $0xb8;
	[tilespmem:$0x18200] =	vst v63  }
0x96: {  	s17 =	simm.s32 $0x14200  }
0x97: {  	[tilespmem:s17], [sflag:$0x1] =	stream.indirect_vreg.gather [hbm4b:s6+s2], $0x80, v3, vm0, $0xb8;
	[tilespmem:$0x18200] =	vst v63  }
0x98: {  	s18 =	simm.s32 $0x14A00  }
0x99: {  	[tilespmem:s18], [sflag:$0x1] =	stream.indirect_vreg.gather [hbm4b:s7+s2], $0x80, v3, vm0, $0xb8;
	[tilespmem:$0x18200] =	vst v63  }
0x9a: {  	v3 =	vld [tilespmem:$0xB0];
	_ =	sdelay $0x4  }
0x9b: {  	v4 =	vshrl.u32 v3, $0x3  }
0x9c: {  	v4 =	vmul.u32 $0x30, v4  }
0x9d: {  	v3 =	vand.u32 $0x7, v3  }
0x9e: {  	v3 =	vor.u32 v3, v4  }
0x9f: {  	v4 =	vperm.xlane v3, v0;
	_ =	sdelay $0x1  }
0xa0: {  	v4 =	vadd.s32 v1, v4;
	_ =	sdelay $0x3  }
0xa1: {  	s19 =	simm.s32 $0x15200;
	v3 =	vperm.xlane v3, v2  }
0xa2: {  	[tilespmem:s19], [sflag:$0x1] =	stream.indirect_vreg.gather [hbm4b:s3+s2], $0x80, v4, vm0, $0xb8;
	[tilespmem:$0x18200] =	vst v63  }
0xa3: {  	s14 =	simm.s32 $0x15A00;
	v3 =	vadd.s32 v1, v3  }
0xa4: {  	[tilespmem:s14], [sflag:$0x1] =	stream.indirect_vreg.gather [hbm4b:s6+s2], $0x80, v4, vm0, $0xb8;
	[tilespmem:$0x18200] =	vst v63  }
0xa5: {  	s15 =	simm.s32 $0x16200  }
0xa6: {  	[tilespmem:s15], [sflag:$0x1] =	stream.indirect_vreg.gather [hbm4b:s7+s2], $0x80, v4, vm0, $0xb8;
	[tilespmem:$0x18200] =	vst v63  }
0xa7: {  	_ = 	snop  }
0xa8: {  	[tilespmem:s20], [sflag:$0x1] =	stream.indirect_vreg.gather [hbm4b:s3+s2], $0x80, v3, vm0, $0xb8;
	[tilespmem:$0x18200] =	vst v63  }
0xa9: {  	_ = 	snop  }
0xaa: {  	[tilespmem:s21], [sflag:$0x1] =	stream.indirect_vreg.gather [hbm4b:s6+s2], $0x80, v3, vm0, $0xb8;
	[tilespmem:$0x18200] =	vst v63  }
0xab: {  	_ = 	snop  }
0xac: {  	[tilespmem:s22], [sflag:$0x1] =	stream.indirect_vreg.gather [hbm4b:s7+s2], $0x80, v3, vm0, $0xb8;
	[tilespmem:$0x18200] =	vst v63  }
0xad: {  	_ = 	snop  }
0xae: {  	[tilespmem:s23], [sflag:$0x2] =	stream.linear.gather [hbm4b:s8+s2], $0x40, $0x38;
	[tilespmem:$0x18200] =	vst v63  }
0xaf: {  	_ =	swait.ge [sflag:s12], $0x40  }
0xb0: {  	[sflag:s12] =	ssyncset.done $0x0  }
0xb1: {  	[sflag:s12] =	ssyncadd.s32 $0xFFFFFFC0  }
0xb2: {  	[tilespmem:s24], [sflag:$0x2] =	stream.linear.gather [hbm4b:s9+s2], $0x40, $0x38;
	[tilespmem:$0x18200] =	vst v63  }
0xb3: {  	_ =	swait.ge [sflag:s12], $0x40  }
0xb4: {  	[sflag:s12] =	ssyncset.done $0x0  }
0xb5: {  	[sflag:s12] =	ssyncadd.s32 $0xFFFFFFC0  }
0xb6: {  	s16 =	simm.s32 $0x1;
	_ =	swait.ge [sflag:s25], $0xC000  }
0xb7: {  	v4 =	vmov s16;
	[sflag:s25] =	ssyncset.done $0x0  }
0xb8: {  	[sflag:s25] =	ssyncadd.s32 $0xFFFF4000  }
0xb9: {  	_ =	swait.ge [sflag:s25], $0xC000  }
0xba: {  	s17 =	simm.s32 $0x0;
	[sflag:s25] =	ssyncset.done $0x0  }
0xbb: {  	s18 =	simm.s32 $0x0;
	s14 =	smul.u32 $0x1800, s17;
	[sflag:s25] =	ssyncadd.s32 $0xFFFF4000  }
0xbc: {  	s1 =	sand.u32 $0x300, s18;
	v3 =	vld.idx.msk [tilespmem:v4+s23+$0x0], $0xffff  }
0xbd: {  	s16 =	sor.u32 s1, s14;
	v4 =	vld.idx.msk [tilespmem:v4+s24+$0x0], $0xffff  }
0xbe: {  	v5 =	vld [tilespmem:s16+$0x200]  }
0xbf: {  	v6 =	vld [tilespmem:s16+$0xC200]  }
0xc0: {  	v7 =	vld [tilespmem:s16+$0x210]  }
0xc1: {  	v8 =	vld [tilespmem:s16+$0xC210]  }
0xc2: {  	v11 =	vld [tilespmem:s16+$0x220]  }
0xc3: {  	v12 =	vld [tilespmem:s16+$0xC220]  }
0xc4: {  	v13 =	vld [tilespmem:s16+$0x230]  }
0xc5: {  	v14 =	vld [tilespmem:s16+$0xC230]  }
0xc6: {  	v9 =	vmov s2;
	v15 =	vld [tilespmem:s16+$0x240]  }
0xc7: {  	v9 =	vand.u32 $0xFFFFFFFE, v9;
	v16 =	vld [tilespmem:s16+$0xC240]  }
0xc8: {  	v10 =	vbroadcast v9, $0x0;
	v17 =	vld [tilespmem:s16+$0x250]  }
0xc9: {  	v18 =	vld [tilespmem:s16+$0xC250]  }
0xca: {  	v19 =	vld [tilespmem:s16+$0x260]  }
0xcb: {  	v20 =	vld [tilespmem:s16+$0xC260]  }
0xcc: {  	v21 =	vld [tilespmem:s16+$0x270]  }
0xcd: {  	v22 =	vld [tilespmem:s16+$0xC270]  }
0xce: {  	v9 =	vld.idx.msk [tilespmem:v10+s23+$0x0], $0xffff  }
0xcf: {  	v10 =	vld.idx.msk [tilespmem:v10+s24+$0x0], $0xffff  }
0xd0: {  	v23 =	vld [tilespmem:s16+$0x600]  }
0xd1: {  	v24 =	vld [tilespmem:s16+$0xC600]  }
0xd2: {  	v25 =	vld [tilespmem:s16+$0x610]  }
0xd3: {  	v26 =	vld [tilespmem:s16+$0xC610]  }
0xd4: {  	v27 =	vld [tilespmem:s16+$0x620]  }
0xd5: {  	v28 =	vld [tilespmem:s16+$0xC620]  }
0xd6: {  	s0 =	sand.u32 $0x380, s0;
	v29 =	vld [tilespmem:s16+$0x630]  }
0xd7: {  	s15 =	sor.u32 s14, s0;
	v54 =	vld [tilespmem:s16+$0xC670]  }
0xd8: {  	v37 =	vld [tilespmem:s15+$0xC270];
	v5 =	vmul.f32 v5, v9;
	v6 =	vmul.f32 v6, v10  }
0xd9: {  	v47 =	vld [tilespmem:s15+$0x600];
	v7 =	vmul.f32 v7, v9;
	v8 =	vmul.f32 v8, v10  }
0xda: {  	v49 =	vld [tilespmem:s15+$0xC600];
	v5 =	vadd.f32 v6, v5;
	v6 =	vmul.f32 v11, v9;
	v11 =	vmul.f32 v12, v10  }
0xdb: {  	v12 =	vld [tilespmem:s16+$0xC630];
	v7 =	vadd.f32 v8, v7;
	v8 =	vmul.f32 v13, v9;
	v13 =	vmul.f32 v14, v10  }
0xdc: {  	v14 =	vld [tilespmem:s16+$0x640];
	[tilespmem:s16+$0x200] =	vst v5;
	v5 =	vadd.f32 v11, v6;
	v6 =	vmul.f32 v15, v9;
	v11 =	vmul.f32 v16, v10  }
0xdd: {  	v15 =	vld [tilespmem:s16+$0xC640];
	[tilespmem:s16+$0x210] =	vst v7;
	v7 =	vadd.f32 v13, v8;
	v8 =	vmul.f32 v17, v9;
	v13 =	vmul.f32 v18, v10  }
0xde: {  	v16 =	vld [tilespmem:s16+$0x650];
	[tilespmem:s16+$0x220] =	vst v5;
	v5 =	vadd.f32 v11, v6;
	v6 =	vmul.f32 v19, v9;
	v11 =	vmul.f32 v20, v10  }
0xdf: {  	v17 =	vld [tilespmem:s16+$0xC650];
	[tilespmem:s16+$0x230] =	vst v7;
	v7 =	vadd.f32 v13, v8;
	v8 =	vmul.f32 v21, v9;
	v13 =	vmul.f32 v22, v10  }
0xe0: {  	v18 =	vld [tilespmem:s16+$0x660];
	[tilespmem:s16+$0x240] =	vst v5;
	v5 =	vadd.f32 v11, v6;
	v6 =	vmul.f32 v23, v9;
	v11 =	vmul.f32 v24, v10  }
0xe1: {  	v19 =	vld [tilespmem:s16+$0xC660];
	[tilespmem:s16+$0x250] =	vst v7;
	v7 =	vadd.f32 v13, v8;
	v8 =	vmul.f32 v25, v9;
	v13 =	vmul.f32 v26, v10  }
0xe2: {  	v20 =	vld [tilespmem:s16+$0x670];
	[tilespmem:s16+$0x260] =	vst v5;
	v5 =	vadd.f32 v11, v6;
	v6 =	vmul.f32 v27, v9;
	v11 =	vmul.f32 v28, v10  }
0xe3: {  	v52 =	vld [tilespmem:s15+$0x610];
	v12 =	vmul.f32 v12, v10;
	[tilespmem:s16+$0x270] =	vst v7;
	v7 =	vadd.f32 v13, v8;
	v8 =	vmul.f32 v29, v9  }
0xe4: {  	v38 =	vld [tilespmem:s15+$0xC660];
	v13 =	vmul.f32 v15, v10;
	[tilespmem:s16+$0x600] =	vst v5;
	v6 =	vadd.f32 v11, v6;
	v11 =	vmul.f32 v14, v9  }
0xe5: {  	v21 =	vld [tilespmem:s15+$0x240];
	[tilespmem:s16+$0x610] =	vst v7;
	v7 =	vadd.f32 v12, v8;
	v8 =	vmul.f32 v16, v9;
	v12 =	vmul.f32 v17, v10  }
0xe6: {  	v22 =	vld [tilespmem:s15+$0xC240];
	v14 =	vmul.f32 v19, v10;
	[tilespmem:s16+$0x620] =	vst v6;
	v11 =	vadd.f32 v13, v11;
	v13 =	vmul.f32 v18, v9  }
0xe7: {  	v23 =	vld [tilespmem:s15+$0x250];
	v15 =	vmul.f32 v20, v9;
	v16 =	vmul.f32 v54, v10;
	[tilespmem:s16+$0x630] =	vst v7;
	v12 =	vadd.f32 v12, v8  }
0xe8: {  	v28 =	vld [tilespmem:s15+$0x230];
	[tilespmem:s16+$0x640] =	vst v11;
	v13 =	vadd.f32 v14, v13  }
0xe9: {  	v5 =	vld [tilespmem:s15+$0x200];
	[tilespmem:s16+$0x650] =	vst v12;
	v14 =	vadd.f32 v16, v15  }
0xea: {  	s18 =	sadd.s32 $0x800, s14;
	v54 =	vld [tilespmem:s15+$0xC610];
	[tilespmem:s16+$0x660] =	vst v13  }
0xeb: {  	s17 =	sor.u32 s1, s18;
	v6 =	vld [tilespmem:s15+$0xC200];
	[tilespmem:s16+$0x670] =	vst v14  }
0xec: {  	v13 =	vld [tilespmem:s17+$0x200]  }
0xed: {  	v14 =	vld [tilespmem:s17+$0xC200]  }
0xee: {  	v15 =	vld [tilespmem:s17+$0x210]  }
0xef: {  	v16 =	vld [tilespmem:s17+$0xC210]  }
0xf0: {  	v17 =	vld [tilespmem:s17+$0x220]  }
0xf1: {  	v18 =	vld [tilespmem:s17+$0xC220]  }
0xf2: {  	v19 =	vld [tilespmem:s17+$0x230]  }
0xf3: {  	v20 =	vld [tilespmem:s17+$0xC230]  }
0xf4: {  	v55 =	vld [tilespmem:s17+$0x240]  }
0xf5: {  	v56 =	vld [tilespmem:s17+$0xC240]  }
0xf6: {  	v57 =	vld [tilespmem:s17+$0x250]  }
0xf7: {  	v58 =	vld [tilespmem:s17+$0xC250]  }
0xf8: {  	v59 =	vld [tilespmem:s17+$0x260]  }
0xf9: {  	v60 =	vld [tilespmem:s17+$0xC260];
	v13 =	vmul.f32 v13, v9;
	v14 =	vmul.f32 v14, v10  }
0xfa: {  	v61 =	vld [tilespmem:s17+$0x270];
	v15 =	vmul.f32 v15, v9;
	v16 =	vmul.f32 v16, v10  }
0xfb: {  	v13 =	vadd.f32 v14, v13;
	v14 =	vmul.f32 v17, v9;
	v17 =	vmul.f32 v18, v10;
	v18 =	vld [tilespmem:s17+$0xC270]  }
0xfc: {  	v7 =	vld [tilespmem:s15+$0x210];
	v15 =	vadd.f32 v16, v15;
	v16 =	vmul.f32 v19, v9;
	v19 =	vmul.f32 v20, v10  }
0xfd: {  	v8 =	vld [tilespmem:s15+$0xC210];
	[tilespmem:s17+$0x200] =	vst v13;
	v13 =	vadd.f32 v17, v14;
	v14 =	vmul.f32 v55, v9;
	v17 =	vmul.f32 v56, v10  }
0xfe: {  	v11 =	vld [tilespmem:s15+$0x220];
	[tilespmem:s17+$0x210] =	vst v15;
	v15 =	vadd.f32 v19, v16;
	v16 =	vmul.f32 v57, v9;
	v19 =	vmul.f32 v58, v10  }
0xff: {  	v12 =	vld [tilespmem:s15+$0xC220];
	[tilespmem:s17+$0x220] =	vst v13;
	v13 =	vadd.f32 v17, v14;
	v14 =	vmul.f32 v59, v9;
	v17 =	vmul.f32 v60, v10  }
0x100: {  	v20 =	vld [tilespmem:s15+$0xC230];
	[tilespmem:s17+$0x230] =	vst v15;
	v15 =	vadd.f32 v19, v16;
	v16 =	vmul.f32 v61, v9;
	v18 =	vmul.f32 v18, v10  }
0x101: {  	v56 =	vld [tilespmem:s15+$0x620];
	[tilespmem:s17+$0x240] =	vst v13;
	v13 =	vadd.f32 v17, v14  }
0x102: {  	v57 =	vld [tilespmem:s15+$0x630];
	[tilespmem:s17+$0x250] =	vst v15;
	v15 =	vadd.f32 v18, v16  }
0x103: {  	s16 =	sadd.s32 $0xC00, s14;
	v19 =	vld [tilespmem:s15+$0xC250];
	[tilespmem:s17+$0x260] =	vst v13  }
0x104: {  	s19 =	sor.u32 s1, s16;
	v14 =	vld [tilespmem:s15+$0x260];
	[tilespmem:s17+$0x270] =	vst v15  }
0x105: {  	v15 =	vld [tilespmem:s19+$0x200]  }
0x106: {  	v17 =	vld [tilespmem:s19+$0xC200]  }
0x107: {  	v18 =	vld [tilespmem:s19+$0x210]  }
0x108: {  	v62 =	vld [tilespmem:s19+$0xC210]  }
0x109: {  	v63 =	vld [tilespmem:s19+$0x220]  }
0x10a: {  	v40 =	vld [tilespmem:s19+$0xC220]  }
0x10b: {  	v5 =	vmul.f32 v5, v3;
	v6 =	vmul.f32 v6, v4;
	v41 =	vld [tilespmem:s19+$0x230]  }
0x10c: {  	v7 =	vmul.f32 v7, v3;
	v8 =	vmul.f32 v8, v4;
	v42 =	vld [tilespmem:s19+$0xC230]  }
0x10d: {  	v5 =	vadd.f32 v6, v5;
	v6 =	vmul.f32 v11, v3;
	v11 =	vmul.f32 v12, v4;
	v30 =	vld [tilespmem:s19+$0x240]  }
0x10e: {  	v7 =	vadd.f32 v8, v7;
	v8 =	vmul.f32 v28, v3;
	v20 =	vmul.f32 v20, v4;
	v31 =	vld [tilespmem:s19+$0xC240]  }
0x10f: {  	[tilespmem:s15+$0x200] =	vst v5;
	v5 =	vadd.f32 v11, v6;
	v6 =	vmul.f32 v21, v3;
	v11 =	vmul.f32 v22, v4;
	v32 =	vld [tilespmem:s19+$0x250]  }
0x110: {  	[tilespmem:s15+$0x210] =	vst v7;
	v7 =	vadd.f32 v20, v8;
	v8 =	vmul.f32 v23, v3;
	v33 =	vld [tilespmem:s19+$0xC250]  }
0x111: {  	[tilespmem:s15+$0x220] =	vst v5;
	v5 =	vadd.f32 v11, v6;
	v19 =	vmul.f32 v19, v4;
	v34 =	vld [tilespmem:s19+$0x260];
	v6 =	vmul.f32 v14, v3  }
0x112: {  	v35 =	vld [tilespmem:s19+$0xC260];
	v15 =	vmul.f32 v15, v9;
	v17 =	vmul.f32 v17, v10  }
0x113: {  	[tilespmem:s15+$0x230] =	vst v7;
	v36 =	vld [tilespmem:s19+$0x270];
	v7 =	vadd.f32 v19, v8;
	v18 =	vmul.f32 v18, v9;
	v24 =	vmul.f32 v62, v10  }
0x114: {  	v44 =	vld [tilespmem:s19+$0xC270];
	v43 =	vmul.f32 v40, v10;
	v15 =	vadd.f32 v17, v15;
	v17 =	vmul.f32 v63, v9  }
0x115: {  	v16 =	vld [tilespmem:s15+$0xC260];
	v45 =	vmul.f32 v41, v9;
	v46 =	vmul.f32 v42, v10;
	v18 =	vadd.f32 v24, v18  }
0x116: {  	v20 =	vld [tilespmem:s15+$0xC640];
	v48 =	vmul.f32 v31, v10;
	[tilespmem:s19+$0x200] =	vst v15;
	v15 =	vadd.f32 v43, v17;
	v17 =	vmul.f32 v30, v9  }
0x117: {  	v13 =	vld [tilespmem:s15+$0x270];
	v50 =	vmul.f32 v32, v9;
	v51 =	vmul.f32 v33, v10;
	[tilespmem:s19+$0x210] =	vst v18;
	v18 =	vadd.f32 v46, v45  }
0x118: {  	v14 =	vld [tilespmem:s15+$0x650];
	v53 =	vmul.f32 v35, v10;
	[tilespmem:s19+$0x220] =	vst v15;
	v15 =	vadd.f32 v48, v17;
	v17 =	vmul.f32 v34, v9  }
0x119: {  	v19 =	vld [tilespmem:s15+$0x660];
	v55 =	vmul.f32 v36, v9;
	v26 =	vmul.f32 v44, v10;
	[tilespmem:s19+$0x230] =	vst v18;
	v18 =	vadd.f32 v51, v50  }
0x11a: {  	v11 =	vmul.f32 v16, v4;
	v16 =	vld [tilespmem:s15+$0xC650];
	[tilespmem:s19+$0x240] =	vst v15;
	v15 =	vadd.f32 v53, v17  }
0x11b: {  	v36 =	vld [tilespmem:s15+$0x640];
	[tilespmem:s19+$0x250] =	vst v18;
	v18 =	vadd.f32 v26, v55  }
0x11c: {  	s17 =	sadd.s32 $0x1000, s14;
	v17 =	vld [tilespmem:s15+$0xC620];
	[tilespmem:s19+$0x260] =	vst v15  }
0x11d: {  	s28 =	sor.u32 s1, s17;
	v15 =	vld [tilespmem:s15+$0xC630];
	[tilespmem:s19+$0x270] =	vst v18  }
0x11e: {  	v18 =	vld [tilespmem:s28+$0x200]  }
0x11f: {  	v58 =	vld [tilespmem:s28+$0xC200]  }
0x120: {  	v59 =	vld [tilespmem:s28+$0x210]  }
0x121: {  	v60 =	vld [tilespmem:s28+$0xC210]  }
0x122: {  	v61 =	vld [tilespmem:s28+$0x220]  }
0x123: {  	v8 =	vmul.f32 v13, v3;
	v13 =	vmul.f32 v37, v4;
	v62 =	vld [tilespmem:s28+$0xC220]  }
0x124: {  	[tilespmem:s15+$0x240] =	vst v5;
	v5 =	vadd.f32 v11, v6;
	v6 =	vmul.f32 v47, v3;
	v11 =	vmul.f32 v49, v4;
	v12 =	vld [tilespmem:s28+$0x230]  }
0x125: {  	[tilespmem:s15+$0x250] =	vst v7;
	v7 =	vadd.f32 v13, v8;
	v8 =	vmul.f32 v52, v3;
	v13 =	vmul.f32 v54, v4;
	v63 =	vld [tilespmem:s28+$0x240]  }
0x126: {  	[tilespmem:s15+$0x260] =	vst v5;
	v5 =	vadd.f32 v11, v6;
	v6 =	vmul.f32 v56, v3;
	v11 =	vmul.f32 v17, v4;
	v17 =	vld [tilespmem:s15+$0x670]  }
0x127: {  	[tilespmem:s15+$0x270] =	vst v7;
	v7 =	vadd.f32 v13, v8;
	v8 =	vmul.f32 v57, v3;
	v13 =	vmul.f32 v15, v4;
	v15 =	vld [tilespmem:s15+$0xC670]  }
0x128: {  	v20 =	vmul.f32 v20, v4;
	[tilespmem:s15+$0x600] =	vst v5;
	v5 =	vadd.f32 v11, v6;
	v6 =	vld [tilespmem:s28+$0xC240];
	v11 =	vmul.f32 v36, v3  }
0x129: {  	[tilespmem:s15+$0x610] =	vst v7;
	v7 =	vadd.f32 v13, v8;
	v8 =	vld [tilespmem:s28+$0x250]  }
0x12a: {  	v13 =	vmul.f32 v14, v3;
	v14 =	vmul.f32 v16, v4;
	[tilespmem:s15+$0x620] =	vst v5;
	v5 =	vld [tilespmem:s28+$0xC250];
	v11 =	vadd.f32 v20, v11  }
0x12b: {  	v16 =	vmul.f32 v19, v3;
	v19 =	vmul.f32 v38, v4;
	[tilespmem:s15+$0x630] =	vst v7;
	v7 =	vld [tilespmem:s28+$0x260]  }
0x12c: {  	v13 =	vadd.f32 v14, v13;
	v14 =	vld [tilespmem:s28+$0xC260];
	[tilespmem:s15+$0x640] =	vst v11;
	v11 =	vmul.f32 v17, v3;
	v15 =	vmul.f32 v15, v4  }
0x12d: {  	v16 =	vadd.f32 v19, v16;
	v17 =	vld [tilespmem:s28+$0x270]  }
0x12e: {  	[tilespmem:s15+$0x650] =	vst v13;
	v13 =	vld [tilespmem:s28+$0xC270];
	v11 =	vadd.f32 v15, v11  }
0x12f: {  	s18 =	sor.u32 s0, s18;
	[tilespmem:s15+$0x660] =	vst v16;
	v16 =	vld [tilespmem:s28+$0xC230]  }
0x130: {  	v15 =	vld [tilespmem:s18+$0x230];
	[tilespmem:s15+$0x670] =	vst v11  }
0x131: {  	v11 =	vld [tilespmem:s18+$0x200]  }
0x132: {  	v18 =	vmul.f32 v18, v9;
	v19 =	vld [tilespmem:s18+$0xC200]  }
0x133: {  	v39 =	vmul.f32 v58, v10;
	v41 =	vmul.f32 v59, v9;
	v20 =	vld [tilespmem:s18+$0x210]  }
0x134: {  	v42 =	vmul.f32 v60, v10;
	v44 =	vmul.f32 v61, v9;
	v40 =	vld [tilespmem:s18+$0xC210]  }
0x135: {  	v45 =	vmul.f32 v62, v10;
	v47 =	vmul.f32 v63, v9;
	v43 =	vld [tilespmem:s18+$0x220]  }
0x136: {  	v12 =	vmul.f32 v12, v9;
	v18 =	vadd.f32 v39, v18;
	v6 =	vmul.f32 v6, v10;
	v46 =	vld [tilespmem:s18+$0xC220]  }
0x137: {  	v23 =	vadd.f32 v42, v41;
	v8 =	vmul.f32 v8, v9;
	v5 =	vmul.f32 v5, v10;
	v48 =	vld [tilespmem:s18+$0xC230]  }
0x138: {  	[tilespmem:s28+$0x200] =	vst v18;
	v18 =	vadd.f32 v45, v44;
	v6 =	vadd.f32 v6, v47;
	v7 =	vmul.f32 v7, v9;
	v49 =	vld [tilespmem:s18+$0x240]  }
0x139: {  	[tilespmem:s28+$0x210] =	vst v23;
	v14 =	vmul.f32 v14, v10;
	v5 =	vadd.f32 v5, v8;
	v8 =	vmul.f32 v17, v9;
	v50 =	vld [tilespmem:s18+$0xC240]  }
0x13a: {  	[tilespmem:s28+$0x220] =	vst v18;
	v17 =	vld [tilespmem:s18+$0x250];
	v13 =	vmul.f32 v13, v10;
	v16 =	vmul.f32 v16, v10  }
0x13b: {  	[tilespmem:s28+$0x240] =	vst v6;
	v18 =	vld [tilespmem:s18+$0x270];
	v6 =	vadd.f32 v14, v7  }
0x13c: {  	v7 =	vld [tilespmem:s18+$0xC250];
	[tilespmem:s28+$0x250] =	vst v5;
	v5 =	vadd.f32 v13, v8;
	v12 =	vadd.f32 v16, v12;
	v8 =	vmul.f32 v11, v3  }
0x13d: {  	v13 =	vld [tilespmem:s18+$0x260];
	[tilespmem:s28+$0x260] =	vst v6;
	v11 =	vmul.f32 v19, v4;
	v6 =	vmul.f32 v20, v3  }
0x13e: {  	s14 =	sadd.s32 $0x1400, s14;
	v16 =	vld [tilespmem:s18+$0xC260];
	v14 =	vmul.f32 v40, v4;
	[tilespmem:s28+$0x230] =	vst v12;
	v12 =	vmul.f32 v15, v3  }
0x13f: {  	s1 =	sor.u32 s1, s14;
	[tilespmem:s28+$0x270] =	vst v5;
	v15 =	vld [tilespmem:s18+$0xC270];
	v5 =	vadd.f32 v11, v8;
	v8 =	vmul.f32 v43, v3;
	v11 =	vmul.f32 v46, v4  }
0x140: {  	v22 =	vld [tilespmem:s1+$0xC220];
	v6 =	vadd.f32 v14, v6;
	v14 =	vmul.f32 v48, v4  }
0x141: {  	v21 =	vld [tilespmem:s1+$0x230];
	[tilespmem:s18+$0x200] =	vst v5;
	v5 =	vadd.f32 v11, v8;
	v8 =	vmul.f32 v49, v3;
	v11 =	vmul.f32 v50, v4  }
0x142: {  	v7 =	vmul.f32 v7, v4;
	v23 =	vld [tilespmem:s1+$0xC230];
	[tilespmem:s18+$0x210] =	vst v6;
	v6 =	vadd.f32 v14, v12;
	v12 =	vmul.f32 v17, v3  }
0x143: {  	v24 =	vld [tilespmem:s1+$0x240];
	[tilespmem:s18+$0x220] =	vst v5;
	v5 =	vadd.f32 v11, v8;
	v8 =	vmul.f32 v13, v3;
	v11 =	vmul.f32 v16, v4  }
0x144: {  	v26 =	vld [tilespmem:s1+$0xC240];
	[tilespmem:s18+$0x230] =	vst v6;
	v6 =	vadd.f32 v7, v12  }
0x145: {  	v25 =	vld [tilespmem:s1+$0x250];
	[tilespmem:s18+$0x240] =	vst v5;
	v5 =	vmul.f32 v18, v3;
	v7 =	vadd.f32 v11, v8;
	v8 =	vmul.f32 v15, v4  }
0x146: {  	v27 =	vld [tilespmem:s1+$0xC250]  }
0x147: {  	v12 =	vld [tilespmem:s1+$0xC270];
	[tilespmem:s18+$0x250] =	vst v6;
	v5 =	vadd.f32 v8, v5  }
0x148: {  	s16 =	sor.u32 s0, s16;
	v11 =	vld [tilespmem:s1+$0x270];
	[tilespmem:s18+$0x260] =	vst v7  }
0x149: {  	v6 =	vld [tilespmem:s16+$0x230];
	[tilespmem:s18+$0x270] =	vst v5  }
0x14a: {  	v5 =	vld [tilespmem:s16+$0x200]  }
0x14b: {  	v7 =	vld [tilespmem:s16+$0xC200]  }
0x14c: {  	v8 =	vld [tilespmem:s16+$0x210]  }
0x14d: {  	v13 =	vld [tilespmem:s16+$0xC210]  }
0x14e: {  	v14 =	vld [tilespmem:s16+$0x220]  }
0x14f: {  	v15 =	vld [tilespmem:s16+$0xC220]  }
0x150: {  	v16 =	vld [tilespmem:s16+$0xC230]  }
0x151: {  	v17 =	vld [tilespmem:s16+$0x240]  }
0x152: {  	v18 =	vld [tilespmem:s16+$0xC240]  }
0x153: {  	v19 =	vld [tilespmem:s16+$0x250]  }
0x154: {  	s15 =	sor.u32 s0, s17;
	s17 =	simm.s32 $0x0;
	v20 =	vld [tilespmem:s16+$0xC250]  }
0x155: {  	s31 =	smul.u32 $0x1800, s17;
	s18 =	simm.s32 $0x100;
	v51 =	vld [tilespmem:s16+$0x260]  }
0x156: {  	s19 =	simm.s32 $0x3;
	s28 =	sor.u32 s0, s14;
	v52 =	vld [tilespmem:s16+$0xC260];
	s0 =	sand.u32 $0x300, s18  }
0x157: {  	v30 =	vmov s19;
	v53 =	vld [tilespmem:s16+$0xC270];
	s19 =	sor.u32 s0, s31  }
0x158: {  	v62 =	vld [tilespmem:s19+$0xC200]  }
0x159: {  	v63 =	vld [tilespmem:s19+$0x210]  }
0x15a: {  	v38 =	vld [tilespmem:s19+$0x240]  }
0x15b: {  	v39 =	vld [tilespmem:s19+$0xC240]  }
0x15c: {  	v40 =	vld [tilespmem:s19+$0x250]  }
0x15d: {  	v41 =	vld [tilespmem:s19+$0xC250]  }
0x15e: {  	v42 =	vld [tilespmem:s19+$0x260];
	v5 =	vmul.f32 v5, v3;
	v7 =	vmul.f32 v7, v4  }
0x15f: {  	v43 =	vld [tilespmem:s19+$0xC260];
	v8 =	vmul.f32 v8, v3;
	v13 =	vmul.f32 v13, v4  }
0x160: {  	v44 =	vld [tilespmem:s19+$0x270];
	v5 =	vadd.f32 v7, v5;
	v7 =	vmul.f32 v14, v3;
	v14 =	vmul.f32 v15, v4  }
0x161: {  	v6 =	vmul.f32 v6, v3;
	v15 =	vld [tilespmem:s16+$0x270];
	v8 =	vadd.f32 v13, v8;
	v13 =	vmul.f32 v16, v4  }
0x162: {  	v45 =	vld [tilespmem:s19+$0xC270];
	[tilespmem:s16+$0x200] =	vst v5;
	v5 =	vadd.f32 v14, v7;
	v7 =	vmul.f32 v17, v3;
	v14 =	vmul.f32 v18, v4  }
0x163: {  	v46 =	vld [tilespmem:s19+$0x600];
	[tilespmem:s16+$0x210] =	vst v8;
	v6 =	vadd.f32 v13, v6  }
0x164: {  	v47 =	vld [tilespmem:s19+$0xC600];
	v8 =	vmul.f32 v19, v3;
	v13 =	vmul.f32 v20, v4;
	[tilespmem:s16+$0x220] =	vst v5;
	v5 =	vadd.f32 v14, v7  }
0x165: {  	v48 =	vld [tilespmem:s19+$0x610];
	v7 =	vmul.f32 v51, v3;
	v14 =	vmul.f32 v52, v4;
	[tilespmem:s16+$0x230] =	vst v6  }
0x166: {  	v49 =	vld [tilespmem:s19+$0xC610];
	v6 =	vadd.f32 v13, v8;
	v8 =	vmul.f32 v53, v4;
	[tilespmem:s16+$0x240] =	vst v5;
	v5 =	vmul.f32 v15, v3  }
0x167: {  	v50 =	vld [tilespmem:s19+$0x620];
	v7 =	vadd.f32 v14, v7  }
0x168: {  	v16 =	vld [tilespmem:s1+$0x200];
	[tilespmem:s16+$0x250] =	vst v6;
	v5 =	vadd.f32 v8, v5  }
0x169: {  	v17 =	vld [tilespmem:s1+$0xC200];
	[tilespmem:s16+$0x260] =	vst v7  }
0x16a: {  	v6 =	vld [tilespmem:s15+$0x230];
	[tilespmem:s16+$0x270] =	vst v5  }
0x16b: {  	v5 =	vld [tilespmem:s15+$0x200]  }
0x16c: {  	v7 =	vld [tilespmem:s15+$0xC200]  }
0x16d: {  	v18 =	vld [tilespmem:s1+$0x210]  }
0x16e: {  	v54 =	vld [tilespmem:s15+$0xC230]  }
0x16f: {  	v55 =	vld [tilespmem:s15+$0x240]  }
0x170: {  	v56 =	vld [tilespmem:s15+$0xC240]  }
0x171: {  	v59 =	vld [tilespmem:s15+$0x260];
	v5 =	vmul.f32 v5, v3;
	v7 =	vmul.f32 v7, v4  }
0x172: {  	v60 =	vld [tilespmem:s15+$0xC260]  }
0x173: {  	v19 =	vld [tilespmem:s1+$0xC210];
	v6 =	vmul.f32 v6, v3;
	v5 =	vadd.f32 v7, v5;
	v7 =	vmul.f32 v54, v4  }
0x174: {  	v8 =	vld [tilespmem:s15+$0x210]  }
0x175: {  	v13 =	vld [tilespmem:s15+$0xC210];
	[tilespmem:s15+$0x200] =	vst v5;
	v5 =	vmul.f32 v55, v3;
	v6 =	vadd.f32 v7, v6;
	v7 =	vmul.f32 v56, v4  }
0x176: {  	v14 =	vld [tilespmem:s15+$0x220]  }
0x177: {  	v15 =	vld [tilespmem:s15+$0xC220];
	v61 =	vmul.f32 v60, v4;
	v5 =	vadd.f32 v7, v5;
	v7 =	vmul.f32 v59, v3  }
0x178: {  	v57 =	vld [tilespmem:s15+$0x250]  }
0x179: {  	v58 =	vld [tilespmem:s15+$0xC250];
	v7 =	vadd.f32 v61, v7  }
0x17a: {  	v20 =	vld [tilespmem:s1+$0x220];
	s16 =	simm.s32 $0x2;
	v8 =	vmul.f32 v8, v3;
	v13 =	vmul.f32 v13, v4  }
0x17b: {  	v51 =	vld [tilespmem:s19+$0xC620];
	v14 =	vmul.f32 v14, v3;
	[tilespmem:s15+$0x260] =	vst v7;
	v7 =	vmov s16  }
0x17c: {  	v28 =	vld [tilespmem:s15+$0x270];
	v15 =	vmul.f32 v15, v4;
	v8 =	vadd.f32 v13, v8;
	v7 =	vand.u32 $0xFFFFFFFE, v7  }
0x17d: {  	v29 =	vld [tilespmem:s15+$0xC270];
	v7 =	vbroadcast v7, $0x0  }
0x17e: {  	v14 =	vadd.f32 v15, v14;
	v15 =	vmul.f32 v58, v4;
	v13 =	vld [tilespmem:s1+$0x260];
	[tilespmem:s15+$0x210] =	vst v8;
	v8 =	vmul.f32 v57, v3  }
0x17f: {  	v54 =	vld [tilespmem:s19+$0xC210]  }
0x180: {  	v58 =	vld [tilespmem:s19+$0xC230];
	[tilespmem:s15+$0x230] =	vst v6;
	v6 =	vadd.f32 v15, v8  }
0x181: {  	[tilespmem:s15+$0x220] =	vst v14;
	v14 =	vld [tilespmem:s1+$0xC260]  }
0x182: {  	[tilespmem:s15+$0x250] =	vst v6;
	v6 =	vld [tilespmem:s19+$0x200]  }
0x183: {  	v8 =	vld.idx.msk [tilespmem:v7+s23+$0x0], $0xffff  }
0x184: {  	v7 =	vld.idx.msk [tilespmem:v7+s24+$0x0], $0xffff  }
0x185: {  	v55 =	vld [tilespmem:s19+$0x220]  }
0x186: {  	v57 =	vld [tilespmem:s19+$0x230]  }
0x187: {  	v56 =	vld [tilespmem:s19+$0xC220]  }
0x188: {  	[tilespmem:s15+$0x240] =	vst v5;
	v5 =	vld.idx.msk [tilespmem:v30+s23+$0x0], $0xffff;
	v6 =	vmul.f32 v6, v8  }
0x189: {  	v15 =	vld [tilespmem:s28+$0x230];
	v31 =	vmul.f32 v62, v7;
	v32 =	vmul.f32 v63, v8  }
0x18a: {  	v33 =	vmul.f32 v54, v7;
	v59 =	vmul.f32 v38, v8;
	v38 =	vld [tilespmem:s19+$0x660]  }
0x18b: {  	v36 =	vmul.f32 v57, v8;
	v37 =	vmul.f32 v58, v7;
	v6 =	vadd.f32 v31, v6;
	v31 =	vld [tilespmem:s19+$0x630]  }
0x18c: {  	v62 =	vmul.f32 v40, v8;
	v63 =	vmul.f32 v41, v7;
	v32 =	vadd.f32 v33, v32;
	v33 =	vld [tilespmem:s19+$0xC630]  }
0x18d: {  	v34 =	vmul.f32 v55, v8;
	v35 =	vmul.f32 v56, v7;
	v61 =	vadd.f32 v37, v36;
	v36 =	vld [tilespmem:s19+$0xC640];
	[tilespmem:s19+$0x200] =	vst v6  }
0x18e: {  	v55 =	vmul.f32 v44, v8;
	v56 =	vmul.f32 v45, v7;
	v54 =	vadd.f32 v63, v62;
	v37 =	vld [tilespmem:s19+$0xC650];
	[tilespmem:s19+$0x210] =	vst v32  }
0x18f: {  	v60 =	vmul.f32 v39, v7;
	v52 =	vmul.f32 v42, v8;
	v62 =	vld [tilespmem:s19+$0x670];
	v6 =	vadd.f32 v35, v34;
	[tilespmem:s19+$0x230] =	vst v61  }
0x190: {  	v57 =	vmul.f32 v46, v8;
	v58 =	vmul.f32 v47, v7;
	v39 =	vadd.f32 v56, v55;
	v34 =	vld [tilespmem:s19+$0x640];
	[tilespmem:s19+$0x250] =	vst v54  }
0x191: {  	s30 =	simm.s32 $0x180;
	v53 =	vmul.f32 v43, v7;
	v63 =	vmul.f32 v50, v8;
	v35 =	vld [tilespmem:s19+$0x650];
	[tilespmem:s19+$0x220] =	vst v6;
	v6 =	vadd.f32 v60, v59  }
0x192: {  	s29 =	sand.u32 $0x380, s30;
	v61 =	vmul.f32 v49, v7;
	v32 =	vadd.f32 v58, v57;
	[tilespmem:s19+$0x270] =	vst v39;
	v49 =	vld [tilespmem:s19+$0xC670];
	v60 =	vmul.f32 v48, v8  }
0x193: {  	s14 =	sor.u32 s31, s29;
	v59 =	vld [tilespmem:s19+$0xC660];
	v48 =	vmul.f32 v51, v7;
	v50 =	vmul.f32 v31, v8;
	[tilespmem:s19+$0x240] =	vst v6;
	v6 =	vadd.f32 v53, v52  }
0x194: {  	v43 =	vld [tilespmem:s14+$0x230];
	[tilespmem:s19+$0x600] =	vst v32;
	v51 =	vmul.f32 v33, v7;
	v36 =	vmul.f32 v36, v7;
	v42 =	vadd.f32 v61, v60  }
0x195: {  	v44 =	vld [tilespmem:s14+$0xC230];
	v37 =	vmul.f32 v37, v7;
	v52 =	vadd.f32 v48, v63;
	v34 =	vmul.f32 v34, v8;
	[tilespmem:s19+$0x260] =	vst v6  }
0x196: {  	v35 =	vmul.f32 v35, v8;
	v6 =	vld.idx.msk [tilespmem:v30+s24+$0x0], $0xffff;
	[tilespmem:s19+$0x610] =	vst v42;
	v30 =	vadd.f32 v51, v50  }
0x197: {  	v56 =	vld [tilespmem:s14+$0x210];
	v60 =	vmul.f32 v62, v8;
	v39 =	vmul.f32 v49, v7;
	[tilespmem:s19+$0x620] =	vst v52;
	v55 =	vadd.f32 v36, v34  }
0x198: {  	v54 =	vld [tilespmem:s14+$0xC200];
	v57 =	vmul.f32 v38, v8;
	v58 =	vmul.f32 v59, v7;
	v35 =	vadd.f32 v37, v35;
	[tilespmem:s19+$0x630] =	vst v30  }
0x199: {  	v53 =	vld [tilespmem:s14+$0x200];
	v42 =	vadd.f32 v39, v60;
	[tilespmem:s19+$0x640] =	vst v55  }
0x19a: {  	v61 =	vld [tilespmem:s14+$0x220];
	v62 =	vadd.f32 v58, v57;
	[tilespmem:s19+$0x650] =	vst v35  }
0x19b: {  	s16 =	sadd.s32 $0x800, s31;
	v63 =	vld [tilespmem:s14+$0xC220];
	[tilespmem:s19+$0x670] =	vst v42  }
0x19c: {  	s18 =	sor.u32 s0, s16;
	v59 =	vld [tilespmem:s14+$0xC210];
	[tilespmem:s19+$0x660] =	vst v62  }
0x19d: {  	v35 =	vld [tilespmem:s18+$0x200]  }
0x19e: {  	v12 =	vmul.f32 v12, v10;
	v11 =	vmul.f32 v11, v9;
	v45 =	vld [tilespmem:s18+$0xC200]  }
0x19f: {  	v16 =	vmul.f32 v16, v9;
	v17 =	vmul.f32 v17, v10;
	v46 =	vld [tilespmem:s18+$0x210]  }
0x1a0: {  	v11 =	vadd.f32 v12, v11;
	v12 =	vmul.f32 v18, v9;
	v18 =	vmul.f32 v19, v10;
	v19 =	vld [tilespmem:s18+$0xC210]  }
0x1a1: {  	v16 =	vadd.f32 v17, v16;
	v17 =	vmul.f32 v20, v9;
	v20 =	vmul.f32 v22, v10;
	v47 =	vld [tilespmem:s18+$0x220]  }
0x1a2: {  	[tilespmem:s1+$0x270] =	vst v11;
	v11 =	vadd.f32 v18, v12;
	v12 =	vmul.f32 v21, v9;
	v18 =	vmul.f32 v23, v10;
	v48 =	vld [tilespmem:s18+$0xC220]  }
0x1a3: {  	[tilespmem:s1+$0x200] =	vst v16;
	v16 =	vadd.f32 v20, v17;
	v17 =	vmul.f32 v24, v9;
	v20 =	vmul.f32 v26, v10;
	v49 =	vld [tilespmem:s18+$0x230]  }
0x1a4: {  	[tilespmem:s1+$0x210] =	vst v11;
	v11 =	vadd.f32 v18, v12;
	v12 =	vmul.f32 v25, v9;
	v18 =	vmul.f32 v27, v10;
	v50 =	vld [tilespmem:s18+$0xC230]  }
0x1a5: {  	[tilespmem:s1+$0x220] =	vst v16;
	v16 =	vadd.f32 v20, v17;
	v17 =	vmul.f32 v28, v3;
	v20 =	vmul.f32 v29, v4;
	v51 =	vld [tilespmem:s18+$0x240]  }
0x1a6: {  	[tilespmem:s1+$0x230] =	vst v11;
	v11 =	vadd.f32 v18, v12;
	v12 =	vmul.f32 v53, v5;
	v18 =	vmul.f32 v54, v6;
	v52 =	vld [tilespmem:s18+$0xC240]  }
0x1a7: {  	[tilespmem:s1+$0x240] =	vst v16;
	v16 =	vadd.f32 v20, v17;
	v17 =	vmul.f32 v56, v5;
	v20 =	vmul.f32 v59, v6;
	v53 =	vld [tilespmem:s18+$0x250]  }
0x1a8: {  	[tilespmem:s1+$0x250] =	vst v11;
	v54 =	vld [tilespmem:s18+$0xC250];
	v11 =	vadd.f32 v18, v12;
	v12 =	vmul.f32 v61, v5;
	v18 =	vmul.f32 v63, v6  }
0x1a9: {  	[tilespmem:s15+$0x270] =	vst v16;
	v55 =	vld [tilespmem:s18+$0x260];
	v16 =	vadd.f32 v20, v17;
	v17 =	vmul.f32 v43, v5;
	v20 =	vmul.f32 v44, v6  }
0x1aa: {  	v56 =	vld [tilespmem:s18+$0xC260];
	[tilespmem:s14+$0x200] =	vst v11;
	v11 =	vadd.f32 v18, v12;
	v12 =	vmul.f32 v35, v8;
	v18 =	vmul.f32 v45, v7  }
0x1ab: {  	v57 =	vld [tilespmem:s18+$0xC270];
	[tilespmem:s14+$0x210] =	vst v16;
	v16 =	vadd.f32 v20, v17;
	v17 =	vmul.f32 v46, v8;
	v19 =	vmul.f32 v19, v7  }
0x1ac: {  	v20 =	vld [tilespmem:s18+$0x270];
	[tilespmem:s14+$0x220] =	vst v11;
	v11 =	vadd.f32 v18, v12;
	v12 =	vmul.f32 v47, v8;
	v18 =	vmul.f32 v48, v7  }
0x1ad: {  	v60 =	vld [tilespmem:s14+$0xC240];
	[tilespmem:s14+$0x230] =	vst v16;
	v16 =	vadd.f32 v19, v17;
	v17 =	vmul.f32 v49, v8;
	v19 =	vmul.f32 v50, v7  }
0x1ae: {  	v58 =	vld [tilespmem:s28+$0x200];
	[tilespmem:s18+$0x200] =	vst v11;
	v11 =	vadd.f32 v18, v12;
	v12 =	vmul.f32 v51, v8;
	v18 =	vmul.f32 v52, v7  }
0x1af: {  	v59 =	vld [tilespmem:s14+$0x240];
	[tilespmem:s18+$0x210] =	vst v16;
	v16 =	vadd.f32 v19, v17;
	v17 =	vmul.f32 v53, v8;
	v19 =	vmul.f32 v54, v7  }
0x1b0: {  	v61 =	vld [tilespmem:s14+$0x250];
	v62 =	vmul.f32 v56, v7;
	[tilespmem:s18+$0x220] =	vst v11;
	v11 =	vadd.f32 v18, v12;
	v18 =	vmul.f32 v55, v8  }
0x1b1: {  	v63 =	vld [tilespmem:s14+$0xC250];
	[tilespmem:s18+$0x230] =	vst v16;
	v16 =	vadd.f32 v19, v17;
	v17 =	vmul.f32 v20, v8;
	v19 =	vmul.f32 v57, v7  }
0x1b2: {  	v9 =	vmul.f32 v13, v9;
	v10 =	vmul.f32 v14, v10;
	v12 =	vld [tilespmem:s14+$0x260];
	[tilespmem:s18+$0x240] =	vst v11;
	v11 =	vadd.f32 v62, v18  }
0x1b3: {  	v13 =	vld [tilespmem:s14+$0xC260];
	[tilespmem:s18+$0x250] =	vst v16;
	v16 =	vadd.f32 v19, v17  }
0x1b4: {  	v14 =	vld [tilespmem:s14+$0x270];
	s19 =	sadd.s32 $0xC00, s31;
	v17 =	vadd.f32 v10, v9;
	v18 =	vmul.f32 v59, v5;
	v19 =	vmul.f32 v60, v6;
	[tilespmem:s18+$0x260] =	vst v11  }
0x1b5: {  	v9 =	vmul.f32 v15, v3;
	v10 =	vmul.f32 v58, v3;
	v15 =	vld [tilespmem:s14+$0xC270];
	[tilespmem:s18+$0x270] =	vst v16;
	s18 =	sor.u32 s0, s19  }
0x1b6: {  	s16 =	sor.u32 s29, s16;
	s15 =	sor.u32 s29, s19;
	[tilespmem:s1+$0x260] =	vst v17;
	v16 =	vmul.f32 v61, v5;
	v17 =	vadd.f32 v19, v18;
	v18 =	vmul.f32 v63, v6;
	s1 =	simm.s32 $0x4;
	v11 =	vld [tilespmem:s18+$0x200]  }
.LBB2_2:
0x1b7: {  	p0 =	slt.u32 s1, $0x3E;
	v19 =	vld [tilespmem:s18+$0xC200];
	v12 =	vmul.f32 v12, v5  }
0x1b8: {  	v20 =	vld [tilespmem:s18+$0x210];
	[tilespmem:s14+$0x240] =	vst v17;
	v16 =	vadd.f32 v18, v16;
	v13 =	vmul.f32 v13, v6  }
0x1b9: {  	v17 =	vld [tilespmem:s18+$0xC210];
	v14 =	vmul.f32 v14, v5  }
0x1ba: {  	v18 =	vld [tilespmem:s18+$0x220];
	[tilespmem:s14+$0x250] =	vst v16;
	v12 =	vadd.f32 v13, v12;
	v13 =	vmul.f32 v15, v6  }
0x1bb: {  	v15 =	vld [tilespmem:s18+$0xC220]  }
0x1bc: {  	v16 =	vld [tilespmem:s18+$0x230];
	[tilespmem:s14+$0x260] =	vst v12;
	v12 =	vadd.f32 v13, v14  }
0x1bd: {  	v13 =	vld [tilespmem:s18+$0xC230]  }
0x1be: {  	v14 =	vld [tilespmem:s18+$0x240];
	[tilespmem:s14+$0x270] =	vst v12  }
0x1bf: {  	v12 =	vld [tilespmem:s18+$0xC240]  }
0x1c0: {  	v21 =	vld [tilespmem:s18+$0x250]  }
0x1c1: {  	v22 =	vld [tilespmem:s18+$0xC250]  }
0x1c2: {  	v23 =	vld [tilespmem:s18+$0x260]  }
0x1c3: {  	v11 =	vmul.f32 v11, v8;
	v19 =	vmul.f32 v19, v7;
	v24 =	vld [tilespmem:s18+$0xC260]  }
0x1c4: {  	v20 =	vmul.f32 v20, v8;
	v17 =	vmul.f32 v17, v7;
	v25 =	vld [tilespmem:s18+$0x270]  }
0x1c5: {  	v11 =	vadd.f32 v19, v11;
	v18 =	vmul.f32 v18, v8;
	v15 =	vmul.f32 v15, v7;
	v19 =	vld [tilespmem:s18+$0xC270]  }
0x1c6: {  	v17 =	vadd.f32 v17, v20;
	v16 =	vmul.f32 v16, v8;
	v13 =	vmul.f32 v13, v7;
	v20 =	vld [tilespmem:s14+$0x600]  }
0x1c7: {  	v14 =	vmul.f32 v14, v8;
	v12 =	vmul.f32 v12, v7;
	[tilespmem:s18+$0x200] =	vst v11;
	v11 =	vadd.f32 v15, v18;
	v15 =	vld [tilespmem:s14+$0xC600]  }
0x1c8: {  	v13 =	vadd.f32 v13, v16;
	v16 =	vmul.f32 v21, v8;
	[tilespmem:s18+$0x210] =	vst v17;
	v17 =	vmul.f32 v22, v7;
	v18 =	vld [tilespmem:s14+$0x610]  }
0x1c9: {  	[tilespmem:s18+$0x220] =	vst v11;
	v11 =	vadd.f32 v12, v14;
	v12 =	vmul.f32 v23, v8;
	v14 =	vmul.f32 v24, v7;
	v21 =	vld [tilespmem:s14+$0xC610]  }
0x1ca: {  	[tilespmem:s18+$0x230] =	vst v13;
	v13 =	vadd.f32 v17, v16;
	v16 =	vmul.f32 v25, v8;
	v17 =	vmul.f32 v19, v7;
	v19 =	vld [tilespmem:s14+$0x620]  }
0x1cb: {  	[tilespmem:s18+$0x240] =	vst v11;
	v11 =	vadd.f32 v14, v12;
	v12 =	vmul.f32 v20, v5;
	v14 =	vld [tilespmem:s14+$0xC620]  }
0x1cc: {  	s17 =	sadd.s32 $0x1000, s31;
	[tilespmem:s18+$0x250] =	vst v13;
	v13 =	vadd.f32 v17, v16;
	v15 =	vmul.f32 v15, v6;
	v16 =	vld [tilespmem:s14+$0x630]  }
0x1cd: {  	s19 =	sor.u32 s0, s17;
	s17 =	sor.u32 s29, s17;
	[tilespmem:s18+$0x260] =	vst v11;
	v11 =	vmul.f32 v18, v5;
	v17 =	vld [tilespmem:s14+$0xC630]  }
0x1ce: {  	[tilespmem:s18+$0x270] =	vst v13;
	v13 =	vld [tilespmem:s19+$0x200];
	v12 =	vadd.f32 v15, v12;
	v15 =	vmul.f32 v21, v6  }
0x1cf: {  	v18 =	vld [tilespmem:s19+$0xC200];
	v19 =	vmul.f32 v19, v5  }
0x1d0: {  	v20 =	vld [tilespmem:s19+$0x210];
	[tilespmem:s14+$0x600] =	vst v12;
	v11 =	vadd.f32 v15, v11;
	v12 =	vmul.f32 v14, v6  }
0x1d1: {  	v14 =	vld [tilespmem:s19+$0xC210];
	v15 =	vmul.f32 v16, v5  }
0x1d2: {  	v16 =	vld [tilespmem:s19+$0x220];
	[tilespmem:s14+$0x610] =	vst v11;
	v11 =	vadd.f32 v12, v19;
	v12 =	vmul.f32 v17, v6  }
0x1d3: {  	v17 =	vld [tilespmem:s19+$0xC220]  }
0x1d4: {  	v19 =	vld [tilespmem:s19+$0x230];
	[tilespmem:s14+$0x620] =	vst v11;
	v11 =	vadd.f32 v12, v15  }
0x1d5: {  	v12 =	vld [tilespmem:s19+$0x240]  }
0x1d6: {  	v15 =	vld [tilespmem:s19+$0xC240];
	[tilespmem:s14+$0x630] =	vst v11  }
0x1d7: {  	v11 =	vld [tilespmem:s19+$0x250]  }
0x1d8: {  	v21 =	vld [tilespmem:s19+$0xC250]  }
0x1d9: {  	v22 =	vld [tilespmem:s19+$0x260]  }
0x1da: {  	v23 =	vld [tilespmem:s19+$0xC260]  }
0x1db: {  	v13 =	vmul.f32 v13, v8;
	v18 =	vmul.f32 v18, v7;
	v24 =	vld [tilespmem:s19+$0x270]  }
0x1dc: {  	v20 =	vmul.f32 v20, v8;
	v14 =	vmul.f32 v14, v7;
	v25 =	vld [tilespmem:s19+$0xC270]  }
0x1dd: {  	v13 =	vadd.f32 v18, v13;
	v16 =	vmul.f32 v16, v8;
	v17 =	vmul.f32 v17, v7;
	v18 =	vld [tilespmem:s19+$0xC230]  }
0x1de: {  	v14 =	vadd.f32 v14, v20;
	v12 =	vmul.f32 v12, v8;
	v15 =	vmul.f32 v15, v7;
	v20 =	vld [tilespmem:s14+$0x640]  }
0x1df: {  	v11 =	vmul.f32 v11, v8;
	[tilespmem:s19+$0x200] =	vst v13;
	v13 =	vadd.f32 v17, v16;
	v16 =	vmul.f32 v21, v7;
	v17 =	vld [tilespmem:s14+$0xC640]  }
0x1e0: {  	v12 =	vadd.f32 v15, v12;
	v15 =	vmul.f32 v23, v7;
	[tilespmem:s19+$0x210] =	vst v14;
	v14 =	vmul.f32 v22, v8;
	v21 =	vld [tilespmem:s14+$0x650]  }
0x1e1: {  	[tilespmem:s19+$0x220] =	vst v13;
	v11 =	vadd.f32 v16, v11;
	v13 =	vmul.f32 v24, v8;
	v16 =	vmul.f32 v25, v7;
	v22 =	vld [tilespmem:s14+$0xC650]  }
0x1e2: {  	v19 =	vmul.f32 v19, v8;
	v18 =	vmul.f32 v18, v7;
	[tilespmem:s19+$0x240] =	vst v12;
	v12 =	vadd.f32 v15, v14;
	v14 =	vld [tilespmem:s14+$0x660]  }
0x1e3: {  	[tilespmem:s19+$0x250] =	vst v11;
	v11 =	vadd.f32 v16, v13;
	v13 =	vmul.f32 v20, v5;
	v15 =	vld [tilespmem:s14+$0xC660]  }
0x1e4: {  	s18 =	sadd.s32 $0x1400, s31;
	v16 =	vadd.f32 v18, v19;
	[tilespmem:s19+$0x260] =	vst v12;
	v12 =	vmul.f32 v17, v6;
	v17 =	vld [tilespmem:s14+$0x670]  }
0x1e5: {  	s0 =	sor.u32 s0, s18;
	s18 =	sor.u32 s29, s18;
	[tilespmem:s19+$0x270] =	vst v11;
	v11 =	vmul.f32 v21, v5;
	v18 =	vld [tilespmem:s14+$0xC670]  }
0x1e6: {  	[tilespmem:s19+$0x230] =	vst v16;
	v16 =	vld [tilespmem:s0+$0x270];
	v12 =	vadd.f32 v12, v13;
	v13 =	vmul.f32 v22, v6  }
0x1e7: {  	v19 =	vld [tilespmem:s0+$0xC270];
	v14 =	vmul.f32 v14, v5  }
0x1e8: {  	v20 =	vld [tilespmem:s0+$0x200];
	[tilespmem:s14+$0x640] =	vst v12;
	v11 =	vadd.f32 v13, v11;
	v12 =	vmul.f32 v15, v6  }
0x1e9: {  	v13 =	vld [tilespmem:s0+$0xC200];
	v15 =	vmul.f32 v17, v5  }
0x1ea: {  	v17 =	vld [tilespmem:s0+$0x210];
	[tilespmem:s14+$0x650] =	vst v11;
	v11 =	vadd.f32 v12, v14;
	v12 =	vmul.f32 v18, v6  }
0x1eb: {  	v14 =	vld [tilespmem:s0+$0xC210]  }
0x1ec: {  	v16 =	vmul.f32 v16, v8;
	v18 =	vld [tilespmem:s0+$0x220];
	v19 =	vmul.f32 v19, v7;
	[tilespmem:s14+$0x660] =	vst v11;
	v11 =	vadd.f32 v12, v15  }
0x1ed: {  	v12 =	vmul.f32 v20, v8;
	v15 =	vld [tilespmem:s16+$0x230]  }
0x1ee: {  	v13 =	vmul.f32 v13, v7;
	v20 =	vld [tilespmem:s0+$0xC220];
	v16 =	vadd.f32 v19, v16;
	[tilespmem:s14+$0x670] =	vst v11  }
0x1ef: {  	v11 =	vmul.f32 v17, v8;
	v17 =	vld [tilespmem:s16+$0x200]  }
0x1f0: {  	v12 =	vadd.f32 v13, v12;
	v13 =	vmul.f32 v14, v7;
	[tilespmem:s0+$0x270] =	vst v16;
	v14 =	vld [tilespmem:s16+$0xC200]  }
0x1f1: {  	v16 =	vmul.f32 v18, v8;
	v18 =	vld [tilespmem:s16+$0x210]  }
0x1f2: {  	[tilespmem:s0+$0x200] =	vst v12;
	v11 =	vadd.f32 v13, v11;
	v12 =	vld [tilespmem:s16+$0xC210];
	v13 =	vmul.f32 v15, v5  }
0x1f3: {  	v15 =	vmul.f32 v20, v7;
	v19 =	vld [tilespmem:s16+$0x220]  }
0x1f4: {  	[tilespmem:s0+$0x210] =	vst v11;
	v11 =	vmul.f32 v17, v5;
	v17 =	vld [tilespmem:s16+$0xC220]  }
0x1f5: {  	v15 =	vadd.f32 v15, v16;
	v14 =	vmul.f32 v14, v6;
	v16 =	vld [tilespmem:s16+$0xC230]  }
0x1f6: {  	v18 =	vmul.f32 v18, v5;
	v20 =	vld [tilespmem:s16+$0x240]  }
0x1f7: {  	[tilespmem:s0+$0x220] =	vst v15;
	v11 =	vadd.f32 v14, v11;
	v12 =	vmul.f32 v12, v6;
	v14 =	vld [tilespmem:s16+$0xC240]  }
0x1f8: {  	v15 =	vmul.f32 v19, v5;
	v19 =	vld [tilespmem:s16+$0x250]  }
0x1f9: {  	[tilespmem:s16+$0x200] =	vst v11;
	v11 =	vadd.f32 v12, v18;
	v12 =	vmul.f32 v17, v6;
	v17 =	vld [tilespmem:s16+$0xC250]  }
0x1fa: {  	v16 =	vmul.f32 v16, v6;
	v18 =	vld [tilespmem:s16+$0x260]  }
0x1fb: {  	[tilespmem:s16+$0x210] =	vst v11;
	v11 =	vadd.f32 v12, v15;
	v12 =	vmul.f32 v20, v5;
	v15 =	vld [tilespmem:s16+$0xC260]  }
0x1fc: {  	v13 =	vadd.f32 v16, v13;
	v14 =	vmul.f32 v14, v6;
	v16 =	vld [tilespmem:s16+$0x270]  }
0x1fd: {  	[tilespmem:s16+$0x220] =	vst v11;
	v11 =	vmul.f32 v19, v5;
	v19 =	vld [tilespmem:s16+$0xC270]  }
0x1fe: {  	v20 =	vld [tilespmem:s0+$0x230];
	[tilespmem:s16+$0x230] =	vst v13;
	v12 =	vadd.f32 v14, v12;
	v13 =	vmul.f32 v17, v6  }
0x1ff: {  	v14 =	vld [tilespmem:s0+$0xC230];
	v17 =	vmul.f32 v18, v5  }
0x200: {  	v18 =	vld [tilespmem:s0+$0x240];
	[tilespmem:s16+$0x240] =	vst v12;
	v11 =	vadd.f32 v13, v11;
	v12 =	vmul.f32 v15, v6  }
0x201: {  	v13 =	vld [tilespmem:s0+$0xC240];
	v15 =	vmul.f32 v16, v5  }
0x202: {  	v16 =	vld [tilespmem:s0+$0x250];
	[tilespmem:s16+$0x250] =	vst v11;
	v11 =	vadd.f32 v12, v17;
	v12 =	vmul.f32 v19, v6  }
0x203: {  	v17 =	vmul.f32 v20, v8;
	v19 =	vld [tilespmem:s0+$0xC250]  }
0x204: {  	v14 =	vmul.f32 v14, v7;
	v20 =	vld [tilespmem:s0+$0x260];
	[tilespmem:s16+$0x260] =	vst v11;
	v11 =	vadd.f32 v12, v15  }
0x205: {  	v12 =	vmul.f32 v18, v8;
	v15 =	vld [tilespmem:s15+$0x230]  }
0x206: {  	v14 =	vadd.f32 v14, v17;
	v13 =	vmul.f32 v13, v7;
	v17 =	vld [tilespmem:s0+$0xC260];
	[tilespmem:s16+$0x270] =	vst v11  }
0x207: {  	v11 =	vmul.f32 v16, v8;
	v16 =	vld [tilespmem:s15+$0x200]  }
0x208: {  	[tilespmem:s0+$0x230] =	vst v14;
	v12 =	vadd.f32 v13, v12;
	v13 =	vmul.f32 v19, v7;
	v14 =	vld [tilespmem:s15+$0xC200]  }
0x209: {  	v8 =	vmul.f32 v20, v8;
	v18 =	vld [tilespmem:s15+$0x210]  }
0x20a: {  	[tilespmem:s0+$0x240] =	vst v12;
	v11 =	vadd.f32 v13, v11;
	v12 =	vld [tilespmem:s15+$0xC210];
	v13 =	vmul.f32 v15, v5  }
0x20b: {  	v7 =	vmul.f32 v17, v7;
	v15 =	vld [tilespmem:s15+$0x220]  }
0x20c: {  	[tilespmem:s0+$0x250] =	vst v11;
	v11 =	vmul.f32 v16, v5;
	v16 =	vld [tilespmem:s15+$0xC220]  }
0x20d: {  	v7 =	vadd.f32 v7, v8;
	v8 =	vmul.f32 v14, v6;
	v14 =	vld [tilespmem:s15+$0xC230]  }
0x20e: {  	v17 =	vmul.f32 v18, v5;
	v18 =	vld [tilespmem:s15+$0x240]  }
0x20f: {  	[tilespmem:s0+$0x260] =	vst v7;
	v7 =	vadd.f32 v8, v11;
	v8 =	vmul.f32 v12, v6;
	v11 =	vld [tilespmem:s15+$0xC240]  }
0x210: {  	v12 =	vmul.f32 v15, v5;
	v15 =	vld [tilespmem:s15+$0x250]  }
0x211: {  	[tilespmem:s15+$0x200] =	vst v7;
	v7 =	vadd.f32 v8, v17;
	v8 =	vmul.f32 v16, v6;
	v16 =	vld [tilespmem:s15+$0xC250]  }
0x212: {  	v14 =	vmul.f32 v14, v6;
	v17 =	vld [tilespmem:s15+$0x260]  }
0x213: {  	[tilespmem:s15+$0x210] =	vst v7;
	v7 =	vadd.f32 v8, v12;
	v8 =	vmul.f32 v18, v5;
	v12 =	vld [tilespmem:s15+$0xC260]  }
0x214: {  	v13 =	vadd.f32 v14, v13;
	v11 =	vmul.f32 v11, v6;
	v14 =	vld [tilespmem:s15+$0x270]  }
0x215: {  	[tilespmem:s15+$0x220] =	vst v7;
	v7 =	vmul.f32 v15, v5;
	v15 =	vld [tilespmem:s15+$0xC270]  }
0x216: {  	[tilespmem:s15+$0x230] =	vst v13;
	v8 =	vadd.f32 v11, v8;
	v11 =	vmul.f32 v16, v6;
	v13 =	vld [tilespmem:s28+$0xC200]  }
0x217: {  	v16 =	vmul.f32 v17, v5;
	v17 =	vld [tilespmem:s28+$0x210]  }
0x218: {  	[tilespmem:s15+$0x240] =	vst v8;
	v7 =	vadd.f32 v11, v7;
	v8 =	vmul.f32 v12, v6;
	v11 =	vld [tilespmem:s28+$0xC210]  }
0x219: {  	v12 =	vmul.f32 v14, v5;
	v14 =	vld [tilespmem:s28+$0x220]  }
0x21a: {  	[tilespmem:s15+$0x250] =	vst v7;
	v7 =	vadd.f32 v8, v16;
	v8 =	vmul.f32 v15, v6;
	v15 =	vld [tilespmem:s28+$0xC220]  }
0x21b: {  	v13 =	vmul.f32 v13, v4;
	v16 =	vld [tilespmem:s28+$0xC230]  }
0x21c: {  	[tilespmem:s15+$0x260] =	vst v7;
	v7 =	vadd.f32 v8, v12;
	v8 =	vmul.f32 v17, v3;
	v12 =	vld [tilespmem:s28+$0x240]  }
0x21d: {  	v17 =	vld [tilespmem:s17+$0x230];
	v10 =	vadd.f32 v13, v10;
	v11 =	vmul.f32 v11, v4  }
0x21e: {  	[tilespmem:s15+$0x270] =	vst v7;
	v7 =	vmul.f32 v14, v3;
	v13 =	vld [tilespmem:s28+$0xC240]  }
0x21f: {  	v14 =	vld [tilespmem:s17+$0x200];
	[tilespmem:s28+$0x200] =	vst v10;
	v8 =	vadd.f32 v11, v8;
	v10 =	vmul.f32 v15, v4  }
0x220: {  	v11 =	vld [tilespmem:s17+$0xC200];
	v15 =	vmul.f32 v16, v4  }
0x221: {  	v16 =	vld [tilespmem:s17+$0x210];
	[tilespmem:s28+$0x210] =	vst v8;
	v7 =	vadd.f32 v10, v7;
	v8 =	vmul.f32 v12, v3  }
0x222: {  	v10 =	vld [tilespmem:s17+$0xC210];
	v12 =	vmul.f32 v17, v5;
	v9 =	vadd.f32 v15, v9  }
0x223: {  	v15 =	vld [tilespmem:s17+$0x220];
	[tilespmem:s28+$0x220] =	vst v7;
	v7 =	vmul.f32 v13, v4  }
0x224: {  	v13 =	vmul.f32 v14, v5;
	v14 =	vld [tilespmem:s17+$0xC220];
	[tilespmem:s28+$0x230] =	vst v9  }
0x225: {  	v9 =	vmul.f32 v11, v6;
	v11 =	vld [tilespmem:s17+$0xC230];
	v7 =	vadd.f32 v7, v8  }
0x226: {  	v8 =	vmul.f32 v16, v5;
	v16 =	vld [tilespmem:s17+$0x240]  }
0x227: {  	v9 =	vadd.f32 v9, v13;
	v10 =	vmul.f32 v10, v6;
	v13 =	vld [tilespmem:s17+$0xC240];
	[tilespmem:s28+$0x240] =	vst v7  }
0x228: {  	v7 =	vmul.f32 v15, v5;
	v15 =	vld [tilespmem:s17+$0x250]  }
0x229: {  	[tilespmem:s17+$0x200] =	vst v9;
	v8 =	vadd.f32 v10, v8;
	v9 =	vmul.f32 v14, v6;
	v10 =	vld [tilespmem:s17+$0xC250]  }
0x22a: {  	v11 =	vmul.f32 v11, v6;
	v14 =	vld [tilespmem:s17+$0x260]  }
0x22b: {  	[tilespmem:s17+$0x210] =	vst v8;
	v7 =	vadd.f32 v9, v7;
	v8 =	vmul.f32 v16, v5;
	v9 =	vld [tilespmem:s17+$0xC260]  }
0x22c: {  	v11 =	vadd.f32 v11, v12;
	v12 =	vmul.f32 v13, v6;
	v13 =	vld [tilespmem:s17+$0x270]  }
0x22d: {  	[tilespmem:s17+$0x220] =	vst v7;
	v7 =	vmul.f32 v15, v5;
	v15 =	vld [tilespmem:s17+$0xC270]  }
0x22e: {  	s0 =	sadd.s32 $0x1, s1;
	[tilespmem:s17+$0x230] =	vst v11;
	v8 =	vadd.f32 v12, v8;
	v10 =	vmul.f32 v10, v6;
	v11 =	vld [tilespmem:s28+$0x250]  }
0x22f: {  	v12 =	vmov s0;
	v14 =	vmul.f32 v14, v5;
	v16 =	vld [tilespmem:s28+$0xC250]  }
0x230: {  	[tilespmem:s17+$0x240] =	vst v8;
	v7 =	vadd.f32 v10, v7;
	v8 =	vmul.f32 v9, v6;
	v9 =	vld [tilespmem:s28+$0x260]  }
0x231: {  	v10 =	vmul.f32 v13, v5;
	v13 =	vld [tilespmem:s28+$0xC260]  }
0x232: {  	[tilespmem:s17+$0x250] =	vst v7;
	v7 =	vadd.f32 v8, v14;
	v8 =	vmul.f32 v15, v6;
	v14 =	vld [tilespmem:s28+$0x270]  }
0x233: {  	v11 =	vmul.f32 v11, v3;
	v15 =	vld [tilespmem:s28+$0xC270]  }
0x234: {  	s30 =	sadd.s32 $0x100, s30;
	s0 =	sshrl.u32 s1, $0x3;
	v17 =	vld.idx.msk [tilespmem:v12+s23+$0x0], $0xffff;
	[tilespmem:s17+$0x260] =	vst v7;
	v7 =	vadd.f32 v8, v10;
	v8 =	vmul.f32 v16, v4  }
0x235: {  	s29 =	sand.u32 $0x380, s30;
	s31 =	smul.u32 $0x1800, s0;
	s0 =	sadd.s32 $0xFFFFFF80, s30;
	v10 =	vld [tilespmem:s18+$0x230];
	v9 =	vmul.f32 v9, v3  }
0x236: {  	s0 =	sand.u32 $0x300, s0;
	v12 =	vld.idx.msk [tilespmem:v12+s24+$0x0], $0xffff;
	[tilespmem:s17+$0x270] =	vst v7;
	v7 =	vadd.f32 v8, v11;
	v8 =	vmul.f32 v13, v4  }
0x237: {  	s15 =	sor.u32 s0, s31;
	s14 =	sor.u32 s31, s29;
	v11 =	vld [tilespmem:s18+$0x200];
	v13 =	vmul.f32 v14, v3;
	v3 =	vmov v5  }
0x238: {  	v14 =	vld [tilespmem:s15+$0x200];
	[tilespmem:s28+$0x250] =	vst v7;
	v8 =	vadd.f32 v8, v9;
	v7 =	vmul.f32 v15, v4;
	v4 =	vmov v6  }
0x239: {  	v15 =	vld [tilespmem:s15+$0xC200]  }
0x23a: {  	v5 =	vmov v17;
	v16 =	vld [tilespmem:s15+$0x210];
	v9 =	vmul.f32 v10, v3;
	[tilespmem:s28+$0x260] =	vst v8;
	v7 =	vadd.f32 v7, v13  }
0x23b: {  	v13 =	vld [tilespmem:s15+$0xC210]  }
0x23c: {  	v6 =	vmov v12;
	v17 =	vld [tilespmem:s15+$0x220];
	v10 =	vmul.f32 v11, v3;
	[tilespmem:s28+$0x270] =	vst v7;
	s28 =	smov.u32 s18  }
0x23d: {  	v11 =	vld [tilespmem:s15+$0xC220]  }
0x23e: {  	v12 =	vld [tilespmem:s15+$0x230]  }
0x23f: {  	v18 =	vld [tilespmem:s15+$0xC230]  }
0x240: {  	v7 =	vmov s1;
	v19 =	vld [tilespmem:s15+$0x240]  }
0x241: {  	v7 =	vand.u32 $0xFFFFFFFE, v7;
	v20 =	vld [tilespmem:s15+$0xC240]  }
0x242: {  	v7 =	vbroadcast v7, $0x0;
	v21 =	vld [tilespmem:s15+$0x250]  }
0x243: {  	v22 =	vld [tilespmem:s15+$0xC250]  }
0x244: {  	v23 =	vld [tilespmem:s15+$0x260]  }
0x245: {  	v24 =	vld [tilespmem:s15+$0xC260]  }
0x246: {  	v25 =	vld [tilespmem:s15+$0x270]  }
0x247: {  	v26 =	vld [tilespmem:s15+$0xC270]  }
0x248: {  	v8 =	vld.idx.msk [tilespmem:v7+s23+$0x0], $0xffff  }
0x249: {  	v7 =	vld.idx.msk [tilespmem:v7+s24+$0x0], $0xffff  }
0x24a: {  	v27 =	vld [tilespmem:s15+$0x600]  }
0x24b: {  	v28 =	vld [tilespmem:s15+$0xC600]  }
0x24c: {  	v29 =	vld [tilespmem:s15+$0x610]  }
0x24d: {  	v30 =	vld [tilespmem:s15+$0xC610]  }
0x24e: {  	v31 =	vld [tilespmem:s15+$0x620]  }
0x24f: {  	v14 =	vmul.f32 v14, v8;
	v15 =	vmul.f32 v15, v7;
	v32 =	vld [tilespmem:s15+$0xC620]  }
0x250: {  	v16 =	vmul.f32 v16, v8;
	v13 =	vmul.f32 v13, v7;
	v33 =	vld [tilespmem:s15+$0x630]  }
0x251: {  	v11 =	vmul.f32 v11, v7;
	v14 =	vadd.f32 v15, v14;
	v15 =	vmul.f32 v17, v8;
	v17 =	vld [tilespmem:s15+$0xC630]  }
0x252: {  	v12 =	vmul.f32 v12, v8;
	v13 =	vadd.f32 v13, v16;
	v16 =	vmul.f32 v18, v7;
	v18 =	vld [tilespmem:s15+$0x640]  }
0x253: {  	v11 =	vadd.f32 v11, v15;
	v15 =	vmul.f32 v20, v7;
	[tilespmem:s15+$0x200] =	vst v14;
	v14 =	vmul.f32 v19, v8;
	v19 =	vld [tilespmem:s15+$0xC640]  }
0x254: {  	v12 =	vadd.f32 v16, v12;
	v16 =	vmul.f32 v22, v7;
	[tilespmem:s15+$0x210] =	vst v13;
	v13 =	vmul.f32 v21, v8;
	v20 =	vld [tilespmem:s15+$0x650]  }
0x255: {  	[tilespmem:s15+$0x220] =	vst v11;
	v11 =	vadd.f32 v15, v14;
	v14 =	vmul.f32 v23, v8;
	v15 =	vmul.f32 v24, v7;
	v21 =	vld [tilespmem:s15+$0xC650]  }
0x256: {  	[tilespmem:s15+$0x230] =	vst v12;
	v12 =	vadd.f32 v16, v13;
	v13 =	vmul.f32 v25, v8;
	v16 =	vmul.f32 v26, v7;
	v22 =	vld [tilespmem:s15+$0x660]  }
0x257: {  	[tilespmem:s15+$0x240] =	vst v11;
	v11 =	vadd.f32 v15, v14;
	v14 =	vmul.f32 v27, v8;
	v15 =	vmul.f32 v28, v7;
	v23 =	vld [tilespmem:s15+$0xC660]  }
0x258: {  	[tilespmem:s15+$0x250] =	vst v12;
	v12 =	vadd.f32 v16, v13;
	v13 =	vmul.f32 v29, v8;
	v16 =	vmul.f32 v30, v7;
	v24 =	vld [tilespmem:s15+$0x670]  }
0x259: {  	[tilespmem:s15+$0x260] =	vst v11;
	v11 =	vadd.f32 v15, v14;
	v14 =	vmul.f32 v31, v8;
	v15 =	vmul.f32 v32, v7;
	v25 =	vld [tilespmem:s15+$0xC670]  }
0x25a: {  	[tilespmem:s15+$0x270] =	vst v12;
	v12 =	vadd.f32 v16, v13;
	v13 =	vmul.f32 v33, v8;
	v16 =	vmul.f32 v17, v7;
	v17 =	vld [tilespmem:s14+$0x200]  }
0x25b: {  	[tilespmem:s15+$0x600] =	vst v11;
	v11 =	vadd.f32 v15, v14;
	v14 =	vmul.f32 v18, v8;
	v15 =	vmul.f32 v19, v7;
	v18 =	vld [tilespmem:s14+$0xC200]  }
0x25c: {  	[tilespmem:s15+$0x610] =	vst v12;
	v12 =	vadd.f32 v16, v13;
	v13 =	vmul.f32 v20, v8;
	v16 =	vmul.f32 v21, v7;
	v19 =	vld [tilespmem:s14+$0x210]  }
0x25d: {  	[tilespmem:s15+$0x620] =	vst v11;
	v11 =	vadd.f32 v15, v14;
	v14 =	vmul.f32 v22, v8;
	v15 =	vmul.f32 v23, v7;
	v20 =	vld [tilespmem:s14+$0xC210]  }
0x25e: {  	[tilespmem:s15+$0x630] =	vst v12;
	v12 =	vadd.f32 v16, v13;
	v13 =	vmul.f32 v24, v8;
	v16 =	vmul.f32 v25, v7;
	v21 =	vld [tilespmem:s14+$0x220]  }
0x25f: {  	[tilespmem:s15+$0x640] =	vst v11;
	v11 =	vadd.f32 v15, v14;
	v14 =	vmul.f32 v17, v5;
	v15 =	vld [tilespmem:s14+$0xC220]  }
0x260: {  	s16 =	sadd.s32 $0x800, s31;
	[tilespmem:s15+$0x650] =	vst v12;
	v12 =	vadd.f32 v16, v13;
	v13 =	vmul.f32 v18, v6;
	v16 =	vld [tilespmem:s14+$0x230]  }
0x261: {  	s17 =	sor.u32 s0, s16;
	s16 =	sor.u32 s29, s16;
	[tilespmem:s15+$0x660] =	vst v11;
	v11 =	vmul.f32 v19, v5;
	v17 =	vld [tilespmem:s14+$0xC230]  }
0x262: {  	[tilespmem:s15+$0x670] =	vst v12;
	v12 =	vld [tilespmem:s17+$0x200];
	v13 =	vadd.f32 v13, v14;
	v14 =	vmul.f32 v20, v6  }
0x263: {  	v18 =	vld [tilespmem:s17+$0xC200];
	v19 =	vmul.f32 v21, v5  }
0x264: {  	v20 =	vld [tilespmem:s17+$0x210];
	[tilespmem:s14+$0x200] =	vst v13;
	v11 =	vadd.f32 v14, v11;
	v13 =	vmul.f32 v15, v6  }
0x265: {  	v14 =	vld [tilespmem:s17+$0xC210];
	v15 =	vmul.f32 v16, v5  }
0x266: {  	v16 =	vld [tilespmem:s17+$0x220];
	[tilespmem:s14+$0x210] =	vst v11;
	v11 =	vadd.f32 v13, v19;
	v13 =	vmul.f32 v17, v6  }
0x267: {  	v17 =	vld [tilespmem:s17+$0xC220]  }
0x268: {  	v19 =	vld [tilespmem:s17+$0x230];
	[tilespmem:s14+$0x220] =	vst v11;
	v11 =	vadd.f32 v13, v15  }
0x269: {  	v13 =	vld [tilespmem:s17+$0xC230]  }
0x26a: {  	v15 =	vld [tilespmem:s17+$0x240];
	[tilespmem:s14+$0x230] =	vst v11  }
0x26b: {  	v11 =	vld [tilespmem:s17+$0xC240]  }
0x26c: {  	v21 =	vld [tilespmem:s17+$0x250]  }
0x26d: {  	v22 =	vld [tilespmem:s17+$0xC250]  }
0x26e: {  	v23 =	vld [tilespmem:s17+$0x260]  }
0x26f: {  	v12 =	vmul.f32 v12, v8;
	v18 =	vmul.f32 v18, v7;
	v24 =	vld [tilespmem:s17+$0xC260]  }
0x270: {  	v20 =	vmul.f32 v20, v8;
	v14 =	vmul.f32 v14, v7;
	v25 =	vld [tilespmem:s17+$0x270]  }
0x271: {  	v12 =	vadd.f32 v18, v12;
	v16 =	vmul.f32 v16, v8;
	v17 =	vmul.f32 v17, v7;
	v18 =	vld [tilespmem:s17+$0xC270]  }
0x272: {  	v14 =	vadd.f32 v14, v20;
	v19 =	vmul.f32 v19, v8;
	v13 =	vmul.f32 v13, v7;
	v20 =	vld [tilespmem:s14+$0x240]  }
0x273: {  	v15 =	vmul.f32 v15, v8;
	v11 =	vmul.f32 v11, v7;
	[tilespmem:s17+$0x200] =	vst v12;
	v12 =	vadd.f32 v17, v16;
	v16 =	vld [tilespmem:s14+$0xC240]  }
0x274: {  	v13 =	vadd.f32 v13, v19;
	v17 =	vmul.f32 v22, v7;
	[tilespmem:s17+$0x210] =	vst v14;
	v14 =	vmul.f32 v21, v8;
	v19 =	vld [tilespmem:s14+$0x250]  }
0x275: {  	v11 =	vadd.f32 v11, v15;
	v15 =	vmul.f32 v23, v8;
	v21 =	vmul.f32 v24, v7;
	[tilespmem:s17+$0x220] =	vst v12;
	v22 =	vld [tilespmem:s14+$0xC250]  }
.Ltmp0:
0x276: {  	[tilespmem:s17+$0x230] =	vst v13;
	v14 =	vadd.f32 v17, v14;
	v17 =	vmul.f32 v25, v8;
	v18 =	vmul.f32 v18, v7;
	v12 =	vld [tilespmem:s14+$0x260];
	(pc) =	sbr.rel @p0 .LBB2_2-.Ltmp0, $4  }
0x277: {  	[tilespmem:s17+$0x240] =	vst v11;
	v11 =	vadd.f32 v21, v15;
	v20 =	vmul.f32 v20, v5;
	v13 =	vld [tilespmem:s14+$0xC260]  }
0x278: {  	s15 =	sadd.s32 $0xC00, s31;
	[tilespmem:s17+$0x250] =	vst v14;
	v17 =	vadd.f32 v18, v17;
	v18 =	vmul.f32 v16, v6;
	v14 =	vld [tilespmem:s14+$0x270]  }
0x279: {  	s18 =	sor.u32 s0, s15;
	s15 =	sor.u32 s29, s15;
	[tilespmem:s17+$0x260] =	vst v11;
	v16 =	vmul.f32 v19, v5;
	v15 =	vld [tilespmem:s14+$0xC270]  }
0x27a: {  	s1 =	sadd.s32 $0x2, s1;
	[tilespmem:s17+$0x270] =	vst v17;
	v11 =	vld [tilespmem:s18+$0x200];
	v17 =	vadd.f32 v18, v20;
	v18 =	vmul.f32 v22, v6  }
0x27b: {  	v19 =	vld [tilespmem:s18+$0xC200]  }
0x27c: {  	v20 =	vld [tilespmem:s18+$0x210]  }
0x27d: {  	v21 =	vld [tilespmem:s18+$0xC210]  }
0x27e: {  	v22 =	vld [tilespmem:s18+$0x220]  }
0x27f: {  	v23 =	vld [tilespmem:s18+$0xC220]  }
0x280: {  	v24 =	vld [tilespmem:s18+$0x230]  }
0x281: {  	v25 =	vld [tilespmem:s18+$0xC230]  }
0x282: {  	v26 =	vld [tilespmem:s18+$0x240]  }
0x283: {  	v27 =	vld [tilespmem:s18+$0xC240]  }
0x284: {  	v28 =	vld [tilespmem:s18+$0x250]  }
0x285: {  	v46 =	vld [tilespmem:s18+$0xC250]  }
0x286: {  	v47 =	vld [tilespmem:s18+$0x260]  }
0x287: {  	v49 =	vld [tilespmem:s18+$0xC260]  }
0x288: {  	v52 =	vld [tilespmem:s18+$0x270]  }
0x289: {  	v55 =	vld [tilespmem:s18+$0xC270]  }
0x28a: {  	v58 =	vld [tilespmem:s14+$0x600]  }
0x28b: {  	v62 =	vld [tilespmem:s14+$0xC600]  }
0x28c: {  	v12 =	vmul.f32 v12, v5;
	v32 =	vld [tilespmem:s14+$0x620];
	v13 =	vmul.f32 v13, v6  }
0x28d: {  	v34 =	vld [tilespmem:s14+$0xC620];
	v11 =	vmul.f32 v11, v8;
	v48 =	vmul.f32 v19, v7  }
0x28e: {  	v36 =	vld [tilespmem:s14+$0x630];
	v16 =	vadd.f32 v18, v16;
	v50 =	vmul.f32 v20, v8;
	v51 =	vmul.f32 v21, v7  }
0x28f: {  	v37 =	vld [tilespmem:s14+$0xC630];
	v12 =	vadd.f32 v13, v12;
	v53 =	vmul.f32 v22, v8;
	v54 =	vmul.f32 v23, v7  }
0x290: {  	v56 =	vmul.f32 v24, v8;
	v57 =	vmul.f32 v25, v7;
	v25 =	vld [tilespmem:s14+$0x610];
	v11 =	vadd.f32 v48, v11  }
0x291: {  	[tilespmem:s14+$0x260] =	vst v12;
	v60 =	vmul.f32 v26, v8;
	v24 =	vmul.f32 v28, v8;
	v28 =	vld [tilespmem:s14+$0xC610];
	v12 =	vadd.f32 v51, v50  }
0x292: {  	v61 =	vmul.f32 v27, v7;
	v27 =	vmul.f32 v49, v7;
	v49 =	vld [tilespmem:s14+$0x640];
	v59 =	vadd.f32 v54, v53;
	[tilespmem:s18+$0x200] =	vst v11  }
0x293: {  	v18 =	vmul.f32 v46, v7;
	v30 =	vmul.f32 v52, v8;
	v52 =	vld [tilespmem:s14+$0xC650];
	v63 =	vadd.f32 v57, v56;
	[tilespmem:s18+$0x210] =	vst v12  }
0x294: {  	v13 =	vmul.f32 v47, v8;
	v31 =	vmul.f32 v55, v7;
	v55 =	vld [tilespmem:s14+$0x670];
	v26 =	vadd.f32 v61, v60;
	[tilespmem:s18+$0x220] =	vst v59  }
0x295: {  	v29 =	vadd.f32 v18, v24;
	v50 =	vld [tilespmem:s14+$0xC640];
	[tilespmem:s18+$0x230] =	vst v63  }
0x296: {  	v33 =	vadd.f32 v27, v13;
	v51 =	vld [tilespmem:s14+$0x650];
	[tilespmem:s18+$0x240] =	vst v26  }
0x297: {  	v35 =	vadd.f32 v31, v30;
	v53 =	vld [tilespmem:s14+$0x660];
	[tilespmem:s18+$0x250] =	vst v29  }
0x298: {  	s1 =	sadd.s32 $0x1000, s31;
	v54 =	vld [tilespmem:s14+$0xC660];
	[tilespmem:s18+$0x260] =	vst v33  }
0x299: {  	s17 =	sor.u32 s0, s1;
	v56 =	vld [tilespmem:s14+$0xC670];
	[tilespmem:s18+$0x270] =	vst v35  }
0x29a: {  	v40 =	vld [tilespmem:s17+$0x200]  }
0x29b: {  	v42 =	vld [tilespmem:s17+$0xC200]  }
0x29c: {  	v44 =	vld [tilespmem:s17+$0x210]  }
0x29d: {  	v14 =	vmul.f32 v14, v5;
	v15 =	vmul.f32 v15, v6;
	v45 =	vld [tilespmem:s17+$0xC210]  }
0x29e: {  	v46 =	vld [tilespmem:s17+$0x220]  }
0x29f: {  	v14 =	vadd.f32 v15, v14;
	v47 =	vld [tilespmem:s17+$0xC220]  }
0x2a0: {  	v38 =	vmul.f32 v58, v5;
	v39 =	vmul.f32 v62, v6;
	v48 =	vld [tilespmem:s17+$0x240]  }
0x2a1: {  	[tilespmem:s14+$0x270] =	vst v14;
	v14 =	vmul.f32 v36, v5;
	v11 =	vmul.f32 v37, v6;
	v57 =	vld [tilespmem:s17+$0xC240]  }
0x2a2: {  	[tilespmem:s14+$0x240] =	vst v17;
	v43 =	vmul.f32 v32, v5;
	v13 =	vmul.f32 v34, v6;
	v12 =	vadd.f32 v39, v38;
	v31 =	vld [tilespmem:s17+$0x270]  }
0x2a3: {  	[tilespmem:s14+$0x250] =	vst v16;
	v41 =	vmul.f32 v25, v5;
	v15 =	vmul.f32 v28, v6;
	v32 =	vld [tilespmem:s17+$0xC270];
	v11 =	vadd.f32 v11, v14  }
0x2a4: {  	v13 =	vadd.f32 v13, v43;
	v58 =	vld [tilespmem:s17+$0x250];
	v22 =	vmul.f32 v52, v6;
	[tilespmem:s14+$0x600] =	vst v12;
	v21 =	vmul.f32 v51, v5  }
0x2a5: {  	v29 =	vld [tilespmem:s17+$0xC250];
	v15 =	vadd.f32 v15, v41;
	v16 =	vmul.f32 v50, v6;
	[tilespmem:s14+$0x630] =	vst v11;
	v11 =	vmul.f32 v49, v5  }
0x2a6: {  	v61 =	vld [tilespmem:s17+$0x260];
	[tilespmem:s14+$0x620] =	vst v13;
	v59 =	vmul.f32 v53, v5;
	v60 =	vmul.f32 v54, v6;
	v21 =	vadd.f32 v22, v21  }
0x2a7: {  	v62 =	vld [tilespmem:s17+$0xC260];
	v63 =	vmul.f32 v55, v5;
	v30 =	vmul.f32 v56, v6;
	[tilespmem:s14+$0x610] =	vst v15;
	v11 =	vadd.f32 v16, v11  }
0x2a8: {  	v36 =	vld [tilespmem:s17+$0xC230];
	v16 =	vadd.f32 v60, v59;
	v50 =	vmul.f32 v31, v8;
	v51 =	vmul.f32 v32, v7;
	[tilespmem:s14+$0x650] =	vst v21  }
0x2a9: {  	v14 =	vld [tilespmem:s17+$0x230];
	[tilespmem:s14+$0x640] =	vst v11;
	v11 =	vadd.f32 v30, v63  }
0x2aa: {  	[tilespmem:s14+$0x660] =	vst v16;
	v55 =	vadd.f32 v51, v50;
	v50 =	vld [tilespmem:s28+$0x210]  }
0x2ab: {  	v35 =	vld [tilespmem:s16+$0x230];
	[tilespmem:s14+$0x670] =	vst v11  }
0x2ac: {  	v38 =	vld [tilespmem:s16+$0x200]  }
0x2ad: {  	v41 =	vld [tilespmem:s16+$0xC200]  }
0x2ae: {  	v33 =	vmul.f32 v40, v8;
	v19 =	vmul.f32 v45, v7;
	v45 =	vld [tilespmem:s16+$0x210]  }
0x2af: {  	v34 =	vmul.f32 v42, v7;
	v13 =	vmul.f32 v48, v8;
	v48 =	vld [tilespmem:s16+$0xC210]  }
0x2b0: {  	v18 =	vmul.f32 v44, v8;
	v52 =	vld [tilespmem:s16+$0x220]  }
0x2b1: {  	v12 =	vmul.f32 v46, v8;
	v15 =	vmul.f32 v47, v7;
	v37 =	vadd.f32 v34, v33;
	v54 =	vld [tilespmem:s16+$0xC220]  }
0x2b2: {  	v40 =	vmul.f32 v57, v7;
	v43 =	vmul.f32 v58, v8;
	v39 =	vadd.f32 v19, v18;
	v58 =	vld [tilespmem:s16+$0xC230]  }
0x2b3: {  	v44 =	vmul.f32 v29, v7;
	v42 =	vadd.f32 v15, v12;
	[tilespmem:s17+$0x200] =	vst v37;
	v59 =	vld [tilespmem:s16+$0x240]  }
0x2b4: {  	v46 =	vmul.f32 v61, v8;
	v47 =	vmul.f32 v62, v7;
	v13 =	vadd.f32 v40, v13;
	[tilespmem:s17+$0x210] =	vst v39;
	v60 =	vld [tilespmem:s16+$0xC240]  }
0x2b5: {  	v49 =	vadd.f32 v44, v43;
	[tilespmem:s17+$0x220] =	vst v42;
	v63 =	vld [tilespmem:s16+$0x250]  }
0x2b6: {  	v23 =	vmul.f32 v36, v7;
	v14 =	vmul.f32 v14, v8;
	v53 =	vadd.f32 v47, v46;
	[tilespmem:s17+$0x240] =	vst v13;
	v28 =	vld [tilespmem:s16+$0xC250]  }
0x2b7: {  	[tilespmem:s17+$0x250] =	vst v49;
	v30 =	vld [tilespmem:s16+$0x260]  }
0x2b8: {  	v14 =	vadd.f32 v23, v14;
	[tilespmem:s17+$0x260] =	vst v53;
	v31 =	vld [tilespmem:s16+$0xC260]  }
0x2b9: {  	s18 =	sadd.s32 $0x1400, s31;
	[tilespmem:s17+$0x270] =	vst v55;
	v32 =	vld [tilespmem:s16+$0x270]  }
0x2ba: {  	s19 =	sor.u32 s0, s18;
	[tilespmem:s17+$0x230] =	vst v14;
	v33 =	vld [tilespmem:s16+$0xC270]  }
0x2bb: {  	v11 =	vld [tilespmem:s19+$0x270]  }
0x2bc: {  	v15 =	vld [tilespmem:s19+$0x210];
	v56 =	vmul.f32 v38, v5;
	v57 =	vmul.f32 v41, v6  }
0x2bd: {  	v61 =	vmul.f32 v45, v5;
	v29 =	vmul.f32 v52, v5;
	v52 =	vld [tilespmem:s28+$0xC210]  }
0x2be: {  	v62 =	vmul.f32 v48, v6;
	v17 =	vmul.f32 v54, v6;
	v54 =	vld [tilespmem:s28+$0x220]  }
0x2bf: {  	v20 =	vmul.f32 v35, v5;
	v16 =	vmul.f32 v58, v6;
	v58 =	vld [tilespmem:s28+$0x240];
	v12 =	vadd.f32 v57, v56  }
0x2c0: {  	v34 =	vmul.f32 v60, v6;
	v60 =	vld [tilespmem:s28+$0xC240];
	v13 =	vadd.f32 v62, v61  }
0x2c1: {  	v18 =	vmul.f32 v59, v5;
	v14 =	vadd.f32 v17, v29;
	v20 =	vadd.f32 v16, v20;
	v16 =	vld [tilespmem:s19+$0xC210];
	[tilespmem:s16+$0x200] =	vst v12  }
0x2c2: {  	v19 =	vmul.f32 v63, v5;
	v22 =	vmul.f32 v28, v6;
	v17 =	vld [tilespmem:s19+$0x220];
	[tilespmem:s16+$0x210] =	vst v13  }
0x2c3: {  	v21 =	vmul.f32 v30, v5;
	v35 =	vmul.f32 v31, v6;
	v25 =	vadd.f32 v34, v18;
	v18 =	vld [tilespmem:s19+$0xC220];
	[tilespmem:s16+$0x220] =	vst v14  }
0x2c4: {  	v37 =	vmul.f32 v32, v5;
	v38 =	vmul.f32 v33, v6;
	v36 =	vadd.f32 v22, v19;
	v19 =	vld [tilespmem:s19+$0x230];
	[tilespmem:s16+$0x230] =	vst v20  }
0x2c5: {  	v21 =	vadd.f32 v35, v21;
	v35 =	vld [tilespmem:s28+$0xC200];
	[tilespmem:s16+$0x240] =	vst v25  }
0x2c6: {  	v22 =	vadd.f32 v38, v37;
	v56 =	vld [tilespmem:s28+$0xC220];
	[tilespmem:s16+$0x250] =	vst v36  }
0x2c7: {  	v57 =	vld [tilespmem:s28+$0xC230];
	[tilespmem:s16+$0x260] =	vst v21  }
0x2c8: {  	v25 =	vld [tilespmem:s15+$0x230];
	[tilespmem:s16+$0x270] =	vst v22  }
0x2c9: {  	v22 =	vld [tilespmem:s15+$0x200]  }
0x2ca: {  	v39 =	vld [tilespmem:s15+$0xC200]  }
0x2cb: {  	v40 =	vld [tilespmem:s15+$0x210]  }
0x2cc: {  	v41 =	vld [tilespmem:s15+$0xC210]  }
0x2cd: {  	v42 =	vld [tilespmem:s15+$0x220]  }
0x2ce: {  	v43 =	vld [tilespmem:s15+$0xC220]  }
0x2cf: {  	v44 =	vld [tilespmem:s15+$0xC230]  }
0x2d0: {  	v30 =	vld [tilespmem:s15+$0x240]  }
0x2d1: {  	v31 =	vld [tilespmem:s15+$0xC240]  }
0x2d2: {  	v32 =	vld [tilespmem:s15+$0x250]  }
0x2d3: {  	v45 =	vld [tilespmem:s15+$0xC250]  }
0x2d4: {  	v33 =	vld [tilespmem:s15+$0x260]  }
0x2d5: {  	v46 =	vld [tilespmem:s15+$0xC260];
	v22 =	vmul.f32 v22, v5;
	v23 =	vmul.f32 v39, v6  }
0x2d6: {  	v34 =	vld [tilespmem:s15+$0x270];
	v24 =	vmul.f32 v40, v5;
	v26 =	vmul.f32 v41, v6  }
0x2d7: {  	v48 =	vld [tilespmem:s15+$0xC270];
	v27 =	vmul.f32 v42, v5;
	v28 =	vmul.f32 v43, v6;
	v23 =	vadd.f32 v23, v22  }
0x2d8: {  	v12 =	vld [tilespmem:s19+$0xC270];
	v25 =	vmul.f32 v25, v5;
	v47 =	vmul.f32 v44, v6;
	v24 =	vadd.f32 v26, v24  }
0x2d9: {  	v13 =	vld [tilespmem:s19+$0x200];
	v30 =	vmul.f32 v30, v5;
	v31 =	vmul.f32 v31, v6;
	v27 =	vadd.f32 v28, v27;
	[tilespmem:s15+$0x200] =	vst v23  }
0x2da: {  	v14 =	vld [tilespmem:s19+$0xC200];
	v49 =	vmul.f32 v32, v5;
	v25 =	vadd.f32 v47, v25;
	v26 =	vmul.f32 v45, v6;
	[tilespmem:s15+$0x210] =	vst v24  }
0x2db: {  	v20 =	vld [tilespmem:s19+$0xC230];
	v51 =	vmul.f32 v33, v5;
	v30 =	vadd.f32 v31, v30;
	v28 =	vmul.f32 v46, v6;
	[tilespmem:s15+$0x220] =	vst v27  }
0x2dc: {  	v21 =	vld [tilespmem:s19+$0x240];
	v55 =	vmul.f32 v34, v5;
	v29 =	vmul.f32 v48, v6;
	[tilespmem:s15+$0x230] =	vst v25;
	v53 =	vadd.f32 v26, v49  }
0x2dd: {  	v22 =	vld [tilespmem:s19+$0xC240];
	[tilespmem:s15+$0x240] =	vst v30;
	v28 =	vadd.f32 v28, v51  }
0x2de: {  	v23 =	vld [tilespmem:s19+$0x250];
	v27 =	vadd.f32 v29, v55;
	[tilespmem:s15+$0x250] =	vst v53  }
0x2df: {  	s30 =	sor.u32 s29, s1;
	v24 =	vld [tilespmem:s19+$0xC250];
	[tilespmem:s15+$0x260] =	vst v28  }
0x2e0: {  	v59 =	vld [tilespmem:s30+$0x230];
	[tilespmem:s15+$0x270] =	vst v27  }
0x2e1: {  	v61 =	vld [tilespmem:s30+$0x200]  }
0x2e2: {  	v62 =	vld [tilespmem:s30+$0xC200]  }
0x2e3: {  	v36 =	vld [tilespmem:s30+$0x210]  }
0x2e4: {  	v37 =	vld [tilespmem:s30+$0xC210]  }
0x2e5: {  	v38 =	vld [tilespmem:s30+$0x220]  }
0x2e6: {  	v39 =	vld [tilespmem:s30+$0xC220]  }
0x2e7: {  	v40 =	vld [tilespmem:s30+$0xC230]  }
0x2e8: {  	v35 =	vmul.f32 v35, v4;
	v41 =	vld [tilespmem:s30+$0x240]  }
0x2e9: {  	v32 =	vmul.f32 v50, v3;
	v33 =	vmul.f32 v52, v4;
	v63 =	vld [tilespmem:s30+$0xC240]  }
0x2ea: {  	v44 =	vmul.f32 v58, v3;
	v26 =	vmul.f32 v54, v3;
	v42 =	vld [tilespmem:s30+$0x250]  }
0x2eb: {  	v10 =	vadd.f32 v35, v10;
	v30 =	vmul.f32 v56, v4;
	v25 =	vmul.f32 v57, v4;
	v45 =	vld [tilespmem:s30+$0xC250]  }
0x2ec: {  	v32 =	vadd.f32 v33, v32;
	v27 =	vmul.f32 v60, v4;
	v48 =	vld [tilespmem:s30+$0x260];
	v57 =	vmul.f32 v59, v5  }
0x2ed: {  	v43 =	vadd.f32 v30, v26;
	v52 =	vld [tilespmem:s30+$0xC260];
	v46 =	vmul.f32 v61, v5;
	v47 =	vmul.f32 v62, v6  }
0x2ee: {  	v9 =	vadd.f32 v25, v9;
	v56 =	vld [tilespmem:s30+$0x270];
	v50 =	vmul.f32 v36, v5;
	v51 =	vmul.f32 v37, v6  }
0x2ef: {  	[tilespmem:s28+$0x200] =	vst v10;
	v59 =	vld [tilespmem:s30+$0xC270];
	v54 =	vmul.f32 v38, v5;
	v55 =	vmul.f32 v39, v6;
	v53 =	vadd.f32 v47, v46  }
0x2f0: {  	[tilespmem:s28+$0x210] =	vst v32;
	v25 =	vld [tilespmem:s19+$0x260];
	v49 =	vadd.f32 v27, v44;
	v58 =	vmul.f32 v40, v6;
	v26 =	vadd.f32 v51, v50  }
0x2f1: {  	v61 =	vmul.f32 v41, v5;
	v35 =	vmul.f32 v63, v6;
	v36 =	vld [tilespmem:s28+$0x250];
	v60 =	vadd.f32 v55, v54;
	[tilespmem:s30+$0x200] =	vst v53  }
0x2f2: {  	v62 =	vmul.f32 v42, v5;
	v28 =	vmul.f32 v45, v6;
	v37 =	vld [tilespmem:s28+$0xC250];
	v10 =	vadd.f32 v58, v57;
	[tilespmem:s30+$0x210] =	vst v26  }
0x2f3: {  	v31 =	vmul.f32 v48, v5;
	v32 =	vmul.f32 v52, v6;
	v38 =	vld [tilespmem:s28+$0x260];
	v63 =	vadd.f32 v35, v61;
	[tilespmem:s30+$0x220] =	vst v60  }
0x2f4: {  	v39 =	vmul.f32 v56, v5;
	v40 =	vld [tilespmem:s28+$0xC260];
	v27 =	vadd.f32 v28, v62;
	[tilespmem:s30+$0x230] =	vst v10;
	v29 =	vmul.f32 v59, v6  }
0x2f5: {  	v41 =	vld [tilespmem:s28+$0x270];
	v31 =	vadd.f32 v32, v31;
	[tilespmem:s30+$0x240] =	vst v63  }
0x2f6: {  	v42 =	vld [tilespmem:s28+$0xC270];
	[tilespmem:s30+$0x250] =	vst v27;
	v28 =	vadd.f32 v29, v39  }
0x2f7: {  	s31 =	sor.u32 s29, s18;
	v26 =	vld [tilespmem:s19+$0xC260];
	[tilespmem:s30+$0x260] =	vst v31  }
0x2f8: {  	v29 =	vld [tilespmem:s31+$0x230];
	[tilespmem:s30+$0x270] =	vst v28  }
0x2f9: {  	v11 =	vmul.f32 v11, v8;
	v12 =	vmul.f32 v12, v7;
	v28 =	vld [tilespmem:s31+$0x200]  }
0x2fa: {  	v13 =	vmul.f32 v13, v8;
	v14 =	vmul.f32 v14, v7;
	[tilespmem:s28+$0x220] =	vst v43;
	v43 =	vld [tilespmem:s31+$0xC200]  }
0x2fb: {  	v11 =	vadd.f32 v12, v11;
	v44 =	vld [tilespmem:s31+$0x210]  }
0x2fc: {  	v13 =	vadd.f32 v14, v13;
	[tilespmem:s28+$0x240] =	vst v49;
	v49 =	vmul.f32 v18, v7;
	v48 =	vmul.f32 v17, v8;
	v47 =	vld [tilespmem:s31+$0xC210]  }
0x2fd: {  	[tilespmem:s19+$0x270] =	vst v11;
	v45 =	vmul.f32 v15, v8;
	v46 =	vmul.f32 v16, v7;
	v50 =	vld [tilespmem:s31+$0x220]  }
0x2fe: {  	[tilespmem:s19+$0x200] =	vst v13;
	v56 =	vmul.f32 v21, v8;
	v55 =	vadd.f32 v49, v48;
	v57 =	vmul.f32 v22, v7;
	v54 =	vld [tilespmem:s31+$0xC220]  }
0x2ff: {  	[tilespmem:s28+$0x230] =	vst v9;
	v52 =	vmul.f32 v19, v8;
	v51 =	vadd.f32 v46, v45;
	v53 =	vmul.f32 v20, v7;
	v58 =	vld [tilespmem:s31+$0xC230]  }
0x300: {  	v61 =	vmul.f32 v24, v7;
	v60 =	vmul.f32 v23, v8;
	[tilespmem:s19+$0x220] =	vst v55;
	v63 =	vadd.f32 v57, v56;
	v62 =	vld [tilespmem:s31+$0x240]  }
0x301: {  	v22 =	vmul.f32 v25, v8;
	[tilespmem:s19+$0x210] =	vst v51;
	v59 =	vadd.f32 v53, v52;
	v23 =	vmul.f32 v26, v7;
	v24 =	vld [tilespmem:s31+$0xC240]  }
0x302: {  	v10 =	vmul.f32 v37, v4;
	v25 =	vadd.f32 v61, v60;
	[tilespmem:s19+$0x240] =	vst v63;
	v26 =	vmul.f32 v36, v3;
	v30 =	vld [tilespmem:s31+$0x250]  }
0x303: {  	v35 =	vmul.f32 v38, v3;
	[tilespmem:s19+$0x230] =	vst v59;
	v36 =	vmul.f32 v40, v4;
	v37 =	vld [tilespmem:s31+$0xC250];
	v7 =	vadd.f32 v23, v22  }
0x304: {  	v38 =	vmul.f32 v42, v4;
	[tilespmem:s19+$0x250] =	vst v25;
	v3 =	vmul.f32 v41, v3;
	v39 =	vld [tilespmem:s31+$0x260];
	v10 =	vadd.f32 v10, v26  }
0x305: {  	v46 =	vld [tilespmem:s31+$0x270];
	v40 =	vadd.f32 v36, v35;
	[tilespmem:s19+$0x260] =	vst v7;
	v41 =	vmul.f32 v28, v5;
	v42 =	vmul.f32 v43, v6  }
0x306: {  	v3 =	vadd.f32 v38, v3;
	[tilespmem:s28+$0x250] =	vst v10;
	v43 =	vld [tilespmem:s31+$0xC260];
	v44 =	vmul.f32 v44, v5;
	v45 =	vmul.f32 v47, v6  }
0x307: {  	[tilespmem:s28+$0x260] =	vst v40;
	v48 =	vmul.f32 v50, v5;
	v49 =	vmul.f32 v54, v6;
	v50 =	vld [tilespmem:s31+$0xC270];
	v47 =	vadd.f32 v42, v41  }
0x308: {  	v51 =	vmul.f32 v29, v5;
	[tilespmem:s28+$0x270] =	vst v3;
	v52 =	vmul.f32 v58, v6;
	v3 =	vadd.f32 v45, v44  }
0x309: {  	v54 =	vmul.f32 v62, v5;
	v55 =	vmul.f32 v24, v6;
	v53 =	vadd.f32 v49, v48;
	[tilespmem:s31+$0x200] =	vst v47  }
0x30a: {  	v56 =	vmul.f32 v30, v5;
	v57 =	vmul.f32 v37, v6;
	[tilespmem:s31+$0x210] =	vst v3;
	v3 =	vadd.f32 v52, v51  }
0x30b: {  	v59 =	vmul.f32 v39, v5;
	v58 =	vadd.f32 v55, v54;
	[tilespmem:s31+$0x220] =	vst v53;
	v60 =	vmul.f32 v43, v6  }
0x30c: {  	v61 =	vmul.f32 v46, v5;
	v62 =	vmul.f32 v50, v6;
	[tilespmem:s31+$0x230] =	vst v3;
	v3 =	vadd.f32 v57, v56  }
0x30d: {  	[tilespmem:s31+$0x240] =	vst v58;
	v63 =	vadd.f32 v60, v59  }
0x30e: {  	s26 =	sadd.s32 $0x1, s26;
	[tilespmem:s31+$0x250] =	vst v3;
	v3 =	vadd.f32 v62, v61  }
0x30f: {  	p0 =	sne.s32 s26, s11;
	[tilespmem:s31+$0x260] =	vst v63  }
.Ltmp1:
0x310: {  	[tilespmem:s31+$0x270] =	vst v3;
	(pc) =	sbr.rel @p0 .LBB2_1-.Ltmp1, $4  }
0x311: {  	[hbm4b:s10+s2] =	stream.linear.scatter [tilespmem:s13], [sflag:$0x2], $0xC000, $0x38;
	[tilespmem:$0x18200] =	vst v63  }
0x312: {  	_ =	swait.ge [sflag:s12], $0xC000  }
0x313: {  	[sflag:s12] =	ssyncset.done $0x0  }
0x314: {  	[sflag:s12] =	ssyncadd.s32 $0xFFFF4000  }
0x315: {  	_ =	sfence.sel $0x180000  }
0x316: {  	[bflag:$0x0] =	sbarrier.arrive $0xFFFF  }
0x317: {  	_ =	strace $0x9000004A  }
0x318: {  	s0 =	stileid.u32;
	[bflag:$0x2] =	sbarrier.arrive $0xFFFF  }
0x319: {  	p0 =	sne.s32 s0, $0x0;
	s0 =	rddreg [dreg:$0x2]  }
0x31a: {  	s0 =	sadd.s32 @!p0 $0x100000, s0  }
0x31b: {  	[sflag:s0] =	ssyncadd.tile.s32 @!p0 $0x1;
	_ =	shalt  }
.Lfunc_end2:
_tile_overlayer_lowered:
.L_overlay_start_2:
0x31c: {  	(tag) =	ssettag $0x2  }
0x31d: {  	s0 =	rddreg [dreg:$0x0];
	s2 =	stileid.u32  }
0x31e: {  	s1 =	rddreg [dreg:$0x1];
	p0 =	sne.s32 s2, $0x0  }
0x31f: {  	s3 =	rddreg [dreg:$0x2];
	[bflag:$0x3] =	sbarrier.arrive $0xFFFF;
	s2 =	simm.s32 @!p0 $0x1C02  }
0x320: {  	[timem:s3], [sflag:s2] =	dma.local @!p0 [hbm:s0], s1  }
0x321: {  	s0 =	simm.s32 @!p0 $0x2  }
0x322: {  	_ =	swait.ge @!p0 [sflag:s0], s1  }
0x323: {  	s1 =	ssub.s32 @!p0 $0x0, s1;
	[sflag:s0] =	ssyncset.done @!p0 $0x0  }
0x324: {  	[sflag:s0] =	ssyncadd.s32 @!p0 s1  }
0x325: {  	[bflag:$0x3] =	sbarrier.arrive $0xFFFF  }
0x326: {  	_ =	shalt  }

</sc_bundles>
